<compile_context>
chip_gen: v7x
topology: tpu7x:2x2x1
jax: 0.10.2.dev20260603
libtpu: 0.0.44.dev20260713+nightly
codegen_flags: <defaults>
</compile_context>

<pallas_src>
import functools

import jax
import jax.numpy as jnp
from jax import lax
from jax.experimental import pallas as pl
from jax.experimental.pallas import tpu as pltpu
from jax.experimental.pallas import tpu_sc as plsc

RING_LO = 4
RING_HI = 103
NSLOT = 112
B, S, E, H = 16, 2048, 256, 64
SCALE = H ** -0.5
LANES = 16
HALF = S // 2
TPL = HALF // LANES
GROWS = NSLOT // 2


def _sc_body(x2_hbm, seq_hbm, xg_hbm, valid_hbm,
             seq_v, selp_v, sel_v, prt_v, sel_abs_v, validf_v, rows_v,
             shared_sel, sem):
    c = lax.axis_index("c")
    s = lax.axis_index("s")
    b = c * 8 + s // 2
    h = s % 2
    lane = lax.iota(jnp.int32, LANES)

    pltpu.sync_copy(seq_hbm.at[b], seq_v)

    for i in range(NSLOT):
        selp_v[pl.ds(i * LANES, LANES)] = jnp.full((LANES,), -1, jnp.int32)

    off = h * HALF

    def step(t, carry):
        v = seq_v[pl.ds(off + t * LANES, LANES)]
        pos = off + t * LANES + lane
        ok = (v >= RING_LO) & (v <= RING_HI)
        slot = jnp.where(ok, v - RING_LO, 0)
        tgt = lane * NSLOT + slot
        plsc.store_scatter(selp_v, [tgt], pos, mask=ok)
        return carry

    lax.fori_loop(0, TPL, step, 0, unroll=8)

    for jc in range(NSLOT // LANES):
        acc = jnp.full((LANES,), -1, jnp.int32)
        for l in range(LANES):
            acc = jnp.maximum(acc, selp_v[pl.ds(l * NSLOT + jc * LANES, LANES)])
        sel_v[pl.ds(jc * LANES, LANES)] = acc

    pltpu.sync_copy(sel_v, shared_sel.at[s, pl.ds(0, NSLOT)])
    plsc.subcore_barrier()
    pltpu.sync_copy(shared_sel.at[s + 1 - 2 * h, pl.ds(0, NSLOT)], prt_v)

    base = b * S
    for jc in range(NSLOT // LANES):
        acc = jnp.maximum(sel_v[pl.ds(jc * LANES, LANES)],
                          prt_v[pl.ds(jc * LANES, LANES)])
        validf_v[pl.ds(jc * LANES, LANES)] = (acc >= 0).astype(jnp.float32)
        sel_abs_v[pl.ds(jc * LANES, LANES)] = jnp.maximum(acc, 0) + base

    pltpu.async_copy(x2_hbm.at[sel_abs_v.at[pl.ds(h * GROWS, GROWS)]],
                     rows_v, sem).wait()
    pltpu.sync_copy(rows_v, xg_hbm.at[pl.ds(b * NSLOT + h * GROWS, GROWS)])

    @pl.when(h == 0)
    def _():
        pltpu.sync_copy(validf_v, valid_hbm.at[b])


def _sc_select_gather(x2, seq):
    mesh = plsc.VectorSubcoreMesh(core_axis_name="c", subcore_axis_name="s")
    k = functools.partial(
        pl.kernel,
        mesh=mesh,
        compiler_params=pltpu.CompilerParams(needs_layout_passes=False),
        out_type=[
            jax.ShapeDtypeStruct((B * NSLOT, E), jnp.float32),
            jax.ShapeDtypeStruct((B, NSLOT), jnp.float32),
        ],
        scratch_types=[
            pltpu.VMEM((S,), jnp.int32),
            pltpu.VMEM((LANES * NSLOT,), jnp.int32),
            pltpu.VMEM((NSLOT,), jnp.int32),
            pltpu.VMEM((NSLOT,), jnp.int32),
            pltpu.VMEM((NSLOT,), jnp.int32),
            pltpu.VMEM((NSLOT,), jnp.float32),
            pltpu.VMEM((GROWS, E), jnp.float32),
            pltpu.VMEM_SHARED((LANES, 128), jnp.int32),
            pltpu.SemaphoreType.DMA,
        ],
    )(_sc_body)
    xg2, valid = k(x2, seq)
    return xg2.reshape(B, NSLOT, E), valid


ST = 512
NT = S // ST


def _tc_body(x_ref, xg_ref, valid_ref, w0t_ref, b0_ref, w1t_ref, b1_ref, out_ref):
    xg2 = xg_ref[...].reshape(B * NSLOT, E)
    g = lax.dot_general(xg2, w1t_ref[...], (((1,), (1,)), ((), ())),
                        preferred_element_type=jnp.float32)
    g = (g + b1_ref[...]).reshape(B, NSLOT, H)
    vt = jnp.transpose(valid_ref[...])

    x2 = x_ref[...].reshape(B * ST, E)
    out0 = lax.dot_general(x2, w0t_ref[...], (((1,), (1,)), ((), ())),
                           preferred_element_type=jnp.float32)
    out0 = out0 + b0_ref[...]

    for b in range(B):
        gb = g[b] * vt[:, b:b + 1]
        o0 = out0[b * ST:(b + 1) * ST, :]
        lt = lax.dot_general(
            gb, o0, (((1,), (1,)), ((), ())),
            preferred_element_type=jnp.float32)
        out_ref[:, b, :] = SCALE * lt[:100, :]


def kernel(x, sequences, W0, b0, W1, b1):
    x2 = x.reshape(B * S, E)
    xg, valid = _sc_select_gather(x2, sequences)
    b0r = b0.reshape(1, H)
    b1r = b1.reshape(1, H)
    outT = pl.pallas_call(
        _tc_body,
        grid=(NT,),
        in_specs=[
            pl.BlockSpec((B, ST, E), lambda t: (0, t, 0)),
            pl.BlockSpec((B, NSLOT, E), lambda t: (0, 0, 0)),
            pl.BlockSpec((B, NSLOT), lambda t: (0, 0)),
            pl.BlockSpec((H, E), lambda t: (0, 0)),
            pl.BlockSpec((1, H), lambda t: (0, 0)),
            pl.BlockSpec((H, E), lambda t: (0, 0)),
            pl.BlockSpec((1, H), lambda t: (0, 0)),
        ],
        out_specs=pl.BlockSpec((100, B, ST), lambda t: (0, 0, t)),
        out_shape=jax.ShapeDtypeStruct((100, B, S), jnp.float32),
    )(x, xg, valid, W0.T, b0r, W1.T, b1r)
    return jnp.transpose(outT, (1, 2, 0))

# --- scband reference (transcript-rebuilt; emitter-appended) ---
"""Pipeline reference for scband-edge-logit-layer-26053271617951 (READ-ONLY COPY).

The authoritative reference and input builder live on the scoring server;
editing this copy changes nothing except your own understanding.
"""

import jax, jax.numpy as jnp
import numpy as np

RING_ID_START = 4
RING_ID_END = 104

B, S, E, H = 16, 2048, 256, 64


def setup_inputs(seed: int = 0) -> dict:
    key = jax.random.key(seed)
    k1, k2, k3, k4, k5, k6 = jax.random.split(key, 6)
    x = jax.random.normal(k1, (B, S, E), dtype=jnp.float32)
    sequences = jax.random.randint(k2, (B, S), 0, 120, dtype=jnp.int32)
    # Linear params stored as [in, out] so forward is x @ W + b
    W0 = jax.random.normal(k3, (E, H), dtype=jnp.float32) * (E ** -0.5)
    b0 = jax.random.normal(k4, (H,), dtype=jnp.float32) * 0.01
    W1 = jax.random.normal(k5, (E, H), dtype=jnp.float32) * (E ** -0.5)
    b1 = jax.random.normal(k6, (H,), dtype=jnp.float32) * 0.01
    return {"x": x, "sequences": sequences, "W0": W0, "b0": b0, "W1": W1, "b1": b1}


def reference(x, sequences, W0, b0, W1, b1):
    batch_size, seq_len, _ = x.shape
    hidden_dim = W0.shape[1]
    scale = hidden_dim ** (-0.5)
    out0 = x @ W0 + b0  # [B, S, H]
    out1_ = x @ W1 + b1  # [B, S, H]
    # mask out-of-range ring ids to the sentinel slot (RING_ID_START - 1)
    mask = (sequences < RING_ID_START) | (sequences > RING_ID_END - 1)
    index_ = jnp.where(mask, RING_ID_START - 1, sequences)
    index_ = index_ - RING_ID_START + 1  # in [0, R], 0 = sentinel slot
    R = RING_ID_END - RING_ID_START + 1
    out1 = jnp.zeros((batch_size, R, hidden_dim), dtype=out1_.dtype)
    # scatter-overwrite along dim=1 (duplicates resolve arbitrarily, same as torch scatter_)
    out1 = out1.at[jnp.arange(batch_size)[:, None], index_].set(out1_)
    out1 = out1[:, 1:]  # drop sentinel slot -> [B, R-1, H]
    out1 = jnp.transpose(out1, (0, 2, 1))  # [B, H, R-1]
    logits = scale * jnp.einsum('bsh,bhr->bsr', out0, out1)
    return logits

if __name__ == "__main__":
    import jax
    _d = setup_inputs()
    print(jax.jit(kernel)(*tuple(_d.values())))

</pallas_src>

<mosaic_0001>
#map = affine_map<(d0, d1) -> (0, 0)>
module attributes {stable_mosaic.version = 14 : i64} {
  func.func @_sc_body(%arg0: i32, %arg1: i32, %arg2: memref<32768x256xf32, #tpu.memory_space<hbm>>, %arg3: memref<16x2048xi32, #tpu.memory_space<hbm>>, %arg4: memref<1792x256xf32, #tpu.memory_space<hbm>>, %arg5: memref<16x112xf32, #tpu.memory_space<hbm>>, %arg6: memref<2048xi32, #tpu.memory_space<vmem>>, %arg7: memref<1792xi32, #tpu.memory_space<vmem>>, %arg8: memref<112xi32, #tpu.memory_space<vmem>>, %arg9: memref<112xi32, #tpu.memory_space<vmem>>, %arg10: memref<112xi32, #tpu.memory_space<vmem>>, %arg11: memref<112xf32, #tpu.memory_space<vmem>>, %arg12: memref<56x256xf32, #tpu.memory_space<vmem>>, %arg13: memref<16x128xi32, #tpu.memory_space<vmem_shared>>, %arg14: memref<!tpu.dma_semaphore, #tpu.memory_space<semaphore_mem>>) attributes {dimension_semantics = [#tpu.dimension_semantics<core_parallel>, #tpu.dimension_semantics<subcore_parallel>], iteration_bounds = array<i64: 2, 16>, scalar_prefetch = 0 : i64, scratch_operands = 9 : i64, tpu.core_type = #tpu.core_type<sc_vector_subcore>, window_params = [{transform_indices = #map}, {transform_indices = #map}, {transform_indices = #map}, {transform_indices = #map}]} {
    %mul3A = arith.constant 8 : i32
    %mul3A_0 = arith.muli %arg0, %mul3A : i32
    %jit3A = arith.constant 2 : i32
    %div3A = arith.divsi %arg1, %jit3A : i32
    %sign3A = arith.constant 0 : i32
    %sign3A_1 = arith.cmpi sgt, %arg1, %sign3A : i32
    %sign3A_2 = arith.extui %sign3A_1 : i1 to i32
    %sign3A_3 = arith.constant 0 : i32
    %sign3A_4 = arith.cmpi slt, %arg1, %sign3A_3 : i32
    %sign3A_5 = arith.extui %sign3A_4 : i1 to i32
    %sign3A_6 = arith.subi %sign3A_2, %sign3A_5 : i32
    %sign3A_7 = arith.constant 0 : i32
    %sign3A_8 = arith.cmpi sgt, %jit3A, %sign3A_7 : i32
    %sign3A_9 = arith.extui %sign3A_8 : i1 to i32
    %sign3A_10 = arith.constant 0 : i32
    %sign3A_11 = arith.cmpi slt, %jit3A, %sign3A_10 : i32
    %sign3A_12 = arith.extui %sign3A_11 : i1 to i32
    %sign3A_13 = arith.subi %sign3A_9, %sign3A_12 : i32
    %ne3A = arith.cmpi ne, %sign3A_6, %sign3A_13 : i32
    %rem3A = arith.remsi %arg1, %jit3A : i32
    %ne3A_14 = arith.constant 0 : i32
    %ne3A_15 = arith.cmpi ne, %rem3A, %ne3A_14 : i32
    %and3A = arith.andi %ne3A, %ne3A_15 : i1
    %sub3A = arith.constant 1 : i32
    %sub3A_16 = arith.subi %div3A, %sub3A : i32
    %select_n3A = arith.select %and3A, %sub3A_16, %div3A : i32
    %add3A = arith.addi %mul3A_0, %select_n3A : i32
    %jit3A_17 = arith.constant 2 : i32
    %eq3A = arith.constant 0 : i32
    %eq3A_18 = arith.cmpi eq, %jit3A_17, %eq3A : i32
    %jit3A_19 = arith.constant 1 : i32
    %select_n3A_20 = arith.select %eq3A_18, %jit3A_19, %jit3A_17 : i32
    %rem3A_21 = arith.remsi %arg1, %select_n3A_20 : i32
    %ne3A_22 = arith.constant 0 : i32
    %ne3A_23 = arith.cmpi ne, %rem3A_21, %ne3A_22 : i32
    %lt3A = arith.constant 0 : i32
    %lt3A_24 = arith.cmpi slt, %rem3A_21, %lt3A : i32
    %lt3A_25 = arith.constant 0 : i32
    %lt3A_26 = arith.cmpi slt, %select_n3A_20, %lt3A_25 : i32
    %ne3A_27 = arith.xori %lt3A_24, %lt3A_26 : i1
    %and3A_28 = arith.andi %ne3A_27, %ne3A_23 : i1
    %add3A_29 = arith.addi %rem3A_21, %select_n3A_20 : i32
    %select_n3A_30 = arith.select %and3A_28, %add3A_29, %rem3A_21 : i32
    %iota3A = tpu.iota {dimensions = array<i32: 0>} : vector<16xi32>
    "tpu.region"() ({
      %run_scoped3A = tpu.sem_alloc : memref<!tpu.dma_semaphore, #tpu.memory_space<semaphore_mem>>
      %dma_start3A_1001 = arith.constant 0 : i32
      %dma_start3A_1002 = tpu.memref_slice %arg3[%add3A, %dma_start3A_1001] : memref<16x2048xi32, #tpu.memory_space<hbm>> -> memref<1x2048xi32, #tpu.memory_space<hbm>>
      %dma_start3A_1003 = tpu.memref_squeeze %dma_start3A_1002 : memref<1x2048xi32, #tpu.memory_space<hbm>> -> memref<2048xi32, #tpu.memory_space<hbm>>
      %dma_start3A_1004 = arith.constant 0 : i32
      %dma_start3A_1005 = tpu.memref_slice %arg3[%add3A, %dma_start3A_1004] : memref<16x2048xi32, #tpu.memory_space<hbm>> -> memref<1x2048xi32, #tpu.memory_space<hbm>>
      %dma_start3A_1006 = tpu.memref_squeeze %dma_start3A_1005 : memref<1x2048xi32, #tpu.memory_space<hbm>> -> memref<2048xi32, #tpu.memory_space<hbm>>
      tpu.enqueue_dma source(%dma_start3A_1006 : memref<2048xi32, #tpu.memory_space<hbm>>) target(%arg6 : memref<2048xi32, #tpu.memory_space<vmem>>) target_semaphore(%run_scoped3A : memref<!tpu.dma_semaphore, #tpu.memory_space<semaphore_mem>>)
      %dma_wait3A_1007 = arith.constant 0 : i32
      %dma_wait3A_1008 = tpu.memref_slice %arg3[%add3A, %dma_wait3A_1007] : memref<16x2048xi32, #tpu.memory_space<hbm>> -> memref<1x2048xi32, #tpu.memory_space<hbm>>
      %dma_wait3A_1009 = tpu.memref_squeeze %dma_wait3A_1008 : memref<1x2048xi32, #tpu.memory_space<hbm>> -> memref<2048xi32, #tpu.memory_space<hbm>>
      %dma_wait3A_1010 = arith.constant 0 : i32
      %dma_wait3A_1011 = tpu.memref_slice %arg3[%add3A, %dma_wait3A_1010] : memref<16x2048xi32, #tpu.memory_space<hbm>> -> memref<1x2048xi32, #tpu.memory_space<hbm>>
      %dma_wait3A_1012 = tpu.memref_squeeze %dma_wait3A_1011 : memref<1x2048xi32, #tpu.memory_space<hbm>> -> memref<2048xi32, #tpu.memory_space<hbm>>
      tpu.wait_dma2 semaphore(%run_scoped3A : memref<!tpu.dma_semaphore, #tpu.memory_space<semaphore_mem>>) src(%dma_wait3A_1012 : memref<2048xi32, #tpu.memory_space<hbm>>) dst(%arg6 : memref<2048xi32, #tpu.memory_space<vmem>>)
      tpu.yield
    }) : () -> ()
    %broadcast_in_dim3A = arith.constant -1 : i32
    %broadcast_in_dim3A_31 = vector.broadcast %broadcast_in_dim3A : i32 to vector<16xi32>
    %swap3A = arith.constant 0 : index
    %swap3A_32 = tpu.vector_load %arg7[%swap3A] {strides = array<i32>} : memref<1792xi32, #tpu.memory_space<vmem>>, vector<16xi32>,
    tpu.vector_store %arg7[%swap3A], %broadcast_in_dim3A_31 {strides = array<i32>} : memref<1792xi32, #tpu.memory_space<vmem>>, vector<16xi32>,
    %broadcast_in_dim3A_33 = arith.constant -1 : i32
    %broadcast_in_dim3A_34 = vector.broadcast %broadcast_in_dim3A_33 : i32 to vector<16xi32>
    %swap3A_35 = arith.constant 16 : index
    %swap3A_36 = tpu.vector_load %arg7[%swap3A_35] {strides = array<i32>} : memref<1792xi32, #tpu.memory_space<vmem>>, vector<16xi32>,
    tpu.vector_store %arg7[%swap3A_35], %broadcast_in_dim3A_34 {strides = array<i32>} : memref<1792xi32, #tpu.memory_space<vmem>>, vector<16xi32>,
    %broadcast_in_dim3A_37 = arith.constant -1 : i32
    %broadcast_in_dim3A_38 = vector.broadcast %broadcast_in_dim3A_37 : i32 to vector<16xi32>
    %swap3A_39 = arith.constant 32 : index
    %swap3A_40 = tpu.vector_load %arg7[%swap3A_39] {strides = array<i32>} : memref<1792xi32, #tpu.memory_space<vmem>>, vector<16xi32>,
    tpu.vector_store %arg7[%swap3A_39], %broadcast_in_dim3A_38 {strides = array<i32>} : memref<1792xi32, #tpu.memory_space<vmem>>, vector<16xi32>,
    %broadcast_in_dim3A_41 = arith.constant -1 : i32
    %broadcast_in_dim3A_42 = vector.broadcast %broadcast_in_dim3A_41 : i32 to vector<16xi32>
    %swap3A_43 = arith.constant 48 : index
    %swap3A_44 = tpu.vector_load %arg7[%swap3A_43] {strides = array<i32>} : memref<1792xi32, #tpu.memory_space<vmem>>, vector<16xi32>,
    tpu.vector_store %arg7[%swap3A_43], %broadcast_in_dim3A_42 {strides = array<i32>} : memref<1792xi32, #tpu.memory_space<vmem>>, vector<16xi32>,
    %broadcast_in_dim3A_45 = arith.constant -1 : i32
    %broadcast_in_dim3A_46 = vector.broadcast %broadcast_in_dim3A_45 : i32 to vector<16xi32>
    %swap3A_47 = arith.constant 64 : index
    %swap3A_48 = tpu.vector_load %arg7[%swap3A_47] {strides = array<i32>} : memref<1792xi32, #tpu.memory_space<vmem>>, vector<16xi32>,
    tpu.vector_store %arg7[%swap3A_47], %broadcast_in_dim3A_46 {strides = array<i32>} : memref<1792xi32, #tpu.memory_space<vmem>>, vector<16xi32>,
    %broadcast_in_dim3A_49 = arith.constant -1 : i32
    %broadcast_in_dim3A_50 = vector.broadcast %broadcast_in_dim3A_49 : i32 to vector<16xi32>
    %swap3A_51 = arith.constant 80 : index
    %swap3A_52 = tpu.vector_load %arg7[%swap3A_51] {strides = array<i32>} : memref<1792xi32, #tpu.memory_space<vmem>>, vector<16xi32>,
    tpu.vector_store %arg7[%swap3A_51], %broadcast_in_dim3A_50 {strides = array<i32>} : memref<1792xi32, #tpu.memory_space<vmem>>, vector<16xi32>,
    %broadcast_in_dim3A_53 = arith.constant -1 : i32
    %broadcast_in_dim3A_54 = vector.broadcast %broadcast_in_dim3A_53 : i32 to vector<16xi32>
    %swap3A_55 = arith.constant 96 : index
    %swap3A_56 = tpu.vector_load %arg7[%swap3A_55] {strides = array<i32>} : memref<1792xi32, #tpu.memory_space<vmem>>, vector<16xi32>,
    tpu.vector_store %arg7[%swap3A_55], %broadcast_in_dim3A_54 {strides = array<i32>} : memref<1792xi32, #tpu.memory_space<vmem>>, vector<16xi32>,
    %broadcast_in_dim3A_57 = arith.constant -1 : i32
    %broadcast_in_dim3A_58 = vector.broadcast %broadcast_in_dim3A_57 : i32 to vector<16xi32>
    %swap3A_59 = arith.constant 112 : index
    %swap3A_60 = tpu.vector_load %arg7[%swap3A_59] {strides = array<i32>} : memref<1792xi32, #tpu.memory_space<vmem>>, vector<16xi32>,
    tpu.vector_store %arg7[%swap3A_59], %broadcast_in_dim3A_58 {strides = array<i32>} : memref<1792xi32, #tpu.memory_space<vmem>>, vector<16xi32>,
    %broadcast_in_dim3A_61 = arith.constant -1 : i32
    %broadcast_in_dim3A_62 = vector.broadcast %broadcast_in_dim3A_61 : i32 to vector<16xi32>
    %swap3A_63 = arith.constant 128 : index
    %swap3A_64 = tpu.vector_load %arg7[%swap3A_63] {strides = array<i32>} : memref<1792xi32, #tpu.memory_space<vmem>>, vector<16xi32>,
    tpu.vector_store %arg7[%swap3A_63], %broadcast_in_dim3A_62 {strides = array<i32>} : memref<1792xi32, #tpu.memory_space<vmem>>, vector<16xi32>,
    %broadcast_in_dim3A_65 = arith.constant -1 : i32
    %broadcast_in_dim3A_66 = vector.broadcast %broadcast_in_dim3A_65 : i32 to vector<16xi32>
    %swap3A_67 = arith.constant 144 : index
    %swap3A_68 = tpu.vector_load %arg7[%swap3A_67] {strides = array<i32>} : memref<1792xi32, #tpu.memory_space<vmem>>, vector<16xi32>,
    tpu.vector_store %arg7[%swap3A_67], %broadcast_in_dim3A_66 {strides = array<i32>} : memref<1792xi32, #tpu.memory_space<vmem>>, vector<16xi32>,
    %broadcast_in_dim3A_69 = arith.constant -1 : i32
    %broadcast_in_dim3A_70 = vector.broadcast %broadcast_in_dim3A_69 : i32 to vector<16xi32>
    %swap3A_71 = arith.constant 160 : index
    %swap3A_72 = tpu.vector_load %arg7[%swap3A_71] {strides = array<i32>} : memref<1792xi32, #tpu.memory_space<vmem>>, vector<16xi32>,
    tpu.vector_store %arg7[%swap3A_71], %broadcast_in_dim3A_70 {strides = array<i32>} : memref<1792xi32, #tpu.memory_space<vmem>>, vector<16xi32>,
    %broadcast_in_dim3A_73 = arith.constant -1 : i32
    %broadcast_in_dim3A_74 = vector.broadcast %broadcast_in_dim3A_73 : i32 to vector<16xi32>
    %swap3A_75 = arith.constant 176 : index
    %swap3A_76 = tpu.vector_load %arg7[%swap3A_75] {strides = array<i32>} : memref<1792xi32, #tpu.memory_space<vmem>>, vector<16xi32>,
    tpu.vector_store %arg7[%swap3A_75], %broadcast_in_dim3A_74 {strides = array<i32>} : memref<1792xi32, #tpu.memory_space<vmem>>, vector<16xi32>,
    %broadcast_in_dim3A_77 = arith.constant -1 : i32
    %broadcast_in_dim3A_78 = vector.broadcast %broadcast_in_dim3A_77 : i32 to vector<16xi32>
    %swap3A_79 = arith.constant 192 : index
    %swap3A_80 = tpu.vector_load %arg7[%swap3A_79] {strides = array<i32>} : memref<1792xi32, #tpu.memory_space<vmem>>, vector<16xi32>,
    tpu.vector_store %arg7[%swap3A_79], %broadcast_in_dim3A_78 {strides = array<i32>} : memref<1792xi32, #tpu.memory_space<vmem>>, vector<16xi32>,
    %broadcast_in_dim3A_81 = arith.constant -1 : i32
    %broadcast_in_dim3A_82 = vector.broadcast %broadcast_in_dim3A_81 : i32 to vector<16xi32>
    %swap3A_83 = arith.constant 208 : index
    %swap3A_84 = tpu.vector_load %arg7[%swap3A_83] {strides = array<i32>} : memref<1792xi32, #tpu.memory_space<vmem>>, vector<16xi32>,
    tpu.vector_store %arg7[%swap3A_83], %broadcast_in_dim3A_82 {strides = array<i32>} : memref<1792xi32, #tpu.memory_space<vmem>>, vector<16xi32>,
    %broadcast_in_dim3A_85 = arith.constant -1 : i32
    %broadcast_in_dim3A_86 = vector.broadcast %broadcast_in_dim3A_85 : i32 to vector<16xi32>
    %swap3A_87 = arith.constant 224 : index
    %swap3A_88 = tpu.vector_load %arg7[%swap3A_87] {strides = array<i32>} : memref<1792xi32, #tpu.memory_space<vmem>>, vector<16xi32>,
    tpu.vector_store %arg7[%swap3A_87], %broadcast_in_dim3A_86 {strides = array<i32>} : memref<1792xi32, #tpu.memory_space<vmem>>, vector<16xi32>,
    %broadcast_in_dim3A_89 = arith.constant -1 : i32
    %broadcast_in_dim3A_90 = vector.broadcast %broadcast_in_dim3A_89 : i32 to vector<16xi32>
    %swap3A_91 = arith.constant 240 : index
    %swap3A_92 = tpu.vector_load %arg7[%swap3A_91] {strides = array<i32>} : memref<1792xi32, #tpu.memory_space<vmem>>, vector<16xi32>,
    tpu.vector_store %arg7[%swap3A_91], %broadcast_in_dim3A_90 {strides = array<i32>} : memref<1792xi32, #tpu.memory_space<vmem>>, vector<16xi32>,
    %broadcast_in_dim3A_93 = arith.constant -1 : i32
    %broadcast_in_dim3A_94 = vector.broadcast %broadcast_in_dim3A_93 : i32 to vector<16xi32>
    %swap3A_95 = arith.constant 256 : index
    %swap3A_96 = tpu.vector_load %arg7[%swap3A_95] {strides = array<i32>} : memref<1792xi32, #tpu.memory_space<vmem>>, vector<16xi32>,
    tpu.vector_store %arg7[%swap3A_95], %broadcast_in_dim3A_94 {strides = array<i32>} : memref<1792xi32, #tpu.memory_space<vmem>>, vector<16xi32>,
    %broadcast_in_dim3A_97 = arith.constant -1 : i32
    %broadcast_in_dim3A_98 = vector.broadcast %broadcast_in_dim3A_97 : i32 to vector<16xi32>
    %swap3A_99 = arith.constant 272 : index
    %swap3A_100 = tpu.vector_load %arg7[%swap3A_99] {strides = array<i32>} : memref<1792xi32, #tpu.memory_space<vmem>>, vector<16xi32>,
    tpu.vector_store %arg7[%swap3A_99], %broadcast_in_dim3A_98 {strides = array<i32>} : memref<1792xi32, #tpu.memory_space<vmem>>, vector<16xi32>,
    %broadcast_in_dim3A_101 = arith.constant -1 : i32
    %broadcast_in_dim3A_102 = vector.broadcast %broadcast_in_dim3A_101 : i32 to vector<16xi32>
    %swap3A_103 = arith.constant 288 : index
    %swap3A_104 = tpu.vector_load %arg7[%swap3A_103] {strides = array<i32>} : memref<1792xi32, #tpu.memory_space<vmem>>, vector<16xi32>,
    tpu.vector_store %arg7[%swap3A_103], %broadcast_in_dim3A_102 {strides = array<i32>} : memref<1792xi32, #tpu.memory_space<vmem>>, vector<16xi32>,
    %broadcast_in_dim3A_105 = arith.constant -1 : i32
    %broadcast_in_dim3A_106 = vector.broadcast %broadcast_in_dim3A_105 : i32 to vector<16xi32>
    %swap3A_107 = arith.constant 304 : index
    %swap3A_108 = tpu.vector_load %arg7[%swap3A_107] {strides = array<i32>} : memref<1792xi32, #tpu.memory_space<vmem>>, vector<16xi32>,
    tpu.vector_store %arg7[%swap3A_107], %broadcast_in_dim3A_106 {strides = array<i32>} : memref<1792xi32, #tpu.memory_space<vmem>>, vector<16xi32>,
    %broadcast_in_dim3A_109 = arith.constant -1 : i32
    %broadcast_in_dim3A_110 = vector.broadcast %broadcast_in_dim3A_109 : i32 to vector<16xi32>
    %swap3A_111 = arith.constant 320 : index
    %swap3A_112 = tpu.vector_load %arg7[%swap3A_111] {strides = array<i32>} : memref<1792xi32, #tpu.memory_space<vmem>>, vector<16xi32>,
    tpu.vector_store %arg7[%swap3A_111], %broadcast_in_dim3A_110 {strides = array<i32>} : memref<1792xi32, #tpu.memory_space<vmem>>, vector<16xi32>,
    %broadcast_in_dim3A_113 = arith.constant -1 : i32
    %broadcast_in_dim3A_114 = vector.broadcast %broadcast_in_dim3A_113 : i32 to vector<16xi32>
    %swap3A_115 = arith.constant 336 : index
    %swap3A_116 = tpu.vector_load %arg7[%swap3A_115] {strides = array<i32>} : memref<1792xi32, #tpu.memory_space<vmem>>, vector<16xi32>,
    tpu.vector_store %arg7[%swap3A_115], %broadcast_in_dim3A_114 {strides = array<i32>} : memref<1792xi32, #tpu.memory_space<vmem>>, vector<16xi32>,
    %broadcast_in_dim3A_117 = arith.constant -1 : i32
    %broadcast_in_dim3A_118 = vector.broadcast %broadcast_in_dim3A_117 : i32 to vector<16xi32>
    %swap3A_119 = arith.constant 352 : index
    %swap3A_120 = tpu.vector_load %arg7[%swap3A_119] {strides = array<i32>} : memref<1792xi32, #tpu.memory_space<vmem>>, vector<16xi32>,
    tpu.vector_store %arg7[%swap3A_119], %broadcast_in_dim3A_118 {strides = array<i32>} : memref<1792xi32, #tpu.memory_space<vmem>>, vector<16xi32>,
    %broadcast_in_dim3A_121 = arith.constant -1 : i32
    %broadcast_in_dim3A_122 = vector.broadcast %broadcast_in_dim3A_121 : i32 to vector<16xi32>
    %swap3A_123 = arith.constant 368 : index
    %swap3A_124 = tpu.vector_load %arg7[%swap3A_123] {strides = array<i32>} : memref<1792xi32, #tpu.memory_space<vmem>>, vector<16xi32>,
    tpu.vector_store %arg7[%swap3A_123], %broadcast_in_dim3A_122 {strides = array<i32>} : memref<1792xi32, #tpu.memory_space<vmem>>, vector<16xi32>,
    %broadcast_in_dim3A_125 = arith.constant -1 : i32
    %broadcast_in_dim3A_126 = vector.broadcast %broadcast_in_dim3A_125 : i32 to vector<16xi32>
    %swap3A_127 = arith.constant 384 : index
    %swap3A_128 = tpu.vector_load %arg7[%swap3A_127] {strides = array<i32>} : memref<1792xi32, #tpu.memory_space<vmem>>, vector<16xi32>,
    tpu.vector_store %arg7[%swap3A_127], %broadcast_in_dim3A_126 {strides = array<i32>} : memref<1792xi32, #tpu.memory_space<vmem>>, vector<16xi32>,
    %broadcast_in_dim3A_129 = arith.constant -1 : i32
    %broadcast_in_dim3A_130 = vector.broadcast %broadcast_in_dim3A_129 : i32 to vector<16xi32>
    %swap3A_131 = arith.constant 400 : index
    %swap3A_132 = tpu.vector_load %arg7[%swap3A_131] {strides = array<i32>} : memref<1792xi32, #tpu.memory_space<vmem>>, vector<16xi32>,
    tpu.vector_store %arg7[%swap3A_131], %broadcast_in_dim3A_130 {strides = array<i32>} : memref<1792xi32, #tpu.memory_space<vmem>>, vector<16xi32>,
    %broadcast_in_dim3A_133 = arith.constant -1 : i32
    %broadcast_in_dim3A_134 = vector.broadcast %broadcast_in_dim3A_133 : i32 to vector<16xi32>
    %swap3A_135 = arith.constant 416 : index
    %swap3A_136 = tpu.vector_load %arg7[%swap3A_135] {strides = array<i32>} : memref<1792xi32, #tpu.memory_space<vmem>>, vector<16xi32>,
    tpu.vector_store %arg7[%swap3A_135], %broadcast_in_dim3A_134 {strides = array<i32>} : memref<1792xi32, #tpu.memory_space<vmem>>, vector<16xi32>,
    %broadcast_in_dim3A_137 = arith.constant -1 : i32
    %broadcast_in_dim3A_138 = vector.broadcast %broadcast_in_dim3A_137 : i32 to vector<16xi32>
    %swap3A_139 = arith.constant 432 : index
    %swap3A_140 = tpu.vector_load %arg7[%swap3A_139] {strides = array<i32>} : memref<1792xi32, #tpu.memory_space<vmem>>, vector<16xi32>,
    tpu.vector_store %arg7[%swap3A_139], %broadcast_in_dim3A_138 {strides = array<i32>} : memref<1792xi32, #tpu.memory_space<vmem>>, vector<16xi32>,
    %broadcast_in_dim3A_141 = arith.constant -1 : i32
    %broadcast_in_dim3A_142 = vector.broadcast %broadcast_in_dim3A_141 : i32 to vector<16xi32>
    %swap3A_143 = arith.constant 448 : index
    %swap3A_144 = tpu.vector_load %arg7[%swap3A_143] {strides = array<i32>} : memref<1792xi32, #tpu.memory_space<vmem>>, vector<16xi32>,
    tpu.vector_store %arg7[%swap3A_143], %broadcast_in_dim3A_142 {strides = array<i32>} : memref<1792xi32, #tpu.memory_space<vmem>>, vector<16xi32>,
    %broadcast_in_dim3A_145 = arith.constant -1 : i32
    %broadcast_in_dim3A_146 = vector.broadcast %broadcast_in_dim3A_145 : i32 to vector<16xi32>
    %swap3A_147 = arith.constant 464 : index
    %swap3A_148 = tpu.vector_load %arg7[%swap3A_147] {strides = array<i32>} : memref<1792xi32, #tpu.memory_space<vmem>>, vector<16xi32>,
    tpu.vector_store %arg7[%swap3A_147], %broadcast_in_dim3A_146 {strides = array<i32>} : memref<1792xi32, #tpu.memory_space<vmem>>, vector<16xi32>,
    %broadcast_in_dim3A_149 = arith.constant -1 : i32
    %broadcast_in_dim3A_150 = vector.broadcast %broadcast_in_dim3A_149 : i32 to vector<16xi32>
    %swap3A_151 = arith.constant 480 : index
    %swap3A_152 = tpu.vector_load %arg7[%swap3A_151] {strides = array<i32>} : memref<1792xi32, #tpu.memory_space<vmem>>, vector<16xi32>,
    tpu.vector_store %arg7[%swap3A_151], %broadcast_in_dim3A_150 {strides = array<i32>} : memref<1792xi32, #tpu.memory_space<vmem>>, vector<16xi32>,
    %broadcast_in_dim3A_153 = arith.constant -1 : i32
    %broadcast_in_dim3A_154 = vector.broadcast %broadcast_in_dim3A_153 : i32 to vector<16xi32>
    %swap3A_155 = arith.constant 496 : index
    %swap3A_156 = tpu.vector_load %arg7[%swap3A_155] {strides = array<i32>} : memref<1792xi32, #tpu.memory_space<vmem>>, vector<16xi32>,
    tpu.vector_store %arg7[%swap3A_155], %broadcast_in_dim3A_154 {strides = array<i32>} : memref<1792xi32, #tpu.memory_space<vmem>>, vector<16xi32>,
    %broadcast_in_dim3A_157 = arith.constant -1 : i32
    %broadcast_in_dim3A_158 = vector.broadcast %broadcast_in_dim3A_157 : i32 to vector<16xi32>
    %swap3A_159 = arith.constant 512 : index
    %swap3A_160 = tpu.vector_load %arg7[%swap3A_159] {strides = array<i32>} : memref<1792xi32, #tpu.memory_space<vmem>>, vector<16xi32>,
    tpu.vector_store %arg7[%swap3A_159], %broadcast_in_dim3A_158 {strides = array<i32>} : memref<1792xi32, #tpu.memory_space<vmem>>, vector<16xi32>,
    %broadcast_in_dim3A_161 = arith.constant -1 : i32
    %broadcast_in_dim3A_162 = vector.broadcast %broadcast_in_dim3A_161 : i32 to vector<16xi32>
    %swap3A_163 = arith.constant 528 : index
    %swap3A_164 = tpu.vector_load %arg7[%swap3A_163] {strides = array<i32>} : memref<1792xi32, #tpu.memory_space<vmem>>, vector<16xi32>,
    tpu.vector_store %arg7[%swap3A_163], %broadcast_in_dim3A_162 {strides = array<i32>} : memref<1792xi32, #tpu.memory_space<vmem>>, vector<16xi32>,
    %broadcast_in_dim3A_165 = arith.constant -1 : i32
    %broadcast_in_dim3A_166 = vector.broadcast %broadcast_in_dim3A_165 : i32 to vector<16xi32>
    %swap3A_167 = arith.constant 544 : index
    %swap3A_168 = tpu.vector_load %arg7[%swap3A_167] {strides = array<i32>} : memref<1792xi32, #tpu.memory_space<vmem>>, vector<16xi32>,
    tpu.vector_store %arg7[%swap3A_167], %broadcast_in_dim3A_166 {strides = array<i32>} : memref<1792xi32, #tpu.memory_space<vmem>>, vector<16xi32>,
    %broadcast_in_dim3A_169 = arith.constant -1 : i32
    %broadcast_in_dim3A_170 = vector.broadcast %broadcast_in_dim3A_169 : i32 to vector<16xi32>
    %swap3A_171 = arith.constant 560 : index
    %swap3A_172 = tpu.vector_load %arg7[%swap3A_171] {strides = array<i32>} : memref<1792xi32, #tpu.memory_space<vmem>>, vector<16xi32>,
    tpu.vector_store %arg7[%swap3A_171], %broadcast_in_dim3A_170 {strides = array<i32>} : memref<1792xi32, #tpu.memory_space<vmem>>, vector<16xi32>,
    %broadcast_in_dim3A_173 = arith.constant -1 : i32
    %broadcast_in_dim3A_174 = vector.broadcast %broadcast_in_dim3A_173 : i32 to vector<16xi32>
    %swap3A_175 = arith.constant 576 : index
    %swap3A_176 = tpu.vector_load %arg7[%swap3A_175] {strides = array<i32>} : memref<1792xi32, #tpu.memory_space<vmem>>, vector<16xi32>,
    tpu.vector_store %arg7[%swap3A_175], %broadcast_in_dim3A_174 {strides = array<i32>} : memref<1792xi32, #tpu.memory_space<vmem>>, vector<16xi32>,
    %broadcast_in_dim3A_177 = arith.constant -1 : i32
    %broadcast_in_dim3A_178 = vector.broadcast %broadcast_in_dim3A_177 : i32 to vector<16xi32>
    %swap3A_179 = arith.constant 592 : index
    %swap3A_180 = tpu.vector_load %arg7[%swap3A_179] {strides = array<i32>} : memref<1792xi32, #tpu.memory_space<vmem>>, vector<16xi32>,
    tpu.vector_store %arg7[%swap3A_179], %broadcast_in_dim3A_178 {strides = array<i32>} : memref<1792xi32, #tpu.memory_space<vmem>>, vector<16xi32>,
    %broadcast_in_dim3A_181 = arith.constant -1 : i32
    %broadcast_in_dim3A_182 = vector.broadcast %broadcast_in_dim3A_181 : i32 to vector<16xi32>
    %swap3A_183 = arith.constant 608 : index
    %swap3A_184 = tpu.vector_load %arg7[%swap3A_183] {strides = array<i32>} : memref<1792xi32, #tpu.memory_space<vmem>>, vector<16xi32>,
    tpu.vector_store %arg7[%swap3A_183], %broadcast_in_dim3A_182 {strides = array<i32>} : memref<1792xi32, #tpu.memory_space<vmem>>, vector<16xi32>,
    %broadcast_in_dim3A_185 = arith.constant -1 : i32
    %broadcast_in_dim3A_186 = vector.broadcast %broadcast_in_dim3A_185 : i32 to vector<16xi32>
    %swap3A_187 = arith.constant 624 : index
    %swap3A_188 = tpu.vector_load %arg7[%swap3A_187] {strides = array<i32>} : memref<1792xi32, #tpu.memory_space<vmem>>, vector<16xi32>,
    tpu.vector_store %arg7[%swap3A_187], %broadcast_in_dim3A_186 {strides = array<i32>} : memref<1792xi32, #tpu.memory_space<vmem>>, vector<16xi32>,
    %broadcast_in_dim3A_189 = arith.constant -1 : i32
    %broadcast_in_dim3A_190 = vector.broadcast %broadcast_in_dim3A_189 : i32 to vector<16xi32>
    %swap3A_191 = arith.constant 640 : index
    %swap3A_192 = tpu.vector_load %arg7[%swap3A_191] {strides = array<i32>} : memref<1792xi32, #tpu.memory_space<vmem>>, vector<16xi32>,
    tpu.vector_store %arg7[%swap3A_191], %broadcast_in_dim3A_190 {strides = array<i32>} : memref<1792xi32, #tpu.memory_space<vmem>>, vector<16xi32>,
    %broadcast_in_dim3A_193 = arith.constant -1 : i32
    %broadcast_in_dim3A_194 = vector.broadcast %broadcast_in_dim3A_193 : i32 to vector<16xi32>
    %swap3A_195 = arith.constant 656 : index
    %swap3A_196 = tpu.vector_load %arg7[%swap3A_195] {strides = array<i32>} : memref<1792xi32, #tpu.memory_space<vmem>>, vector<16xi32>,
    tpu.vector_store %arg7[%swap3A_195], %broadcast_in_dim3A_194 {strides = array<i32>} : memref<1792xi32, #tpu.memory_space<vmem>>, vector<16xi32>,
    %broadcast_in_dim3A_197 = arith.constant -1 : i32
    %broadcast_in_dim3A_198 = vector.broadcast %broadcast_in_dim3A_197 : i32 to vector<16xi32>
    %swap3A_199 = arith.constant 672 : index
    %swap3A_200 = tpu.vector_load %arg7[%swap3A_199] {strides = array<i32>} : memref<1792xi32, #tpu.memory_space<vmem>>, vector<16xi32>,
    tpu.vector_store %arg7[%swap3A_199], %broadcast_in_dim3A_198 {strides = array<i32>} : memref<1792xi32, #tpu.memory_space<vmem>>, vector<16xi32>,
    %broadcast_in_dim3A_201 = arith.constant -1 : i32
    %broadcast_in_dim3A_202 = vector.broadcast %broadcast_in_dim3A_201 : i32 to vector<16xi32>
    %swap3A_203 = arith.constant 688 : index
    %swap3A_204 = tpu.vector_load %arg7[%swap3A_203] {strides = array<i32>} : memref<1792xi32, #tpu.memory_space<vmem>>, vector<16xi32>,
    tpu.vector_store %arg7[%swap3A_203], %broadcast_in_dim3A_202 {strides = array<i32>} : memref<1792xi32, #tpu.memory_space<vmem>>, vector<16xi32>,
    %broadcast_in_dim3A_205 = arith.constant -1 : i32
    %broadcast_in_dim3A_206 = vector.broadcast %broadcast_in_dim3A_205 : i32 to vector<16xi32>
    %swap3A_207 = arith.constant 704 : index
    %swap3A_208 = tpu.vector_load %arg7[%swap3A_207] {strides = array<i32>} : memref<1792xi32, #tpu.memory_space<vmem>>, vector<16xi32>,
    tpu.vector_store %arg7[%swap3A_207], %broadcast_in_dim3A_206 {strides = array<i32>} : memref<1792xi32, #tpu.memory_space<vmem>>, vector<16xi32>,
    %broadcast_in_dim3A_209 = arith.constant -1 : i32
    %broadcast_in_dim3A_210 = vector.broadcast %broadcast_in_dim3A_209 : i32 to vector<16xi32>
    %swap3A_211 = arith.constant 720 : index
    %swap3A_212 = tpu.vector_load %arg7[%swap3A_211] {strides = array<i32>} : memref<1792xi32, #tpu.memory_space<vmem>>, vector<16xi32>,
    tpu.vector_store %arg7[%swap3A_211], %broadcast_in_dim3A_210 {strides = array<i32>} : memref<1792xi32, #tpu.memory_space<vmem>>, vector<16xi32>,
    %broadcast_in_dim3A_213 = arith.constant -1 : i32
    %broadcast_in_dim3A_214 = vector.broadcast %broadcast_in_dim3A_213 : i32 to vector<16xi32>
    %swap3A_215 = arith.constant 736 : index
    %swap3A_216 = tpu.vector_load %arg7[%swap3A_215] {strides = array<i32>} : memref<1792xi32, #tpu.memory_space<vmem>>, vector<16xi32>,
    tpu.vector_store %arg7[%swap3A_215], %broadcast_in_dim3A_214 {strides = array<i32>} : memref<1792xi32, #tpu.memory_space<vmem>>, vector<16xi32>,
    %broadcast_in_dim3A_217 = arith.constant -1 : i32
    %broadcast_in_dim3A_218 = vector.broadcast %broadcast_in_dim3A_217 : i32 to vector<16xi32>
    %swap3A_219 = arith.constant 752 : index
    %swap3A_220 = tpu.vector_load %arg7[%swap3A_219] {strides = array<i32>} : memref<1792xi32, #tpu.memory_space<vmem>>, vector<16xi32>,
    tpu.vector_store %arg7[%swap3A_219], %broadcast_in_dim3A_218 {strides = array<i32>} : memref<1792xi32, #tpu.memory_space<vmem>>, vector<16xi32>,
    %broadcast_in_dim3A_221 = arith.constant -1 : i32
    %broadcast_in_dim3A_222 = vector.broadcast %broadcast_in_dim3A_221 : i32 to vector<16xi32>
    %swap3A_223 = arith.constant 768 : index
    %swap3A_224 = tpu.vector_load %arg7[%swap3A_223] {strides = array<i32>} : memref<1792xi32, #tpu.memory_space<vmem>>, vector<16xi32>,
    tpu.vector_store %arg7[%swap3A_223], %broadcast_in_dim3A_222 {strides = array<i32>} : memref<1792xi32, #tpu.memory_space<vmem>>, vector<16xi32>,
    %broadcast_in_dim3A_225 = arith.constant -1 : i32
    %broadcast_in_dim3A_226 = vector.broadcast %broadcast_in_dim3A_225 : i32 to vector<16xi32>
    %swap3A_227 = arith.constant 784 : index
    %swap3A_228 = tpu.vector_load %arg7[%swap3A_227] {strides = array<i32>} : memref<1792xi32, #tpu.memory_space<vmem>>, vector<16xi32>,
    tpu.vector_store %arg7[%swap3A_227], %broadcast_in_dim3A_226 {strides = array<i32>} : memref<1792xi32, #tpu.memory_space<vmem>>, vector<16xi32>,
    %broadcast_in_dim3A_229 = arith.constant -1 : i32
    %broadcast_in_dim3A_230 = vector.broadcast %broadcast_in_dim3A_229 : i32 to vector<16xi32>
    %swap3A_231 = arith.constant 800 : index
    %swap3A_232 = tpu.vector_load %arg7[%swap3A_231] {strides = array<i32>} : memref<1792xi32, #tpu.memory_space<vmem>>, vector<16xi32>,
    tpu.vector_store %arg7[%swap3A_231], %broadcast_in_dim3A_230 {strides = array<i32>} : memref<1792xi32, #tpu.memory_space<vmem>>, vector<16xi32>,
    %broadcast_in_dim3A_233 = arith.constant -1 : i32
    %broadcast_in_dim3A_234 = vector.broadcast %broadcast_in_dim3A_233 : i32 to vector<16xi32>
    %swap3A_235 = arith.constant 816 : index
    %swap3A_236 = tpu.vector_load %arg7[%swap3A_235] {strides = array<i32>} : memref<1792xi32, #tpu.memory_space<vmem>>, vector<16xi32>,
    tpu.vector_store %arg7[%swap3A_235], %broadcast_in_dim3A_234 {strides = array<i32>} : memref<1792xi32, #tpu.memory_space<vmem>>, vector<16xi32>,
    %broadcast_in_dim3A_237 = arith.constant -1 : i32
    %broadcast_in_dim3A_238 = vector.broadcast %broadcast_in_dim3A_237 : i32 to vector<16xi32>
    %swap3A_239 = arith.constant 832 : index
    %swap3A_240 = tpu.vector_load %arg7[%swap3A_239] {strides = array<i32>} : memref<1792xi32, #tpu.memory_space<vmem>>, vector<16xi32>,
    tpu.vector_store %arg7[%swap3A_239], %broadcast_in_dim3A_238 {strides = array<i32>} : memref<1792xi32, #tpu.memory_space<vmem>>, vector<16xi32>,
    %broadcast_in_dim3A_241 = arith.constant -1 : i32
    %broadcast_in_dim3A_242 = vector.broadcast %broadcast_in_dim3A_241 : i32 to vector<16xi32>
    %swap3A_243 = arith.constant 848 : index
    %swap3A_244 = tpu.vector_load %arg7[%swap3A_243] {strides = array<i32>} : memref<1792xi32, #tpu.memory_space<vmem>>, vector<16xi32>,
    tpu.vector_store %arg7[%swap3A_243], %broadcast_in_dim3A_242 {strides = array<i32>} : memref<1792xi32, #tpu.memory_space<vmem>>, vector<16xi32>,
    %broadcast_in_dim3A_245 = arith.constant -1 : i32
    %broadcast_in_dim3A_246 = vector.broadcast %broadcast_in_dim3A_245 : i32 to vector<16xi32>
    %swap3A_247 = arith.constant 864 : index
    %swap3A_248 = tpu.vector_load %arg7[%swap3A_247] {strides = array<i32>} : memref<1792xi32, #tpu.memory_space<vmem>>, vector<16xi32>,
    tpu.vector_store %arg7[%swap3A_247], %broadcast_in_dim3A_246 {strides = array<i32>} : memref<1792xi32, #tpu.memory_space<vmem>>, vector<16xi32>,
    %broadcast_in_dim3A_249 = arith.constant -1 : i32
    %broadcast_in_dim3A_250 = vector.broadcast %broadcast_in_dim3A_249 : i32 to vector<16xi32>
    %swap3A_251 = arith.constant 880 : index
    %swap3A_252 = tpu.vector_load %arg7[%swap3A_251] {strides = array<i32>} : memref<1792xi32, #tpu.memory_space<vmem>>, vector<16xi32>,
    tpu.vector_store %arg7[%swap3A_251], %broadcast_in_dim3A_250 {strides = array<i32>} : memref<1792xi32, #tpu.memory_space<vmem>>, vector<16xi32>,
    %broadcast_in_dim3A_253 = arith.constant -1 : i32
    %broadcast_in_dim3A_254 = vector.broadcast %broadcast_in_dim3A_253 : i32 to vector<16xi32>
    %swap3A_255 = arith.constant 896 : index
    %swap3A_256 = tpu.vector_load %arg7[%swap3A_255] {strides = array<i32>} : memref<1792xi32, #tpu.memory_space<vmem>>, vector<16xi32>,
    tpu.vector_store %arg7[%swap3A_255], %broadcast_in_dim3A_254 {strides = array<i32>} : memref<1792xi32, #tpu.memory_space<vmem>>, vector<16xi32>,
    %broadcast_in_dim3A_257 = arith.constant -1 : i32
    %broadcast_in_dim3A_258 = vector.broadcast %broadcast_in_dim3A_257 : i32 to vector<16xi32>
    %swap3A_259 = arith.constant 912 : index
    %swap3A_260 = tpu.vector_load %arg7[%swap3A_259] {strides = array<i32>} : memref<1792xi32, #tpu.memory_space<vmem>>, vector<16xi32>,
    tpu.vector_store %arg7[%swap3A_259], %broadcast_in_dim3A_258 {strides = array<i32>} : memref<1792xi32, #tpu.memory_space<vmem>>, vector<16xi32>,
    %broadcast_in_dim3A_261 = arith.constant -1 : i32
    %broadcast_in_dim3A_262 = vector.broadcast %broadcast_in_dim3A_261 : i32 to vector<16xi32>
    %swap3A_263 = arith.constant 928 : index
    %swap3A_264 = tpu.vector_load %arg7[%swap3A_263] {strides = array<i32>} : memref<1792xi32, #tpu.memory_space<vmem>>, vector<16xi32>,
    tpu.vector_store %arg7[%swap3A_263], %broadcast_in_dim3A_262 {strides = array<i32>} : memref<1792xi32, #tpu.memory_space<vmem>>, vector<16xi32>,
    %broadcast_in_dim3A_265 = arith.constant -1 : i32
    %broadcast_in_dim3A_266 = vector.broadcast %broadcast_in_dim3A_265 : i32 to vector<16xi32>
    %swap3A_267 = arith.constant 944 : index
    %swap3A_268 = tpu.vector_load %arg7[%swap3A_267] {strides = array<i32>} : memref<1792xi32, #tpu.memory_space<vmem>>, vector<16xi32>,
    tpu.vector_store %arg7[%swap3A_267], %broadcast_in_dim3A_266 {strides = array<i32>} : memref<1792xi32, #tpu.memory_space<vmem>>, vector<16xi32>,
    %broadcast_in_dim3A_269 = arith.constant -1 : i32
    %broadcast_in_dim3A_270 = vector.broadcast %broadcast_in_dim3A_269 : i32 to vector<16xi32>
    %swap3A_271 = arith.constant 960 : index
    %swap3A_272 = tpu.vector_load %arg7[%swap3A_271] {strides = array<i32>} : memref<1792xi32, #tpu.memory_space<vmem>>, vector<16xi32>,
    tpu.vector_store %arg7[%swap3A_271], %broadcast_in_dim3A_270 {strides = array<i32>} : memref<1792xi32, #tpu.memory_space<vmem>>, vector<16xi32>,
    %broadcast_in_dim3A_273 = arith.constant -1 : i32
    %broadcast_in_dim3A_274 = vector.broadcast %broadcast_in_dim3A_273 : i32 to vector<16xi32>
    %swap3A_275 = arith.constant 976 : index
    %swap3A_276 = tpu.vector_load %arg7[%swap3A_275] {strides = array<i32>} : memref<1792xi32, #tpu.memory_space<vmem>>, vector<16xi32>,
    tpu.vector_store %arg7[%swap3A_275], %broadcast_in_dim3A_274 {strides = array<i32>} : memref<1792xi32, #tpu.memory_space<vmem>>, vector<16xi32>,
    %broadcast_in_dim3A_277 = arith.constant -1 : i32
    %broadcast_in_dim3A_278 = vector.broadcast %broadcast_in_dim3A_277 : i32 to vector<16xi32>
    %swap3A_279 = arith.constant 992 : index
    %swap3A_280 = tpu.vector_load %arg7[%swap3A_279] {strides = array<i32>} : memref<1792xi32, #tpu.memory_space<vmem>>, vector<16xi32>,
    tpu.vector_store %arg7[%swap3A_279], %broadcast_in_dim3A_278 {strides = array<i32>} : memref<1792xi32, #tpu.memory_space<vmem>>, vector<16xi32>,
    %broadcast_in_dim3A_281 = arith.constant -1 : i32
    %broadcast_in_dim3A_282 = vector.broadcast %broadcast_in_dim3A_281 : i32 to vector<16xi32>
    %swap3A_283 = arith.constant 1008 : index
    %swap3A_284 = tpu.vector_load %arg7[%swap3A_283] {strides = array<i32>} : memref<1792xi32, #tpu.memory_space<vmem>>, vector<16xi32>,
    tpu.vector_store %arg7[%swap3A_283], %broadcast_in_dim3A_282 {strides = array<i32>} : memref<1792xi32, #tpu.memory_space<vmem>>, vector<16xi32>,
    %broadcast_in_dim3A_285 = arith.constant -1 : i32
    %broadcast_in_dim3A_286 = vector.broadcast %broadcast_in_dim3A_285 : i32 to vector<16xi32>
    %swap3A_287 = arith.constant 1024 : index
    %swap3A_288 = tpu.vector_load %arg7[%swap3A_287] {strides = array<i32>} : memref<1792xi32, #tpu.memory_space<vmem>>, vector<16xi32>,
    tpu.vector_store %arg7[%swap3A_287], %broadcast_in_dim3A_286 {strides = array<i32>} : memref<1792xi32, #tpu.memory_space<vmem>>, vector<16xi32>,
    %broadcast_in_dim3A_289 = arith.constant -1 : i32
    %broadcast_in_dim3A_290 = vector.broadcast %broadcast_in_dim3A_289 : i32 to vector<16xi32>
    %swap3A_291 = arith.constant 1040 : index
    %swap3A_292 = tpu.vector_load %arg7[%swap3A_291] {strides = array<i32>} : memref<1792xi32, #tpu.memory_space<vmem>>, vector<16xi32>,
    tpu.vector_store %arg7[%swap3A_291], %broadcast_in_dim3A_290 {strides = array<i32>} : memref<1792xi32, #tpu.memory_space<vmem>>, vector<16xi32>,
    %broadcast_in_dim3A_293 = arith.constant -1 : i32
    %broadcast_in_dim3A_294 = vector.broadcast %broadcast_in_dim3A_293 : i32 to vector<16xi32>
    %swap3A_295 = arith.constant 1056 : index
    %swap3A_296 = tpu.vector_load %arg7[%swap3A_295] {strides = array<i32>} : memref<1792xi32, #tpu.memory_space<vmem>>, vector<16xi32>,
    tpu.vector_store %arg7[%swap3A_295], %broadcast_in_dim3A_294 {strides = array<i32>} : memref<1792xi32, #tpu.memory_space<vmem>>, vector<16xi32>,
    %broadcast_in_dim3A_297 = arith.constant -1 : i32
    %broadcast_in_dim3A_298 = vector.broadcast %broadcast_in_dim3A_297 : i32 to vector<16xi32>
    %swap3A_299 = arith.constant 1072 : index
    %swap3A_300 = tpu.vector_load %arg7[%swap3A_299] {strides = array<i32>} : memref<1792xi32, #tpu.memory_space<vmem>>, vector<16xi32>,
    tpu.vector_store %arg7[%swap3A_299], %broadcast_in_dim3A_298 {strides = array<i32>} : memref<1792xi32, #tpu.memory_space<vmem>>, vector<16xi32>,
    %broadcast_in_dim3A_301 = arith.constant -1 : i32
    %broadcast_in_dim3A_302 = vector.broadcast %broadcast_in_dim3A_301 : i32 to vector<16xi32>
    %swap3A_303 = arith.constant 1088 : index
    %swap3A_304 = tpu.vector_load %arg7[%swap3A_303] {strides = array<i32>} : memref<1792xi32, #tpu.memory_space<vmem>>, vector<16xi32>,
    tpu.vector_store %arg7[%swap3A_303], %broadcast_in_dim3A_302 {strides = array<i32>} : memref<1792xi32, #tpu.memory_space<vmem>>, vector<16xi32>,
    %broadcast_in_dim3A_305 = arith.constant -1 : i32
    %broadcast_in_dim3A_306 = vector.broadcast %broadcast_in_dim3A_305 : i32 to vector<16xi32>
    %swap3A_307 = arith.constant 1104 : index
    %swap3A_308 = tpu.vector_load %arg7[%swap3A_307] {strides = array<i32>} : memref<1792xi32, #tpu.memory_space<vmem>>, vector<16xi32>,
    tpu.vector_store %arg7[%swap3A_307], %broadcast_in_dim3A_306 {strides = array<i32>} : memref<1792xi32, #tpu.memory_space<vmem>>, vector<16xi32>,
    %broadcast_in_dim3A_309 = arith.constant -1 : i32
    %broadcast_in_dim3A_310 = vector.broadcast %broadcast_in_dim3A_309 : i32 to vector<16xi32>
    %swap3A_311 = arith.constant 1120 : index
    %swap3A_312 = tpu.vector_load %arg7[%swap3A_311] {strides = array<i32>} : memref<1792xi32, #tpu.memory_space<vmem>>, vector<16xi32>,
    tpu.vector_store %arg7[%swap3A_311], %broadcast_in_dim3A_310 {strides = array<i32>} : memref<1792xi32, #tpu.memory_space<vmem>>, vector<16xi32>,
    %broadcast_in_dim3A_313 = arith.constant -1 : i32
    %broadcast_in_dim3A_314 = vector.broadcast %broadcast_in_dim3A_313 : i32 to vector<16xi32>
    %swap3A_315 = arith.constant 1136 : index
    %swap3A_316 = tpu.vector_load %arg7[%swap3A_315] {strides = array<i32>} : memref<1792xi32, #tpu.memory_space<vmem>>, vector<16xi32>,
    tpu.vector_store %arg7[%swap3A_315], %broadcast_in_dim3A_314 {strides = array<i32>} : memref<1792xi32, #tpu.memory_space<vmem>>, vector<16xi32>,
    %broadcast_in_dim3A_317 = arith.constant -1 : i32
    %broadcast_in_dim3A_318 = vector.broadcast %broadcast_in_dim3A_317 : i32 to vector<16xi32>
    %swap3A_319 = arith.constant 1152 : index
    %swap3A_320 = tpu.vector_load %arg7[%swap3A_319] {strides = array<i32>} : memref<1792xi32, #tpu.memory_space<vmem>>, vector<16xi32>,
    tpu.vector_store %arg7[%swap3A_319], %broadcast_in_dim3A_318 {strides = array<i32>} : memref<1792xi32, #tpu.memory_space<vmem>>, vector<16xi32>,
    %broadcast_in_dim3A_321 = arith.constant -1 : i32
    %broadcast_in_dim3A_322 = vector.broadcast %broadcast_in_dim3A_321 : i32 to vector<16xi32>
    %swap3A_323 = arith.constant 1168 : index
    %swap3A_324 = tpu.vector_load %arg7[%swap3A_323] {strides = array<i32>} : memref<1792xi32, #tpu.memory_space<vmem>>, vector<16xi32>,
    tpu.vector_store %arg7[%swap3A_323], %broadcast_in_dim3A_322 {strides = array<i32>} : memref<1792xi32, #tpu.memory_space<vmem>>, vector<16xi32>,
    %broadcast_in_dim3A_325 = arith.constant -1 : i32
    %broadcast_in_dim3A_326 = vector.broadcast %broadcast_in_dim3A_325 : i32 to vector<16xi32>
    %swap3A_327 = arith.constant 1184 : index
    %swap3A_328 = tpu.vector_load %arg7[%swap3A_327] {strides = array<i32>} : memref<1792xi32, #tpu.memory_space<vmem>>, vector<16xi32>,
    tpu.vector_store %arg7[%swap3A_327], %broadcast_in_dim3A_326 {strides = array<i32>} : memref<1792xi32, #tpu.memory_space<vmem>>, vector<16xi32>,
    %broadcast_in_dim3A_329 = arith.constant -1 : i32
    %broadcast_in_dim3A_330 = vector.broadcast %broadcast_in_dim3A_329 : i32 to vector<16xi32>
    %swap3A_331 = arith.constant 1200 : index
    %swap3A_332 = tpu.vector_load %arg7[%swap3A_331] {strides = array<i32>} : memref<1792xi32, #tpu.memory_space<vmem>>, vector<16xi32>,
    tpu.vector_store %arg7[%swap3A_331], %broadcast_in_dim3A_330 {strides = array<i32>} : memref<1792xi32, #tpu.memory_space<vmem>>, vector<16xi32>,
    %broadcast_in_dim3A_333 = arith.constant -1 : i32
    %broadcast_in_dim3A_334 = vector.broadcast %broadcast_in_dim3A_333 : i32 to vector<16xi32>
    %swap3A_335 = arith.constant 1216 : index
    %swap3A_336 = tpu.vector_load %arg7[%swap3A_335] {strides = array<i32>} : memref<1792xi32, #tpu.memory_space<vmem>>, vector<16xi32>,
    tpu.vector_store %arg7[%swap3A_335], %broadcast_in_dim3A_334 {strides = array<i32>} : memref<1792xi32, #tpu.memory_space<vmem>>, vector<16xi32>,
    %broadcast_in_dim3A_337 = arith.constant -1 : i32
    %broadcast_in_dim3A_338 = vector.broadcast %broadcast_in_dim3A_337 : i32 to vector<16xi32>
    %swap3A_339 = arith.constant 1232 : index
    %swap3A_340 = tpu.vector_load %arg7[%swap3A_339] {strides = array<i32>} : memref<1792xi32, #tpu.memory_space<vmem>>, vector<16xi32>,
    tpu.vector_store %arg7[%swap3A_339], %broadcast_in_dim3A_338 {strides = array<i32>} : memref<1792xi32, #tpu.memory_space<vmem>>, vector<16xi32>,
    %broadcast_in_dim3A_341 = arith.constant -1 : i32
    %broadcast_in_dim3A_342 = vector.broadcast %broadcast_in_dim3A_341 : i32 to vector<16xi32>
    %swap3A_343 = arith.constant 1248 : index
    %swap3A_344 = tpu.vector_load %arg7[%swap3A_343] {strides = array<i32>} : memref<1792xi32, #tpu.memory_space<vmem>>, vector<16xi32>,
    tpu.vector_store %arg7[%swap3A_343], %broadcast_in_dim3A_342 {strides = array<i32>} : memref<1792xi32, #tpu.memory_space<vmem>>, vector<16xi32>,
    %broadcast_in_dim3A_345 = arith.constant -1 : i32
    %broadcast_in_dim3A_346 = vector.broadcast %broadcast_in_dim3A_345 : i32 to vector<16xi32>
    %swap3A_347 = arith.constant 1264 : index
    %swap3A_348 = tpu.vector_load %arg7[%swap3A_347] {strides = array<i32>} : memref<1792xi32, #tpu.memory_space<vmem>>, vector<16xi32>,
    tpu.vector_store %arg7[%swap3A_347], %broadcast_in_dim3A_346 {strides = array<i32>} : memref<1792xi32, #tpu.memory_space<vmem>>, vector<16xi32>,
    %broadcast_in_dim3A_349 = arith.constant -1 : i32
    %broadcast_in_dim3A_350 = vector.broadcast %broadcast_in_dim3A_349 : i32 to vector<16xi32>
    %swap3A_351 = arith.constant 1280 : index
    %swap3A_352 = tpu.vector_load %arg7[%swap3A_351] {strides = array<i32>} : memref<1792xi32, #tpu.memory_space<vmem>>, vector<16xi32>,
    tpu.vector_store %arg7[%swap3A_351], %broadcast_in_dim3A_350 {strides = array<i32>} : memref<1792xi32, #tpu.memory_space<vmem>>, vector<16xi32>,
    %broadcast_in_dim3A_353 = arith.constant -1 : i32
    %broadcast_in_dim3A_354 = vector.broadcast %broadcast_in_dim3A_353 : i32 to vector<16xi32>
    %swap3A_355 = arith.constant 1296 : index
    %swap3A_356 = tpu.vector_load %arg7[%swap3A_355] {strides = array<i32>} : memref<1792xi32, #tpu.memory_space<vmem>>, vector<16xi32>,
    tpu.vector_store %arg7[%swap3A_355], %broadcast_in_dim3A_354 {strides = array<i32>} : memref<1792xi32, #tpu.memory_space<vmem>>, vector<16xi32>,
    %broadcast_in_dim3A_357 = arith.constant -1 : i32
    %broadcast_in_dim3A_358 = vector.broadcast %broadcast_in_dim3A_357 : i32 to vector<16xi32>
    %swap3A_359 = arith.constant 1312 : index
    %swap3A_360 = tpu.vector_load %arg7[%swap3A_359] {strides = array<i32>} : memref<1792xi32, #tpu.memory_space<vmem>>, vector<16xi32>,
    tpu.vector_store %arg7[%swap3A_359], %broadcast_in_dim3A_358 {strides = array<i32>} : memref<1792xi32, #tpu.memory_space<vmem>>, vector<16xi32>,
    %broadcast_in_dim3A_361 = arith.constant -1 : i32
    %broadcast_in_dim3A_362 = vector.broadcast %broadcast_in_dim3A_361 : i32 to vector<16xi32>
    %swap3A_363 = arith.constant 1328 : index
    %swap3A_364 = tpu.vector_load %arg7[%swap3A_363] {strides = array<i32>} : memref<1792xi32, #tpu.memory_space<vmem>>, vector<16xi32>,
    tpu.vector_store %arg7[%swap3A_363], %broadcast_in_dim3A_362 {strides = array<i32>} : memref<1792xi32, #tpu.memory_space<vmem>>, vector<16xi32>,
    %broadcast_in_dim3A_365 = arith.constant -1 : i32
    %broadcast_in_dim3A_366 = vector.broadcast %broadcast_in_dim3A_365 : i32 to vector<16xi32>
    %swap3A_367 = arith.constant 1344 : index
    %swap3A_368 = tpu.vector_load %arg7[%swap3A_367] {strides = array<i32>} : memref<1792xi32, #tpu.memory_space<vmem>>, vector<16xi32>,
    tpu.vector_store %arg7[%swap3A_367], %broadcast_in_dim3A_366 {strides = array<i32>} : memref<1792xi32, #tpu.memory_space<vmem>>, vector<16xi32>,
    %broadcast_in_dim3A_369 = arith.constant -1 : i32
    %broadcast_in_dim3A_370 = vector.broadcast %broadcast_in_dim3A_369 : i32 to vector<16xi32>
    %swap3A_371 = arith.constant 1360 : index
    %swap3A_372 = tpu.vector_load %arg7[%swap3A_371] {strides = array<i32>} : memref<1792xi32, #tpu.memory_space<vmem>>, vector<16xi32>,
    tpu.vector_store %arg7[%swap3A_371], %broadcast_in_dim3A_370 {strides = array<i32>} : memref<1792xi32, #tpu.memory_space<vmem>>, vector<16xi32>,
    %broadcast_in_dim3A_373 = arith.constant -1 : i32
    %broadcast_in_dim3A_374 = vector.broadcast %broadcast_in_dim3A_373 : i32 to vector<16xi32>
    %swap3A_375 = arith.constant 1376 : index
    %swap3A_376 = tpu.vector_load %arg7[%swap3A_375] {strides = array<i32>} : memref<1792xi32, #tpu.memory_space<vmem>>, vector<16xi32>,
    tpu.vector_store %arg7[%swap3A_375], %broadcast_in_dim3A_374 {strides = array<i32>} : memref<1792xi32, #tpu.memory_space<vmem>>, vector<16xi32>,
    %broadcast_in_dim3A_377 = arith.constant -1 : i32
    %broadcast_in_dim3A_378 = vector.broadcast %broadcast_in_dim3A_377 : i32 to vector<16xi32>
    %swap3A_379 = arith.constant 1392 : index
    %swap3A_380 = tpu.vector_load %arg7[%swap3A_379] {strides = array<i32>} : memref<1792xi32, #tpu.memory_space<vmem>>, vector<16xi32>,
    tpu.vector_store %arg7[%swap3A_379], %broadcast_in_dim3A_378 {strides = array<i32>} : memref<1792xi32, #tpu.memory_space<vmem>>, vector<16xi32>,
    %broadcast_in_dim3A_381 = arith.constant -1 : i32
    %broadcast_in_dim3A_382 = vector.broadcast %broadcast_in_dim3A_381 : i32 to vector<16xi32>
    %swap3A_383 = arith.constant 1408 : index
    %swap3A_384 = tpu.vector_load %arg7[%swap3A_383] {strides = array<i32>} : memref<1792xi32, #tpu.memory_space<vmem>>, vector<16xi32>,
    tpu.vector_store %arg7[%swap3A_383], %broadcast_in_dim3A_382 {strides = array<i32>} : memref<1792xi32, #tpu.memory_space<vmem>>, vector<16xi32>,
    %broadcast_in_dim3A_385 = arith.constant -1 : i32
    %broadcast_in_dim3A_386 = vector.broadcast %broadcast_in_dim3A_385 : i32 to vector<16xi32>
    %swap3A_387 = arith.constant 1424 : index
    %swap3A_388 = tpu.vector_load %arg7[%swap3A_387] {strides = array<i32>} : memref<1792xi32, #tpu.memory_space<vmem>>, vector<16xi32>,
    tpu.vector_store %arg7[%swap3A_387], %broadcast_in_dim3A_386 {strides = array<i32>} : memref<1792xi32, #tpu.memory_space<vmem>>, vector<16xi32>,
    %broadcast_in_dim3A_389 = arith.constant -1 : i32
    %broadcast_in_dim3A_390 = vector.broadcast %broadcast_in_dim3A_389 : i32 to vector<16xi32>
    %swap3A_391 = arith.constant 1440 : index
    %swap3A_392 = tpu.vector_load %arg7[%swap3A_391] {strides = array<i32>} : memref<1792xi32, #tpu.memory_space<vmem>>, vector<16xi32>,
    tpu.vector_store %arg7[%swap3A_391], %broadcast_in_dim3A_390 {strides = array<i32>} : memref<1792xi32, #tpu.memory_space<vmem>>, vector<16xi32>,
    %broadcast_in_dim3A_393 = arith.constant -1 : i32
    %broadcast_in_dim3A_394 = vector.broadcast %broadcast_in_dim3A_393 : i32 to vector<16xi32>
    %swap3A_395 = arith.constant 1456 : index
    %swap3A_396 = tpu.vector_load %arg7[%swap3A_395] {strides = array<i32>} : memref<1792xi32, #tpu.memory_space<vmem>>, vector<16xi32>,
    tpu.vector_store %arg7[%swap3A_395], %broadcast_in_dim3A_394 {strides = array<i32>} : memref<1792xi32, #tpu.memory_space<vmem>>, vector<16xi32>,
    %broadcast_in_dim3A_397 = arith.constant -1 : i32
    %broadcast_in_dim3A_398 = vector.broadcast %broadcast_in_dim3A_397 : i32 to vector<16xi32>
    %swap3A_399 = arith.constant 1472 : index
    %swap3A_400 = tpu.vector_load %arg7[%swap3A_399] {strides = array<i32>} : memref<1792xi32, #tpu.memory_space<vmem>>, vector<16xi32>,
    tpu.vector_store %arg7[%swap3A_399], %broadcast_in_dim3A_398 {strides = array<i32>} : memref<1792xi32, #tpu.memory_space<vmem>>, vector<16xi32>,
    %broadcast_in_dim3A_401 = arith.constant -1 : i32
    %broadcast_in_dim3A_402 = vector.broadcast %broadcast_in_dim3A_401 : i32 to vector<16xi32>
    %swap3A_403 = arith.constant 1488 : index
    %swap3A_404 = tpu.vector_load %arg7[%swap3A_403] {strides = array<i32>} : memref<1792xi32, #tpu.memory_space<vmem>>, vector<16xi32>,
    tpu.vector_store %arg7[%swap3A_403], %broadcast_in_dim3A_402 {strides = array<i32>} : memref<1792xi32, #tpu.memory_space<vmem>>, vector<16xi32>,
    %broadcast_in_dim3A_405 = arith.constant -1 : i32
    %broadcast_in_dim3A_406 = vector.broadcast %broadcast_in_dim3A_405 : i32 to vector<16xi32>
    %swap3A_407 = arith.constant 1504 : index
    %swap3A_408 = tpu.vector_load %arg7[%swap3A_407] {strides = array<i32>} : memref<1792xi32, #tpu.memory_space<vmem>>, vector<16xi32>,
    tpu.vector_store %arg7[%swap3A_407], %broadcast_in_dim3A_406 {strides = array<i32>} : memref<1792xi32, #tpu.memory_space<vmem>>, vector<16xi32>,
    %broadcast_in_dim3A_409 = arith.constant -1 : i32
    %broadcast_in_dim3A_410 = vector.broadcast %broadcast_in_dim3A_409 : i32 to vector<16xi32>
    %swap3A_411 = arith.constant 1520 : index
    %swap3A_412 = tpu.vector_load %arg7[%swap3A_411] {strides = array<i32>} : memref<1792xi32, #tpu.memory_space<vmem>>, vector<16xi32>,
    tpu.vector_store %arg7[%swap3A_411], %broadcast_in_dim3A_410 {strides = array<i32>} : memref<1792xi32, #tpu.memory_space<vmem>>, vector<16xi32>,
    %broadcast_in_dim3A_413 = arith.constant -1 : i32
    %broadcast_in_dim3A_414 = vector.broadcast %broadcast_in_dim3A_413 : i32 to vector<16xi32>
    %swap3A_415 = arith.constant 1536 : index
    %swap3A_416 = tpu.vector_load %arg7[%swap3A_415] {strides = array<i32>} : memref<1792xi32, #tpu.memory_space<vmem>>, vector<16xi32>,
    tpu.vector_store %arg7[%swap3A_415], %broadcast_in_dim3A_414 {strides = array<i32>} : memref<1792xi32, #tpu.memory_space<vmem>>, vector<16xi32>,
    %broadcast_in_dim3A_417 = arith.constant -1 : i32
    %broadcast_in_dim3A_418 = vector.broadcast %broadcast_in_dim3A_417 : i32 to vector<16xi32>
    %swap3A_419 = arith.constant 1552 : index
    %swap3A_420 = tpu.vector_load %arg7[%swap3A_419] {strides = array<i32>} : memref<1792xi32, #tpu.memory_space<vmem>>, vector<16xi32>,
    tpu.vector_store %arg7[%swap3A_419], %broadcast_in_dim3A_418 {strides = array<i32>} : memref<1792xi32, #tpu.memory_space<vmem>>, vector<16xi32>,
    %broadcast_in_dim3A_421 = arith.constant -1 : i32
    %broadcast_in_dim3A_422 = vector.broadcast %broadcast_in_dim3A_421 : i32 to vector<16xi32>
    %swap3A_423 = arith.constant 1568 : index
    %swap3A_424 = tpu.vector_load %arg7[%swap3A_423] {strides = array<i32>} : memref<1792xi32, #tpu.memory_space<vmem>>, vector<16xi32>,
    tpu.vector_store %arg7[%swap3A_423], %broadcast_in_dim3A_422 {strides = array<i32>} : memref<1792xi32, #tpu.memory_space<vmem>>, vector<16xi32>,
    %broadcast_in_dim3A_425 = arith.constant -1 : i32
    %broadcast_in_dim3A_426 = vector.broadcast %broadcast_in_dim3A_425 : i32 to vector<16xi32>
    %swap3A_427 = arith.constant 1584 : index
    %swap3A_428 = tpu.vector_load %arg7[%swap3A_427] {strides = array<i32>} : memref<1792xi32, #tpu.memory_space<vmem>>, vector<16xi32>,
    tpu.vector_store %arg7[%swap3A_427], %broadcast_in_dim3A_426 {strides = array<i32>} : memref<1792xi32, #tpu.memory_space<vmem>>, vector<16xi32>,
    %broadcast_in_dim3A_429 = arith.constant -1 : i32
    %broadcast_in_dim3A_430 = vector.broadcast %broadcast_in_dim3A_429 : i32 to vector<16xi32>
    %swap3A_431 = arith.constant 1600 : index
    %swap3A_432 = tpu.vector_load %arg7[%swap3A_431] {strides = array<i32>} : memref<1792xi32, #tpu.memory_space<vmem>>, vector<16xi32>,
    tpu.vector_store %arg7[%swap3A_431], %broadcast_in_dim3A_430 {strides = array<i32>} : memref<1792xi32, #tpu.memory_space<vmem>>, vector<16xi32>,
    %broadcast_in_dim3A_433 = arith.constant -1 : i32
    %broadcast_in_dim3A_434 = vector.broadcast %broadcast_in_dim3A_433 : i32 to vector<16xi32>
    %swap3A_435 = arith.constant 1616 : index
    %swap3A_436 = tpu.vector_load %arg7[%swap3A_435] {strides = array<i32>} : memref<1792xi32, #tpu.memory_space<vmem>>, vector<16xi32>,
    tpu.vector_store %arg7[%swap3A_435], %broadcast_in_dim3A_434 {strides = array<i32>} : memref<1792xi32, #tpu.memory_space<vmem>>, vector<16xi32>,
    %broadcast_in_dim3A_437 = arith.constant -1 : i32
    %broadcast_in_dim3A_438 = vector.broadcast %broadcast_in_dim3A_437 : i32 to vector<16xi32>
    %swap3A_439 = arith.constant 1632 : index
    %swap3A_440 = tpu.vector_load %arg7[%swap3A_439] {strides = array<i32>} : memref<1792xi32, #tpu.memory_space<vmem>>, vector<16xi32>,
    tpu.vector_store %arg7[%swap3A_439], %broadcast_in_dim3A_438 {strides = array<i32>} : memref<1792xi32, #tpu.memory_space<vmem>>, vector<16xi32>,
    %broadcast_in_dim3A_441 = arith.constant -1 : i32
    %broadcast_in_dim3A_442 = vector.broadcast %broadcast_in_dim3A_441 : i32 to vector<16xi32>
    %swap3A_443 = arith.constant 1648 : index
    %swap3A_444 = tpu.vector_load %arg7[%swap3A_443] {strides = array<i32>} : memref<1792xi32, #tpu.memory_space<vmem>>, vector<16xi32>,
    tpu.vector_store %arg7[%swap3A_443], %broadcast_in_dim3A_442 {strides = array<i32>} : memref<1792xi32, #tpu.memory_space<vmem>>, vector<16xi32>,
    %broadcast_in_dim3A_445 = arith.constant -1 : i32
    %broadcast_in_dim3A_446 = vector.broadcast %broadcast_in_dim3A_445 : i32 to vector<16xi32>
    %swap3A_447 = arith.constant 1664 : index
    %swap3A_448 = tpu.vector_load %arg7[%swap3A_447] {strides = array<i32>} : memref<1792xi32, #tpu.memory_space<vmem>>, vector<16xi32>,
    tpu.vector_store %arg7[%swap3A_447], %broadcast_in_dim3A_446 {strides = array<i32>} : memref<1792xi32, #tpu.memory_space<vmem>>, vector<16xi32>,
    %broadcast_in_dim3A_449 = arith.constant -1 : i32
    %broadcast_in_dim3A_450 = vector.broadcast %broadcast_in_dim3A_449 : i32 to vector<16xi32>
    %swap3A_451 = arith.constant 1680 : index
    %swap3A_452 = tpu.vector_load %arg7[%swap3A_451] {strides = array<i32>} : memref<1792xi32, #tpu.memory_space<vmem>>, vector<16xi32>,
    tpu.vector_store %arg7[%swap3A_451], %broadcast_in_dim3A_450 {strides = array<i32>} : memref<1792xi32, #tpu.memory_space<vmem>>, vector<16xi32>,
    %broadcast_in_dim3A_453 = arith.constant -1 : i32
    %broadcast_in_dim3A_454 = vector.broadcast %broadcast_in_dim3A_453 : i32 to vector<16xi32>
    %swap3A_455 = arith.constant 1696 : index
    %swap3A_456 = tpu.vector_load %arg7[%swap3A_455] {strides = array<i32>} : memref<1792xi32, #tpu.memory_space<vmem>>, vector<16xi32>,
    tpu.vector_store %arg7[%swap3A_455], %broadcast_in_dim3A_454 {strides = array<i32>} : memref<1792xi32, #tpu.memory_space<vmem>>, vector<16xi32>,
    %broadcast_in_dim3A_457 = arith.constant -1 : i32
    %broadcast_in_dim3A_458 = vector.broadcast %broadcast_in_dim3A_457 : i32 to vector<16xi32>
    %swap3A_459 = arith.constant 1712 : index
    %swap3A_460 = tpu.vector_load %arg7[%swap3A_459] {strides = array<i32>} : memref<1792xi32, #tpu.memory_space<vmem>>, vector<16xi32>,
    tpu.vector_store %arg7[%swap3A_459], %broadcast_in_dim3A_458 {strides = array<i32>} : memref<1792xi32, #tpu.memory_space<vmem>>, vector<16xi32>,
    %broadcast_in_dim3A_461 = arith.constant -1 : i32
    %broadcast_in_dim3A_462 = vector.broadcast %broadcast_in_dim3A_461 : i32 to vector<16xi32>
    %swap3A_463 = arith.constant 1728 : index
    %swap3A_464 = tpu.vector_load %arg7[%swap3A_463] {strides = array<i32>} : memref<1792xi32, #tpu.memory_space<vmem>>, vector<16xi32>,
    tpu.vector_store %arg7[%swap3A_463], %broadcast_in_dim3A_462 {strides = array<i32>} : memref<1792xi32, #tpu.memory_space<vmem>>, vector<16xi32>,
    %broadcast_in_dim3A_465 = arith.constant -1 : i32
    %broadcast_in_dim3A_466 = vector.broadcast %broadcast_in_dim3A_465 : i32 to vector<16xi32>
    %swap3A_467 = arith.constant 1744 : index
    %swap3A_468 = tpu.vector_load %arg7[%swap3A_467] {strides = array<i32>} : memref<1792xi32, #tpu.memory_space<vmem>>, vector<16xi32>,
    tpu.vector_store %arg7[%swap3A_467], %broadcast_in_dim3A_466 {strides = array<i32>} : memref<1792xi32, #tpu.memory_space<vmem>>, vector<16xi32>,
    %broadcast_in_dim3A_469 = arith.constant -1 : i32
    %broadcast_in_dim3A_470 = vector.broadcast %broadcast_in_dim3A_469 : i32 to vector<16xi32>
    %swap3A_471 = arith.constant 1760 : index
    %swap3A_472 = tpu.vector_load %arg7[%swap3A_471] {strides = array<i32>} : memref<1792xi32, #tpu.memory_space<vmem>>, vector<16xi32>,
    tpu.vector_store %arg7[%swap3A_471], %broadcast_in_dim3A_470 {strides = array<i32>} : memref<1792xi32, #tpu.memory_space<vmem>>, vector<16xi32>,
    %broadcast_in_dim3A_473 = arith.constant -1 : i32
    %broadcast_in_dim3A_474 = vector.broadcast %broadcast_in_dim3A_473 : i32 to vector<16xi32>
    %swap3A_475 = arith.constant 1776 : index
    %swap3A_476 = tpu.vector_load %arg7[%swap3A_475] {strides = array<i32>} : memref<1792xi32, #tpu.memory_space<vmem>>, vector<16xi32>,
    tpu.vector_store %arg7[%swap3A_475], %broadcast_in_dim3A_474 {strides = array<i32>} : memref<1792xi32, #tpu.memory_space<vmem>>, vector<16xi32>,
    %mul3A_477 = arith.constant 1024 : i32
    %mul3A_478 = arith.muli %select_n3A_30, %mul3A_477 : i32
    %scan3A = arith.constant 0 : i32
    %scan3A_479 = arith.constant 0 : i32
    %scan3A_480 = arith.constant 64 : i32
    %scan3A_481 = arith.addi %scan3A_479, %scan3A_480 : i32
    %scan3A_482 = arith.constant 8 : i32
    scf.for %scan3A_1001 = %scan3A_479 to %scan3A_481 step %scan3A_482  : i32 {
      %mul3A_1002 = arith.constant 16 : i32
      %mul3A_1003 = arith.muli %scan3A_1001, %mul3A_1002 : i32
      %add3A_1004 = arith.addi %mul3A_478, %mul3A_1003 : i32
      %get3A_1005 = arith.index_cast %add3A_1004 : i32 to index
      %get3A_1006 = tpu.vector_load %arg6[%get3A_1005] {strides = array<i32>} : memref<2048xi32, #tpu.memory_space<vmem>>, vector<16xi32>,
      %mul3A_1007 = arith.constant 16 : i32
      %mul3A_1008 = arith.muli %scan3A_1001, %mul3A_1007 : i32
      %add3A_1009 = arith.addi %mul3A_478, %mul3A_1008 : i32
      %add3A_1010 = vector.broadcast %add3A_1009 : i32 to vector<16xi32>
      %add3A_1011 = arith.addi %add3A_1010, %iota3A : vector<16xi32>
      %ge3A_1012 = arith.constant 4 : i32
      %ge3A_1013 = vector.broadcast %ge3A_1012 : i32 to vector<16xi32>
      %ge3A_1014 = arith.cmpi sge, %get3A_1006, %ge3A_1013 : vector<16xi32>
      %le3A = arith.constant 103 : i32
      %le3A_1015 = vector.broadcast %le3A : i32 to vector<16xi32>
      %le3A_1016 = arith.cmpi sle, %get3A_1006, %le3A_1015 : vector<16xi32>
      %and3A_1017 = arith.andi %ge3A_1014, %le3A_1016 : vector<16xi1>
      %sub3A_1018 = arith.constant 4 : i32
      %sub3A_1019 = vector.broadcast %sub3A_1018 : i32 to vector<16xi32>
      %sub3A_1020 = arith.subi %get3A_1006, %sub3A_1019 : vector<16xi32>
      %jit3A_1021 = arith.constant 0 : i32
      %broadcast_in_dim3A_1022 = vector.broadcast %jit3A_1021 : i32 to vector<16xi32>
      %select_n3A_1023 = arith.select %and3A_1017, %sub3A_1020, %broadcast_in_dim3A_1022 : vector<16xi1>, vector<16xi32>
      %mul3A_1024 = arith.constant 112 : i32
      %mul3A_1025 = vector.broadcast %mul3A_1024 : i32 to vector<16xi32>
      %mul3A_1026 = arith.muli %iota3A, %mul3A_1025 : vector<16xi32>
      %add3A_1027 = arith.addi %mul3A_1026, %select_n3A_1023 : vector<16xi32>
      tpu.vector_store_idx %arg7[%add3A_1027], %add3A_1011 masked %and3A_1017 : memref<1792xi32, #tpu.memory_space<vmem>>[vector<16xi32>], vector<16xi32>, vector<16xi1>
      %scan3A_1028 = arith.constant 1 : i32
      %scan3A_1029 = arith.addi %scan3A_1001, %scan3A_1028 : i32
      %mul3A_1030 = arith.constant 16 : i32
      %mul3A_1031 = arith.muli %scan3A_1029, %mul3A_1030 : i32
      %add3A_1032 = arith.addi %mul3A_478, %mul3A_1031 : i32
      %get3A_1033 = arith.index_cast %add3A_1032 : i32 to index
      %get3A_1034 = tpu.vector_load %arg6[%get3A_1033] {strides = array<i32>} : memref<2048xi32, #tpu.memory_space<vmem>>, vector<16xi32>,
      %mul3A_1035 = arith.constant 16 : i32
      %mul3A_1036 = arith.muli %scan3A_1029, %mul3A_1035 : i32
      %add3A_1037 = arith.addi %mul3A_478, %mul3A_1036 : i32
      %add3A_1038 = vector.broadcast %add3A_1037 : i32 to vector<16xi32>
      %add3A_1039 = arith.addi %add3A_1038, %iota3A : vector<16xi32>
      %ge3A_1040 = arith.constant 4 : i32
      %ge3A_1041 = vector.broadcast %ge3A_1040 : i32 to vector<16xi32>
      %ge3A_1042 = arith.cmpi sge, %get3A_1034, %ge3A_1041 : vector<16xi32>
      %le3A_1043 = arith.constant 103 : i32
      %le3A_1044 = vector.broadcast %le3A_1043 : i32 to vector<16xi32>
      %le3A_1045 = arith.cmpi sle, %get3A_1034, %le3A_1044 : vector<16xi32>
      %and3A_1046 = arith.andi %ge3A_1042, %le3A_1045 : vector<16xi1>
      %sub3A_1047 = arith.constant 4 : i32
      %sub3A_1048 = vector.broadcast %sub3A_1047 : i32 to vector<16xi32>
      %sub3A_1049 = arith.subi %get3A_1034, %sub3A_1048 : vector<16xi32>
      %jit3A_1050 = arith.constant 0 : i32
      %broadcast_in_dim3A_1051 = vector.broadcast %jit3A_1050 : i32 to vector<16xi32>
      %select_n3A_1052 = arith.select %and3A_1046, %sub3A_1049, %broadcast_in_dim3A_1051 : vector<16xi1>, vector<16xi32>
      %mul3A_1053 = arith.constant 112 : i32
      %mul3A_1054 = vector.broadcast %mul3A_1053 : i32 to vector<16xi32>
      %mul3A_1055 = arith.muli %iota3A, %mul3A_1054 : vector<16xi32>
      %add3A_1056 = arith.addi %mul3A_1055, %select_n3A_1052 : vector<16xi32>
      tpu.vector_store_idx %arg7[%add3A_1056], %add3A_1039 masked %and3A_1046 : memref<1792xi32, #tpu.memory_space<vmem>>[vector<16xi32>], vector<16xi32>, vector<16xi1>
      %scan3A_1057 = arith.constant 2 : i32
      %scan3A_1058 = arith.addi %scan3A_1001, %scan3A_1057 : i32
      %mul3A_1059 = arith.constant 16 : i32
      %mul3A_1060 = arith.muli %scan3A_1058, %mul3A_1059 : i32
      %add3A_1061 = arith.addi %mul3A_478, %mul3A_1060 : i32
      %get3A_1062 = arith.index_cast %add3A_1061 : i32 to index
      %get3A_1063 = tpu.vector_load %arg6[%get3A_1062] {strides = array<i32>} : memref<2048xi32, #tpu.memory_space<vmem>>, vector<16xi32>,
      %mul3A_1064 = arith.constant 16 : i32
      %mul3A_1065 = arith.muli %scan3A_1058, %mul3A_1064 : i32
      %add3A_1066 = arith.addi %mul3A_478, %mul3A_1065 : i32
      %add3A_1067 = vector.broadcast %add3A_1066 : i32 to vector<16xi32>
      %add3A_1068 = arith.addi %add3A_1067, %iota3A : vector<16xi32>
      %ge3A_1069 = arith.constant 4 : i32
      %ge3A_1070 = vector.broadcast %ge3A_1069 : i32 to vector<16xi32>
      %ge3A_1071 = arith.cmpi sge, %get3A_1063, %ge3A_1070 : vector<16xi32>
      %le3A_1072 = arith.constant 103 : i32
      %le3A_1073 = vector.broadcast %le3A_1072 : i32 to vector<16xi32>
      %le3A_1074 = arith.cmpi sle, %get3A_1063, %le3A_1073 : vector<16xi32>
      %and3A_1075 = arith.andi %ge3A_1071, %le3A_1074 : vector<16xi1>
      %sub3A_1076 = arith.constant 4 : i32
      %sub3A_1077 = vector.broadcast %sub3A_1076 : i32 to vector<16xi32>
      %sub3A_1078 = arith.subi %get3A_1063, %sub3A_1077 : vector<16xi32>
      %jit3A_1079 = arith.constant 0 : i32
      %broadcast_in_dim3A_1080 = vector.broadcast %jit3A_1079 : i32 to vector<16xi32>
      %select_n3A_1081 = arith.select %and3A_1075, %sub3A_1078, %broadcast_in_dim3A_1080 : vector<16xi1>, vector<16xi32>
      %mul3A_1082 = arith.constant 112 : i32
      %mul3A_1083 = vector.broadcast %mul3A_1082 : i32 to vector<16xi32>
      %mul3A_1084 = arith.muli %iota3A, %mul3A_1083 : vector<16xi32>
      %add3A_1085 = arith.addi %mul3A_1084, %select_n3A_1081 : vector<16xi32>
      tpu.vector_store_idx %arg7[%add3A_1085], %add3A_1068 masked %and3A_1075 : memref<1792xi32, #tpu.memory_space<vmem>>[vector<16xi32>], vector<16xi32>, vector<16xi1>
      %scan3A_1086 = arith.constant 3 : i32
      %scan3A_1087 = arith.addi %scan3A_1001, %scan3A_1086 : i32
      %mul3A_1088 = arith.constant 16 : i32
      %mul3A_1089 = arith.muli %scan3A_1087, %mul3A_1088 : i32
      %add3A_1090 = arith.addi %mul3A_478, %mul3A_1089 : i32
      %get3A_1091 = arith.index_cast %add3A_1090 : i32 to index
      %get3A_1092 = tpu.vector_load %arg6[%get3A_1091] {strides = array<i32>} : memref<2048xi32, #tpu.memory_space<vmem>>, vector<16xi32>,
      %mul3A_1093 = arith.constant 16 : i32
      %mul3A_1094 = arith.muli %scan3A_1087, %mul3A_1093 : i32
      %add3A_1095 = arith.addi %mul3A_478, %mul3A_1094 : i32
      %add3A_1096 = vector.broadcast %add3A_1095 : i32 to vector<16xi32>
      %add3A_1097 = arith.addi %add3A_1096, %iota3A : vector<16xi32>
      %ge3A_1098 = arith.constant 4 : i32
      %ge3A_1099 = vector.broadcast %ge3A_1098 : i32 to vector<16xi32>
      %ge3A_1100 = arith.cmpi sge, %get3A_1092, %ge3A_1099 : vector<16xi32>
      %le3A_1101 = arith.constant 103 : i32
      %le3A_1102 = vector.broadcast %le3A_1101 : i32 to vector<16xi32>
      %le3A_1103 = arith.cmpi sle, %get3A_1092, %le3A_1102 : vector<16xi32>
      %and3A_1104 = arith.andi %ge3A_1100, %le3A_1103 : vector<16xi1>
      %sub3A_1105 = arith.constant 4 : i32
      %sub3A_1106 = vector.broadcast %sub3A_1105 : i32 to vector<16xi32>
      %sub3A_1107 = arith.subi %get3A_1092, %sub3A_1106 : vector<16xi32>
      %jit3A_1108 = arith.constant 0 : i32
      %broadcast_in_dim3A_1109 = vector.broadcast %jit3A_1108 : i32 to vector<16xi32>
      %select_n3A_1110 = arith.select %and3A_1104, %sub3A_1107, %broadcast_in_dim3A_1109 : vector<16xi1>, vector<16xi32>
      %mul3A_1111 = arith.constant 112 : i32
      %mul3A_1112 = vector.broadcast %mul3A_1111 : i32 to vector<16xi32>
      %mul3A_1113 = arith.muli %iota3A, %mul3A_1112 : vector<16xi32>
      %add3A_1114 = arith.addi %mul3A_1113, %select_n3A_1110 : vector<16xi32>
      tpu.vector_store_idx %arg7[%add3A_1114], %add3A_1097 masked %and3A_1104 : memref<1792xi32, #tpu.memory_space<vmem>>[vector<16xi32>], vector<16xi32>, vector<16xi1>
      %scan3A_1115 = arith.constant 4 : i32
      %scan3A_1116 = arith.addi %scan3A_1001, %scan3A_1115 : i32
      %mul3A_1117 = arith.constant 16 : i32
      %mul3A_1118 = arith.muli %scan3A_1116, %mul3A_1117 : i32
      %add3A_1119 = arith.addi %mul3A_478, %mul3A_1118 : i32
      %get3A_1120 = arith.index_cast %add3A_1119 : i32 to index
      %get3A_1121 = tpu.vector_load %arg6[%get3A_1120] {strides = array<i32>} : memref<2048xi32, #tpu.memory_space<vmem>>, vector<16xi32>,
      %mul3A_1122 = arith.constant 16 : i32
      %mul3A_1123 = arith.muli %scan3A_1116, %mul3A_1122 : i32
      %add3A_1124 = arith.addi %mul3A_478, %mul3A_1123 : i32
      %add3A_1125 = vector.broadcast %add3A_1124 : i32 to vector<16xi32>
      %add3A_1126 = arith.addi %add3A_1125, %iota3A : vector<16xi32>
      %ge3A_1127 = arith.constant 4 : i32
      %ge3A_1128 = vector.broadcast %ge3A_1127 : i32 to vector<16xi32>
      %ge3A_1129 = arith.cmpi sge, %get3A_1121, %ge3A_1128 : vector<16xi32>
      %le3A_1130 = arith.constant 103 : i32
      %le3A_1131 = vector.broadcast %le3A_1130 : i32 to vector<16xi32>
      %le3A_1132 = arith.cmpi sle, %get3A_1121, %le3A_1131 : vector<16xi32>
      %and3A_1133 = arith.andi %ge3A_1129, %le3A_1132 : vector<16xi1>
      %sub3A_1134 = arith.constant 4 : i32
      %sub3A_1135 = vector.broadcast %sub3A_1134 : i32 to vector<16xi32>
      %sub3A_1136 = arith.subi %get3A_1121, %sub3A_1135 : vector<16xi32>
      %jit3A_1137 = arith.constant 0 : i32
      %broadcast_in_dim3A_1138 = vector.broadcast %jit3A_1137 : i32 to vector<16xi32>
      %select_n3A_1139 = arith.select %and3A_1133, %sub3A_1136, %broadcast_in_dim3A_1138 : vector<16xi1>, vector<16xi32>
      %mul3A_1140 = arith.constant 112 : i32
      %mul3A_1141 = vector.broadcast %mul3A_1140 : i32 to vector<16xi32>
      %mul3A_1142 = arith.muli %iota3A, %mul3A_1141 : vector<16xi32>
      %add3A_1143 = arith.addi %mul3A_1142, %select_n3A_1139 : vector<16xi32>
      tpu.vector_store_idx %arg7[%add3A_1143], %add3A_1126 masked %and3A_1133 : memref<1792xi32, #tpu.memory_space<vmem>>[vector<16xi32>], vector<16xi32>, vector<16xi1>
      %scan3A_1144 = arith.constant 5 : i32
      %scan3A_1145 = arith.addi %scan3A_1001, %scan3A_1144 : i32
      %mul3A_1146 = arith.constant 16 : i32
      %mul3A_1147 = arith.muli %scan3A_1145, %mul3A_1146 : i32
      %add3A_1148 = arith.addi %mul3A_478, %mul3A_1147 : i32
      %get3A_1149 = arith.index_cast %add3A_1148 : i32 to index
      %get3A_1150 = tpu.vector_load %arg6[%get3A_1149] {strides = array<i32>} : memref<2048xi32, #tpu.memory_space<vmem>>, vector<16xi32>,
      %mul3A_1151 = arith.constant 16 : i32
      %mul3A_1152 = arith.muli %scan3A_1145, %mul3A_1151 : i32
      %add3A_1153 = arith.addi %mul3A_478, %mul3A_1152 : i32
      %add3A_1154 = vector.broadcast %add3A_1153 : i32 to vector<16xi32>
      %add3A_1155 = arith.addi %add3A_1154, %iota3A : vector<16xi32>
      %ge3A_1156 = arith.constant 4 : i32
      %ge3A_1157 = vector.broadcast %ge3A_1156 : i32 to vector<16xi32>
      %ge3A_1158 = arith.cmpi sge, %get3A_1150, %ge3A_1157 : vector<16xi32>
      %le3A_1159 = arith.constant 103 : i32
      %le3A_1160 = vector.broadcast %le3A_1159 : i32 to vector<16xi32>
      %le3A_1161 = arith.cmpi sle, %get3A_1150, %le3A_1160 : vector<16xi32>
      %and3A_1162 = arith.andi %ge3A_1158, %le3A_1161 : vector<16xi1>
      %sub3A_1163 = arith.constant 4 : i32
      %sub3A_1164 = vector.broadcast %sub3A_1163 : i32 to vector<16xi32>
      %sub3A_1165 = arith.subi %get3A_1150, %sub3A_1164 : vector<16xi32>
      %jit3A_1166 = arith.constant 0 : i32
      %broadcast_in_dim3A_1167 = vector.broadcast %jit3A_1166 : i32 to vector<16xi32>
      %select_n3A_1168 = arith.select %and3A_1162, %sub3A_1165, %broadcast_in_dim3A_1167 : vector<16xi1>, vector<16xi32>
      %mul3A_1169 = arith.constant 112 : i32
      %mul3A_1170 = vector.broadcast %mul3A_1169 : i32 to vector<16xi32>
      %mul3A_1171 = arith.muli %iota3A, %mul3A_1170 : vector<16xi32>
      %add3A_1172 = arith.addi %mul3A_1171, %select_n3A_1168 : vector<16xi32>
      tpu.vector_store_idx %arg7[%add3A_1172], %add3A_1155 masked %and3A_1162 : memref<1792xi32, #tpu.memory_space<vmem>>[vector<16xi32>], vector<16xi32>, vector<16xi1>
      %scan3A_1173 = arith.constant 6 : i32
      %scan3A_1174 = arith.addi %scan3A_1001, %scan3A_1173 : i32
      %mul3A_1175 = arith.constant 16 : i32
      %mul3A_1176 = arith.muli %scan3A_1174, %mul3A_1175 : i32
      %add3A_1177 = arith.addi %mul3A_478, %mul3A_1176 : i32
      %get3A_1178 = arith.index_cast %add3A_1177 : i32 to index
      %get3A_1179 = tpu.vector_load %arg6[%get3A_1178] {strides = array<i32>} : memref<2048xi32, #tpu.memory_space<vmem>>, vector<16xi32>,
      %mul3A_1180 = arith.constant 16 : i32
      %mul3A_1181 = arith.muli %scan3A_1174, %mul3A_1180 : i32
      %add3A_1182 = arith.addi %mul3A_478, %mul3A_1181 : i32
      %add3A_1183 = vector.broadcast %add3A_1182 : i32 to vector<16xi32>
      %add3A_1184 = arith.addi %add3A_1183, %iota3A : vector<16xi32>
      %ge3A_1185 = arith.constant 4 : i32
      %ge3A_1186 = vector.broadcast %ge3A_1185 : i32 to vector<16xi32>
      %ge3A_1187 = arith.cmpi sge, %get3A_1179, %ge3A_1186 : vector<16xi32>
      %le3A_1188 = arith.constant 103 : i32
      %le3A_1189 = vector.broadcast %le3A_1188 : i32 to vector<16xi32>
      %le3A_1190 = arith.cmpi sle, %get3A_1179, %le3A_1189 : vector<16xi32>
      %and3A_1191 = arith.andi %ge3A_1187, %le3A_1190 : vector<16xi1>
      %sub3A_1192 = arith.constant 4 : i32
      %sub3A_1193 = vector.broadcast %sub3A_1192 : i32 to vector<16xi32>
      %sub3A_1194 = arith.subi %get3A_1179, %sub3A_1193 : vector<16xi32>
      %jit3A_1195 = arith.constant 0 : i32
      %broadcast_in_dim3A_1196 = vector.broadcast %jit3A_1195 : i32 to vector<16xi32>
      %select_n3A_1197 = arith.select %and3A_1191, %sub3A_1194, %broadcast_in_dim3A_1196 : vector<16xi1>, vector<16xi32>
      %mul3A_1198 = arith.constant 112 : i32
      %mul3A_1199 = vector.broadcast %mul3A_1198 : i32 to vector<16xi32>
      %mul3A_1200 = arith.muli %iota3A, %mul3A_1199 : vector<16xi32>
      %add3A_1201 = arith.addi %mul3A_1200, %select_n3A_1197 : vector<16xi32>
      tpu.vector_store_idx %arg7[%add3A_1201], %add3A_1184 masked %and3A_1191 : memref<1792xi32, #tpu.memory_space<vmem>>[vector<16xi32>], vector<16xi32>, vector<16xi1>
      %scan3A_1202 = arith.constant 7 : i32
      %scan3A_1203 = arith.addi %scan3A_1001, %scan3A_1202 : i32
      %mul3A_1204 = arith.constant 16 : i32
      %mul3A_1205 = arith.muli %scan3A_1203, %mul3A_1204 : i32
      %add3A_1206 = arith.addi %mul3A_478, %mul3A_1205 : i32
      %get3A_1207 = arith.index_cast %add3A_1206 : i32 to index
      %get3A_1208 = tpu.vector_load %arg6[%get3A_1207] {strides = array<i32>} : memref<2048xi32, #tpu.memory_space<vmem>>, vector<16xi32>,
      %mul3A_1209 = arith.constant 16 : i32
      %mul3A_1210 = arith.muli %scan3A_1203, %mul3A_1209 : i32
      %add3A_1211 = arith.addi %mul3A_478, %mul3A_1210 : i32
      %add3A_1212 = vector.broadcast %add3A_1211 : i32 to vector<16xi32>
      %add3A_1213 = arith.addi %add3A_1212, %iota3A : vector<16xi32>
      %ge3A_1214 = arith.constant 4 : i32
      %ge3A_1215 = vector.broadcast %ge3A_1214 : i32 to vector<16xi32>
      %ge3A_1216 = arith.cmpi sge, %get3A_1208, %ge3A_1215 : vector<16xi32>
      %le3A_1217 = arith.constant 103 : i32
      %le3A_1218 = vector.broadcast %le3A_1217 : i32 to vector<16xi32>
      %le3A_1219 = arith.cmpi sle, %get3A_1208, %le3A_1218 : vector<16xi32>
      %and3A_1220 = arith.andi %ge3A_1216, %le3A_1219 : vector<16xi1>
      %sub3A_1221 = arith.constant 4 : i32
      %sub3A_1222 = vector.broadcast %sub3A_1221 : i32 to vector<16xi32>
      %sub3A_1223 = arith.subi %get3A_1208, %sub3A_1222 : vector<16xi32>
      %jit3A_1224 = arith.constant 0 : i32
      %broadcast_in_dim3A_1225 = vector.broadcast %jit3A_1224 : i32 to vector<16xi32>
      %select_n3A_1226 = arith.select %and3A_1220, %sub3A_1223, %broadcast_in_dim3A_1225 : vector<16xi1>, vector<16xi32>
      %mul3A_1227 = arith.constant 112 : i32
      %mul3A_1228 = vector.broadcast %mul3A_1227 : i32 to vector<16xi32>
      %mul3A_1229 = arith.muli %iota3A, %mul3A_1228 : vector<16xi32>
      %add3A_1230 = arith.addi %mul3A_1229, %select_n3A_1226 : vector<16xi32>
      tpu.vector_store_idx %arg7[%add3A_1230], %add3A_1213 masked %and3A_1220 : memref<1792xi32, #tpu.memory_space<vmem>>[vector<16xi32>], vector<16xi32>, vector<16xi1>
    }
    %scan3A_483 = arith.constant 64 : i32
    %broadcast_in_dim3A_484 = arith.constant -1 : i32
    %broadcast_in_dim3A_485 = vector.broadcast %broadcast_in_dim3A_484 : i32 to vector<16xi32>
    %get3A = arith.constant 0 : index
    %get3A_486 = tpu.vector_load %arg7[%get3A] {strides = array<i32>} : memref<1792xi32, #tpu.memory_space<vmem>>, vector<16xi32>,
    %max3A = arith.maxsi %broadcast_in_dim3A_485, %get3A_486 : vector<16xi32>
    %get3A_487 = arith.constant 112 : index
    %get3A_488 = tpu.vector_load %arg7[%get3A_487] {strides = array<i32>} : memref<1792xi32, #tpu.memory_space<vmem>>, vector<16xi32>,
    %max3A_489 = arith.maxsi %max3A, %get3A_488 : vector<16xi32>
    %get3A_490 = arith.constant 224 : index
    %get3A_491 = tpu.vector_load %arg7[%get3A_490] {strides = array<i32>} : memref<1792xi32, #tpu.memory_space<vmem>>, vector<16xi32>,
    %max3A_492 = arith.maxsi %max3A_489, %get3A_491 : vector<16xi32>
    %get3A_493 = arith.constant 336 : index
    %get3A_494 = tpu.vector_load %arg7[%get3A_493] {strides = array<i32>} : memref<1792xi32, #tpu.memory_space<vmem>>, vector<16xi32>,
    %max3A_495 = arith.maxsi %max3A_492, %get3A_494 : vector<16xi32>
    %get3A_496 = arith.constant 448 : index
    %get3A_497 = tpu.vector_load %arg7[%get3A_496] {strides = array<i32>} : memref<1792xi32, #tpu.memory_space<vmem>>, vector<16xi32>,
    %max3A_498 = arith.maxsi %max3A_495, %get3A_497 : vector<16xi32>
    %get3A_499 = arith.constant 560 : index
    %get3A_500 = tpu.vector_load %arg7[%get3A_499] {strides = array<i32>} : memref<1792xi32, #tpu.memory_space<vmem>>, vector<16xi32>,
    %max3A_501 = arith.maxsi %max3A_498, %get3A_500 : vector<16xi32>
    %get3A_502 = arith.constant 672 : index
    %get3A_503 = tpu.vector_load %arg7[%get3A_502] {strides = array<i32>} : memref<1792xi32, #tpu.memory_space<vmem>>, vector<16xi32>,
    %max3A_504 = arith.maxsi %max3A_501, %get3A_503 : vector<16xi32>
    %get3A_505 = arith.constant 784 : index
    %get3A_506 = tpu.vector_load %arg7[%get3A_505] {strides = array<i32>} : memref<1792xi32, #tpu.memory_space<vmem>>, vector<16xi32>,
    %max3A_507 = arith.maxsi %max3A_504, %get3A_506 : vector<16xi32>
    %get3A_508 = arith.constant 896 : index
    %get3A_509 = tpu.vector_load %arg7[%get3A_508] {strides = array<i32>} : memref<1792xi32, #tpu.memory_space<vmem>>, vector<16xi32>,
    %max3A_510 = arith.maxsi %max3A_507, %get3A_509 : vector<16xi32>
    %get3A_511 = arith.constant 1008 : index
    %get3A_512 = tpu.vector_load %arg7[%get3A_511] {strides = array<i32>} : memref<1792xi32, #tpu.memory_space<vmem>>, vector<16xi32>,
    %max3A_513 = arith.maxsi %max3A_510, %get3A_512 : vector<16xi32>
    %get3A_514 = arith.constant 1120 : index
    %get3A_515 = tpu.vector_load %arg7[%get3A_514] {strides = array<i32>} : memref<1792xi32, #tpu.memory_space<vmem>>, vector<16xi32>,
    %max3A_516 = arith.maxsi %max3A_513, %get3A_515 : vector<16xi32>
    %get3A_517 = arith.constant 1232 : index
    %get3A_518 = tpu.vector_load %arg7[%get3A_517] {strides = array<i32>} : memref<1792xi32, #tpu.memory_space<vmem>>, vector<16xi32>,
    %max3A_519 = arith.maxsi %max3A_516, %get3A_518 : vector<16xi32>
    %get3A_520 = arith.constant 1344 : index
    %get3A_521 = tpu.vector_load %arg7[%get3A_520] {strides = array<i32>} : memref<1792xi32, #tpu.memory_space<vmem>>, vector<16xi32>,
    %max3A_522 = arith.maxsi %max3A_519, %get3A_521 : vector<16xi32>
    %get3A_523 = arith.constant 1456 : index
    %get3A_524 = tpu.vector_load %arg7[%get3A_523] {strides = array<i32>} : memref<1792xi32, #tpu.memory_space<vmem>>, vector<16xi32>,
    %max3A_525 = arith.maxsi %max3A_522, %get3A_524 : vector<16xi32>
    %get3A_526 = arith.constant 1568 : index
    %get3A_527 = tpu.vector_load %arg7[%get3A_526] {strides = array<i32>} : memref<1792xi32, #tpu.memory_space<vmem>>, vector<16xi32>,
    %max3A_528 = arith.maxsi %max3A_525, %get3A_527 : vector<16xi32>
    %get3A_529 = arith.constant 1680 : index
    %get3A_530 = tpu.vector_load %arg7[%get3A_529] {strides = array<i32>} : memref<1792xi32, #tpu.memory_space<vmem>>, vector<16xi32>,
    %max3A_531 = arith.maxsi %max3A_528, %get3A_530 : vector<16xi32>
    %swap3A_532 = arith.constant 0 : index
    %swap3A_533 = tpu.vector_load %arg8[%swap3A_532] {strides = array<i32>} : memref<112xi32, #tpu.memory_space<vmem>>, vector<16xi32>,
    tpu.vector_store %arg8[%swap3A_532], %max3A_531 {strides = array<i32>} : memref<112xi32, #tpu.memory_space<vmem>>, vector<16xi32>,
    %broadcast_in_dim3A_534 = arith.constant -1 : i32
    %broadcast_in_dim3A_535 = vector.broadcast %broadcast_in_dim3A_534 : i32 to vector<16xi32>
    %get3A_536 = arith.constant 16 : index
    %get3A_537 = tpu.vector_load %arg7[%get3A_536] {strides = array<i32>} : memref<1792xi32, #tpu.memory_space<vmem>>, vector<16xi32>,
    %max3A_538 = arith.maxsi %broadcast_in_dim3A_535, %get3A_537 : vector<16xi32>
    %get3A_539 = arith.constant 128 : index
    %get3A_540 = tpu.vector_load %arg7[%get3A_539] {strides = array<i32>} : memref<1792xi32, #tpu.memory_space<vmem>>, vector<16xi32>,
    %max3A_541 = arith.maxsi %max3A_538, %get3A_540 : vector<16xi32>
    %get3A_542 = arith.constant 240 : index
    %get3A_543 = tpu.vector_load %arg7[%get3A_542] {strides = array<i32>} : memref<1792xi32, #tpu.memory_space<vmem>>, vector<16xi32>,
    %max3A_544 = arith.maxsi %max3A_541, %get3A_543 : vector<16xi32>
    %get3A_545 = arith.constant 352 : index
    %get3A_546 = tpu.vector_load %arg7[%get3A_545] {strides = array<i32>} : memref<1792xi32, #tpu.memory_space<vmem>>, vector<16xi32>,
    %max3A_547 = arith.maxsi %max3A_544, %get3A_546 : vector<16xi32>
    %get3A_548 = arith.constant 464 : index
    %get3A_549 = tpu.vector_load %arg7[%get3A_548] {strides = array<i32>} : memref<1792xi32, #tpu.memory_space<vmem>>, vector<16xi32>,
    %max3A_550 = arith.maxsi %max3A_547, %get3A_549 : vector<16xi32>
    %get3A_551 = arith.constant 576 : index
    %get3A_552 = tpu.vector_load %arg7[%get3A_551] {strides = array<i32>} : memref<1792xi32, #tpu.memory_space<vmem>>, vector<16xi32>,
    %max3A_553 = arith.maxsi %max3A_550, %get3A_552 : vector<16xi32>
    %get3A_554 = arith.constant 688 : index
    %get3A_555 = tpu.vector_load %arg7[%get3A_554] {strides = array<i32>} : memref<1792xi32, #tpu.memory_space<vmem>>, vector<16xi32>,
    %max3A_556 = arith.maxsi %max3A_553, %get3A_555 : vector<16xi32>
    %get3A_557 = arith.constant 800 : index
    %get3A_558 = tpu.vector_load %arg7[%get3A_557] {strides = array<i32>} : memref<1792xi32, #tpu.memory_space<vmem>>, vector<16xi32>,
    %max3A_559 = arith.maxsi %max3A_556, %get3A_558 : vector<16xi32>
    %get3A_560 = arith.constant 912 : index
    %get3A_561 = tpu.vector_load %arg7[%get3A_560] {strides = array<i32>} : memref<1792xi32, #tpu.memory_space<vmem>>, vector<16xi32>,
    %max3A_562 = arith.maxsi %max3A_559, %get3A_561 : vector<16xi32>
    %get3A_563 = arith.constant 1024 : index
    %get3A_564 = tpu.vector_load %arg7[%get3A_563] {strides = array<i32>} : memref<1792xi32, #tpu.memory_space<vmem>>, vector<16xi32>,
    %max3A_565 = arith.maxsi %max3A_562, %get3A_564 : vector<16xi32>
    %get3A_566 = arith.constant 1136 : index
    %get3A_567 = tpu.vector_load %arg7[%get3A_566] {strides = array<i32>} : memref<1792xi32, #tpu.memory_space<vmem>>, vector<16xi32>,
    %max3A_568 = arith.maxsi %max3A_565, %get3A_567 : vector<16xi32>
    %get3A_569 = arith.constant 1248 : index
    %get3A_570 = tpu.vector_load %arg7[%get3A_569] {strides = array<i32>} : memref<1792xi32, #tpu.memory_space<vmem>>, vector<16xi32>,
    %max3A_571 = arith.maxsi %max3A_568, %get3A_570 : vector<16xi32>
    %get3A_572 = arith.constant 1360 : index
    %get3A_573 = tpu.vector_load %arg7[%get3A_572] {strides = array<i32>} : memref<1792xi32, #tpu.memory_space<vmem>>, vector<16xi32>,
    %max3A_574 = arith.maxsi %max3A_571, %get3A_573 : vector<16xi32>
    %get3A_575 = arith.constant 1472 : index
    %get3A_576 = tpu.vector_load %arg7[%get3A_575] {strides = array<i32>} : memref<1792xi32, #tpu.memory_space<vmem>>, vector<16xi32>,
    %max3A_577 = arith.maxsi %max3A_574, %get3A_576 : vector<16xi32>
    %get3A_578 = arith.constant 1584 : index
    %get3A_579 = tpu.vector_load %arg7[%get3A_578] {strides = array<i32>} : memref<1792xi32, #tpu.memory_space<vmem>>, vector<16xi32>,
    %max3A_580 = arith.maxsi %max3A_577, %get3A_579 : vector<16xi32>
    %get3A_581 = arith.constant 1696 : index
    %get3A_582 = tpu.vector_load %arg7[%get3A_581] {strides = array<i32>} : memref<1792xi32, #tpu.memory_space<vmem>>, vector<16xi32>,
    %max3A_583 = arith.maxsi %max3A_580, %get3A_582 : vector<16xi32>
    %swap3A_584 = arith.constant 16 : index
    %swap3A_585 = tpu.vector_load %arg8[%swap3A_584] {strides = array<i32>} : memref<112xi32, #tpu.memory_space<vmem>>, vector<16xi32>,
    tpu.vector_store %arg8[%swap3A_584], %max3A_583 {strides = array<i32>} : memref<112xi32, #tpu.memory_space<vmem>>, vector<16xi32>,
    %broadcast_in_dim3A_586 = arith.constant -1 : i32
    %broadcast_in_dim3A_587 = vector.broadcast %broadcast_in_dim3A_586 : i32 to vector<16xi32>
    %get3A_588 = arith.constant 32 : index
    %get3A_589 = tpu.vector_load %arg7[%get3A_588] {strides = array<i32>} : memref<1792xi32, #tpu.memory_space<vmem>>, vector<16xi32>,
    %max3A_590 = arith.maxsi %broadcast_in_dim3A_587, %get3A_589 : vector<16xi32>
    %get3A_591 = arith.constant 144 : index
    %get3A_592 = tpu.vector_load %arg7[%get3A_591] {strides = array<i32>} : memref<1792xi32, #tpu.memory_space<vmem>>, vector<16xi32>,
    %max3A_593 = arith.maxsi %max3A_590, %get3A_592 : vector<16xi32>
    %get3A_594 = arith.constant 256 : index
    %get3A_595 = tpu.vector_load %arg7[%get3A_594] {strides = array<i32>} : memref<1792xi32, #tpu.memory_space<vmem>>, vector<16xi32>,
    %max3A_596 = arith.maxsi %max3A_593, %get3A_595 : vector<16xi32>
    %get3A_597 = arith.constant 368 : index
    %get3A_598 = tpu.vector_load %arg7[%get3A_597] {strides = array<i32>} : memref<1792xi32, #tpu.memory_space<vmem>>, vector<16xi32>,
    %max3A_599 = arith.maxsi %max3A_596, %get3A_598 : vector<16xi32>
    %get3A_600 = arith.constant 480 : index
    %get3A_601 = tpu.vector_load %arg7[%get3A_600] {strides = array<i32>} : memref<1792xi32, #tpu.memory_space<vmem>>, vector<16xi32>,
    %max3A_602 = arith.maxsi %max3A_599, %get3A_601 : vector<16xi32>
    %get3A_603 = arith.constant 592 : index
    %get3A_604 = tpu.vector_load %arg7[%get3A_603] {strides = array<i32>} : memref<1792xi32, #tpu.memory_space<vmem>>, vector<16xi32>,
    %max3A_605 = arith.maxsi %max3A_602, %get3A_604 : vector<16xi32>
    %get3A_606 = arith.constant 704 : index
    %get3A_607 = tpu.vector_load %arg7[%get3A_606] {strides = array<i32>} : memref<1792xi32, #tpu.memory_space<vmem>>, vector<16xi32>,
    %max3A_608 = arith.maxsi %max3A_605, %get3A_607 : vector<16xi32>
    %get3A_609 = arith.constant 816 : index
    %get3A_610 = tpu.vector_load %arg7[%get3A_609] {strides = array<i32>} : memref<1792xi32, #tpu.memory_space<vmem>>, vector<16xi32>,
    %max3A_611 = arith.maxsi %max3A_608, %get3A_610 : vector<16xi32>
    %get3A_612 = arith.constant 928 : index
    %get3A_613 = tpu.vector_load %arg7[%get3A_612] {strides = array<i32>} : memref<1792xi32, #tpu.memory_space<vmem>>, vector<16xi32>,
    %max3A_614 = arith.maxsi %max3A_611, %get3A_613 : vector<16xi32>
    %get3A_615 = arith.constant 1040 : index
    %get3A_616 = tpu.vector_load %arg7[%get3A_615] {strides = array<i32>} : memref<1792xi32, #tpu.memory_space<vmem>>, vector<16xi32>,
    %max3A_617 = arith.maxsi %max3A_614, %get3A_616 : vector<16xi32>
    %get3A_618 = arith.constant 1152 : index
    %get3A_619 = tpu.vector_load %arg7[%get3A_618] {strides = array<i32>} : memref<1792xi32, #tpu.memory_space<vmem>>, vector<16xi32>,
    %max3A_620 = arith.maxsi %max3A_617, %get3A_619 : vector<16xi32>
    %get3A_621 = arith.constant 1264 : index
    %get3A_622 = tpu.vector_load %arg7[%get3A_621] {strides = array<i32>} : memref<1792xi32, #tpu.memory_space<vmem>>, vector<16xi32>,
    %max3A_623 = arith.maxsi %max3A_620, %get3A_622 : vector<16xi32>
    %get3A_624 = arith.constant 1376 : index
    %get3A_625 = tpu.vector_load %arg7[%get3A_624] {strides = array<i32>} : memref<1792xi32, #tpu.memory_space<vmem>>, vector<16xi32>,
    %max3A_626 = arith.maxsi %max3A_623, %get3A_625 : vector<16xi32>
    %get3A_627 = arith.constant 1488 : index
    %get3A_628 = tpu.vector_load %arg7[%get3A_627] {strides = array<i32>} : memref<1792xi32, #tpu.memory_space<vmem>>, vector<16xi32>,
    %max3A_629 = arith.maxsi %max3A_626, %get3A_628 : vector<16xi32>
    %get3A_630 = arith.constant 1600 : index
    %get3A_631 = tpu.vector_load %arg7[%get3A_630] {strides = array<i32>} : memref<1792xi32, #tpu.memory_space<vmem>>, vector<16xi32>,
    %max3A_632 = arith.maxsi %max3A_629, %get3A_631 : vector<16xi32>
    %get3A_633 = arith.constant 1712 : index
    %get3A_634 = tpu.vector_load %arg7[%get3A_633] {strides = array<i32>} : memref<1792xi32, #tpu.memory_space<vmem>>, vector<16xi32>,
    %max3A_635 = arith.maxsi %max3A_632, %get3A_634 : vector<16xi32>
    %swap3A_636 = arith.constant 32 : index
    %swap3A_637 = tpu.vector_load %arg8[%swap3A_636] {strides = array<i32>} : memref<112xi32, #tpu.memory_space<vmem>>, vector<16xi32>,
    tpu.vector_store %arg8[%swap3A_636], %max3A_635 {strides = array<i32>} : memref<112xi32, #tpu.memory_space<vmem>>, vector<16xi32>,
    %broadcast_in_dim3A_638 = arith.constant -1 : i32
    %broadcast_in_dim3A_639 = vector.broadcast %broadcast_in_dim3A_638 : i32 to vector<16xi32>
    %get3A_640 = arith.constant 48 : index
    %get3A_641 = tpu.vector_load %arg7[%get3A_640] {strides = array<i32>} : memref<1792xi32, #tpu.memory_space<vmem>>, vector<16xi32>,
    %max3A_642 = arith.maxsi %broadcast_in_dim3A_639, %get3A_641 : vector<16xi32>
    %get3A_643 = arith.constant 160 : index
    %get3A_644 = tpu.vector_load %arg7[%get3A_643] {strides = array<i32>} : memref<1792xi32, #tpu.memory_space<vmem>>, vector<16xi32>,
    %max3A_645 = arith.maxsi %max3A_642, %get3A_644 : vector<16xi32>
    %get3A_646 = arith.constant 272 : index
    %get3A_647 = tpu.vector_load %arg7[%get3A_646] {strides = array<i32>} : memref<1792xi32, #tpu.memory_space<vmem>>, vector<16xi32>,
    %max3A_648 = arith.maxsi %max3A_645, %get3A_647 : vector<16xi32>
    %get3A_649 = arith.constant 384 : index
    %get3A_650 = tpu.vector_load %arg7[%get3A_649] {strides = array<i32>} : memref<1792xi32, #tpu.memory_space<vmem>>, vector<16xi32>,
    %max3A_651 = arith.maxsi %max3A_648, %get3A_650 : vector<16xi32>
    %get3A_652 = arith.constant 496 : index
    %get3A_653 = tpu.vector_load %arg7[%get3A_652] {strides = array<i32>} : memref<1792xi32, #tpu.memory_space<vmem>>, vector<16xi32>,
    %max3A_654 = arith.maxsi %max3A_651, %get3A_653 : vector<16xi32>
    %get3A_655 = arith.constant 608 : index
    %get3A_656 = tpu.vector_load %arg7[%get3A_655] {strides = array<i32>} : memref<1792xi32, #tpu.memory_space<vmem>>, vector<16xi32>,
    %max3A_657 = arith.maxsi %max3A_654, %get3A_656 : vector<16xi32>
    %get3A_658 = arith.constant 720 : index
    %get3A_659 = tpu.vector_load %arg7[%get3A_658] {strides = array<i32>} : memref<1792xi32, #tpu.memory_space<vmem>>, vector<16xi32>,
    %max3A_660 = arith.maxsi %max3A_657, %get3A_659 : vector<16xi32>
    %get3A_661 = arith.constant 832 : index
    %get3A_662 = tpu.vector_load %arg7[%get3A_661] {strides = array<i32>} : memref<1792xi32, #tpu.memory_space<vmem>>, vector<16xi32>,
    %max3A_663 = arith.maxsi %max3A_660, %get3A_662 : vector<16xi32>
    %get3A_664 = arith.constant 944 : index
    %get3A_665 = tpu.vector_load %arg7[%get3A_664] {strides = array<i32>} : memref<1792xi32, #tpu.memory_space<vmem>>, vector<16xi32>,
    %max3A_666 = arith.maxsi %max3A_663, %get3A_665 : vector<16xi32>
    %get3A_667 = arith.constant 1056 : index
    %get3A_668 = tpu.vector_load %arg7[%get3A_667] {strides = array<i32>} : memref<1792xi32, #tpu.memory_space<vmem>>, vector<16xi32>,
    %max3A_669 = arith.maxsi %max3A_666, %get3A_668 : vector<16xi32>
    %get3A_670 = arith.constant 1168 : index
    %get3A_671 = tpu.vector_load %arg7[%get3A_670] {strides = array<i32>} : memref<1792xi32, #tpu.memory_space<vmem>>, vector<16xi32>,
    %max3A_672 = arith.maxsi %max3A_669, %get3A_671 : vector<16xi32>
    %get3A_673 = arith.constant 1280 : index
    %get3A_674 = tpu.vector_load %arg7[%get3A_673] {strides = array<i32>} : memref<1792xi32, #tpu.memory_space<vmem>>, vector<16xi32>,
    %max3A_675 = arith.maxsi %max3A_672, %get3A_674 : vector<16xi32>
    %get3A_676 = arith.constant 1392 : index
    %get3A_677 = tpu.vector_load %arg7[%get3A_676] {strides = array<i32>} : memref<1792xi32, #tpu.memory_space<vmem>>, vector<16xi32>,
    %max3A_678 = arith.maxsi %max3A_675, %get3A_677 : vector<16xi32>
    %get3A_679 = arith.constant 1504 : index
    %get3A_680 = tpu.vector_load %arg7[%get3A_679] {strides = array<i32>} : memref<1792xi32, #tpu.memory_space<vmem>>, vector<16xi32>,
    %max3A_681 = arith.maxsi %max3A_678, %get3A_680 : vector<16xi32>
    %get3A_682 = arith.constant 1616 : index
    %get3A_683 = tpu.vector_load %arg7[%get3A_682] {strides = array<i32>} : memref<1792xi32, #tpu.memory_space<vmem>>, vector<16xi32>,
    %max3A_684 = arith.maxsi %max3A_681, %get3A_683 : vector<16xi32>
    %get3A_685 = arith.constant 1728 : index
    %get3A_686 = tpu.vector_load %arg7[%get3A_685] {strides = array<i32>} : memref<1792xi32, #tpu.memory_space<vmem>>, vector<16xi32>,
    %max3A_687 = arith.maxsi %max3A_684, %get3A_686 : vector<16xi32>
    %swap3A_688 = arith.constant 48 : index
    %swap3A_689 = tpu.vector_load %arg8[%swap3A_688] {strides = array<i32>} : memref<112xi32, #tpu.memory_space<vmem>>, vector<16xi32>,
    tpu.vector_store %arg8[%swap3A_688], %max3A_687 {strides = array<i32>} : memref<112xi32, #tpu.memory_space<vmem>>, vector<16xi32>,
    %broadcast_in_dim3A_690 = arith.constant -1 : i32
    %broadcast_in_dim3A_691 = vector.broadcast %broadcast_in_dim3A_690 : i32 to vector<16xi32>
    %get3A_692 = arith.constant 64 : index
    %get3A_693 = tpu.vector_load %arg7[%get3A_692] {strides = array<i32>} : memref<1792xi32, #tpu.memory_space<vmem>>, vector<16xi32>,
    %max3A_694 = arith.maxsi %broadcast_in_dim3A_691, %get3A_693 : vector<16xi32>
    %get3A_695 = arith.constant 176 : index
    %get3A_696 = tpu.vector_load %arg7[%get3A_695] {strides = array<i32>} : memref<1792xi32, #tpu.memory_space<vmem>>, vector<16xi32>,
    %max3A_697 = arith.maxsi %max3A_694, %get3A_696 : vector<16xi32>
    %get3A_698 = arith.constant 288 : index
    %get3A_699 = tpu.vector_load %arg7[%get3A_698] {strides = array<i32>} : memref<1792xi32, #tpu.memory_space<vmem>>, vector<16xi32>,
    %max3A_700 = arith.maxsi %max3A_697, %get3A_699 : vector<16xi32>
    %get3A_701 = arith.constant 400 : index
    %get3A_702 = tpu.vector_load %arg7[%get3A_701] {strides = array<i32>} : memref<1792xi32, #tpu.memory_space<vmem>>, vector<16xi32>,
    %max3A_703 = arith.maxsi %max3A_700, %get3A_702 : vector<16xi32>
    %get3A_704 = arith.constant 512 : index
    %get3A_705 = tpu.vector_load %arg7[%get3A_704] {strides = array<i32>} : memref<1792xi32, #tpu.memory_space<vmem>>, vector<16xi32>,
    %max3A_706 = arith.maxsi %max3A_703, %get3A_705 : vector<16xi32>
    %get3A_707 = arith.constant 624 : index
    %get3A_708 = tpu.vector_load %arg7[%get3A_707] {strides = array<i32>} : memref<1792xi32, #tpu.memory_space<vmem>>, vector<16xi32>,
    %max3A_709 = arith.maxsi %max3A_706, %get3A_708 : vector<16xi32>
    %get3A_710 = arith.constant 736 : index
    %get3A_711 = tpu.vector_load %arg7[%get3A_710] {strides = array<i32>} : memref<1792xi32, #tpu.memory_space<vmem>>, vector<16xi32>,
    %max3A_712 = arith.maxsi %max3A_709, %get3A_711 : vector<16xi32>
    %get3A_713 = arith.constant 848 : index
    %get3A_714 = tpu.vector_load %arg7[%get3A_713] {strides = array<i32>} : memref<1792xi32, #tpu.memory_space<vmem>>, vector<16xi32>,
    %max3A_715 = arith.maxsi %max3A_712, %get3A_714 : vector<16xi32>
    %get3A_716 = arith.constant 960 : index
    %get3A_717 = tpu.vector_load %arg7[%get3A_716] {strides = array<i32>} : memref<1792xi32, #tpu.memory_space<vmem>>, vector<16xi32>,
    %max3A_718 = arith.maxsi %max3A_715, %get3A_717 : vector<16xi32>
    %get3A_719 = arith.constant 1072 : index
    %get3A_720 = tpu.vector_load %arg7[%get3A_719] {strides = array<i32>} : memref<1792xi32, #tpu.memory_space<vmem>>, vector<16xi32>,
    %max3A_721 = arith.maxsi %max3A_718, %get3A_720 : vector<16xi32>
    %get3A_722 = arith.constant 1184 : index
    %get3A_723 = tpu.vector_load %arg7[%get3A_722] {strides = array<i32>} : memref<1792xi32, #tpu.memory_space<vmem>>, vector<16xi32>,
    %max3A_724 = arith.maxsi %max3A_721, %get3A_723 : vector<16xi32>
    %get3A_725 = arith.constant 1296 : index
    %get3A_726 = tpu.vector_load %arg7[%get3A_725] {strides = array<i32>} : memref<1792xi32, #tpu.memory_space<vmem>>, vector<16xi32>,
    %max3A_727 = arith.maxsi %max3A_724, %get3A_726 : vector<16xi32>
    %get3A_728 = arith.constant 1408 : index
    %get3A_729 = tpu.vector_load %arg7[%get3A_728] {strides = array<i32>} : memref<1792xi32, #tpu.memory_space<vmem>>, vector<16xi32>,
    %max3A_730 = arith.maxsi %max3A_727, %get3A_729 : vector<16xi32>
    %get3A_731 = arith.constant 1520 : index
    %get3A_732 = tpu.vector_load %arg7[%get3A_731] {strides = array<i32>} : memref<1792xi32, #tpu.memory_space<vmem>>, vector<16xi32>,
    %max3A_733 = arith.maxsi %max3A_730, %get3A_732 : vector<16xi32>
    %get3A_734 = arith.constant 1632 : index
    %get3A_735 = tpu.vector_load %arg7[%get3A_734] {strides = array<i32>} : memref<1792xi32, #tpu.memory_space<vmem>>, vector<16xi32>,
    %max3A_736 = arith.maxsi %max3A_733, %get3A_735 : vector<16xi32>
    %get3A_737 = arith.constant 1744 : index
    %get3A_738 = tpu.vector_load %arg7[%get3A_737] {strides = array<i32>} : memref<1792xi32, #tpu.memory_space<vmem>>, vector<16xi32>,
    %max3A_739 = arith.maxsi %max3A_736, %get3A_738 : vector<16xi32>
    %swap3A_740 = arith.constant 64 : index
    %swap3A_741 = tpu.vector_load %arg8[%swap3A_740] {strides = array<i32>} : memref<112xi32, #tpu.memory_space<vmem>>, vector<16xi32>,
    tpu.vector_store %arg8[%swap3A_740], %max3A_739 {strides = array<i32>} : memref<112xi32, #tpu.memory_space<vmem>>, vector<16xi32>,
    %broadcast_in_dim3A_742 = arith.constant -1 : i32
    %broadcast_in_dim3A_743 = vector.broadcast %broadcast_in_dim3A_742 : i32 to vector<16xi32>
    %get3A_744 = arith.constant 80 : index
    %get3A_745 = tpu.vector_load %arg7[%get3A_744] {strides = array<i32>} : memref<1792xi32, #tpu.memory_space<vmem>>, vector<16xi32>,
    %max3A_746 = arith.maxsi %broadcast_in_dim3A_743, %get3A_745 : vector<16xi32>
    %get3A_747 = arith.constant 192 : index
    %get3A_748 = tpu.vector_load %arg7[%get3A_747] {strides = array<i32>} : memref<1792xi32, #tpu.memory_space<vmem>>, vector<16xi32>,
    %max3A_749 = arith.maxsi %max3A_746, %get3A_748 : vector<16xi32>
    %get3A_750 = arith.constant 304 : index
    %get3A_751 = tpu.vector_load %arg7[%get3A_750] {strides = array<i32>} : memref<1792xi32, #tpu.memory_space<vmem>>, vector<16xi32>,
    %max3A_752 = arith.maxsi %max3A_749, %get3A_751 : vector<16xi32>
    %get3A_753 = arith.constant 416 : index
    %get3A_754 = tpu.vector_load %arg7[%get3A_753] {strides = array<i32>} : memref<1792xi32, #tpu.memory_space<vmem>>, vector<16xi32>,
    %max3A_755 = arith.maxsi %max3A_752, %get3A_754 : vector<16xi32>
    %get3A_756 = arith.constant 528 : index
    %get3A_757 = tpu.vector_load %arg7[%get3A_756] {strides = array<i32>} : memref<1792xi32, #tpu.memory_space<vmem>>, vector<16xi32>,
    %max3A_758 = arith.maxsi %max3A_755, %get3A_757 : vector<16xi32>
    %get3A_759 = arith.constant 640 : index
    %get3A_760 = tpu.vector_load %arg7[%get3A_759] {strides = array<i32>} : memref<1792xi32, #tpu.memory_space<vmem>>, vector<16xi32>,
    %max3A_761 = arith.maxsi %max3A_758, %get3A_760 : vector<16xi32>
    %get3A_762 = arith.constant 752 : index
    %get3A_763 = tpu.vector_load %arg7[%get3A_762] {strides = array<i32>} : memref<1792xi32, #tpu.memory_space<vmem>>, vector<16xi32>,
    %max3A_764 = arith.maxsi %max3A_761, %get3A_763 : vector<16xi32>
    %get3A_765 = arith.constant 864 : index
    %get3A_766 = tpu.vector_load %arg7[%get3A_765] {strides = array<i32>} : memref<1792xi32, #tpu.memory_space<vmem>>, vector<16xi32>,
    %max3A_767 = arith.maxsi %max3A_764, %get3A_766 : vector<16xi32>
    %get3A_768 = arith.constant 976 : index
    %get3A_769 = tpu.vector_load %arg7[%get3A_768] {strides = array<i32>} : memref<1792xi32, #tpu.memory_space<vmem>>, vector<16xi32>,
    %max3A_770 = arith.maxsi %max3A_767, %get3A_769 : vector<16xi32>
    %get3A_771 = arith.constant 1088 : index
    %get3A_772 = tpu.vector_load %arg7[%get3A_771] {strides = array<i32>} : memref<1792xi32, #tpu.memory_space<vmem>>, vector<16xi32>,
    %max3A_773 = arith.maxsi %max3A_770, %get3A_772 : vector<16xi32>
    %get3A_774 = arith.constant 1200 : index
    %get3A_775 = tpu.vector_load %arg7[%get3A_774] {strides = array<i32>} : memref<1792xi32, #tpu.memory_space<vmem>>, vector<16xi32>,
    %max3A_776 = arith.maxsi %max3A_773, %get3A_775 : vector<16xi32>
    %get3A_777 = arith.constant 1312 : index
    %get3A_778 = tpu.vector_load %arg7[%get3A_777] {strides = array<i32>} : memref<1792xi32, #tpu.memory_space<vmem>>, vector<16xi32>,
    %max3A_779 = arith.maxsi %max3A_776, %get3A_778 : vector<16xi32>
    %get3A_780 = arith.constant 1424 : index
    %get3A_781 = tpu.vector_load %arg7[%get3A_780] {strides = array<i32>} : memref<1792xi32, #tpu.memory_space<vmem>>, vector<16xi32>,
    %max3A_782 = arith.maxsi %max3A_779, %get3A_781 : vector<16xi32>
    %get3A_783 = arith.constant 1536 : index
    %get3A_784 = tpu.vector_load %arg7[%get3A_783] {strides = array<i32>} : memref<1792xi32, #tpu.memory_space<vmem>>, vector<16xi32>,
    %max3A_785 = arith.maxsi %max3A_782, %get3A_784 : vector<16xi32>
    %get3A_786 = arith.constant 1648 : index
    %get3A_787 = tpu.vector_load %arg7[%get3A_786] {strides = array<i32>} : memref<1792xi32, #tpu.memory_space<vmem>>, vector<16xi32>,
    %max3A_788 = arith.maxsi %max3A_785, %get3A_787 : vector<16xi32>
    %get3A_789 = arith.constant 1760 : index
    %get3A_790 = tpu.vector_load %arg7[%get3A_789] {strides = array<i32>} : memref<1792xi32, #tpu.memory_space<vmem>>, vector<16xi32>,
    %max3A_791 = arith.maxsi %max3A_788, %get3A_790 : vector<16xi32>
    %swap3A_792 = arith.constant 80 : index
    %swap3A_793 = tpu.vector_load %arg8[%swap3A_792] {strides = array<i32>} : memref<112xi32, #tpu.memory_space<vmem>>, vector<16xi32>,
    tpu.vector_store %arg8[%swap3A_792], %max3A_791 {strides = array<i32>} : memref<112xi32, #tpu.memory_space<vmem>>, vector<16xi32>,
    %broadcast_in_dim3A_794 = arith.constant -1 : i32
    %broadcast_in_dim3A_795 = vector.broadcast %broadcast_in_dim3A_794 : i32 to vector<16xi32>
    %get3A_796 = arith.constant 96 : index
    %get3A_797 = tpu.vector_load %arg7[%get3A_796] {strides = array<i32>} : memref<1792xi32, #tpu.memory_space<vmem>>, vector<16xi32>,
    %max3A_798 = arith.maxsi %broadcast_in_dim3A_795, %get3A_797 : vector<16xi32>
    %get3A_799 = arith.constant 208 : index
    %get3A_800 = tpu.vector_load %arg7[%get3A_799] {strides = array<i32>} : memref<1792xi32, #tpu.memory_space<vmem>>, vector<16xi32>,
    %max3A_801 = arith.maxsi %max3A_798, %get3A_800 : vector<16xi32>
    %get3A_802 = arith.constant 320 : index
    %get3A_803 = tpu.vector_load %arg7[%get3A_802] {strides = array<i32>} : memref<1792xi32, #tpu.memory_space<vmem>>, vector<16xi32>,
    %max3A_804 = arith.maxsi %max3A_801, %get3A_803 : vector<16xi32>
    %get3A_805 = arith.constant 432 : index
    %get3A_806 = tpu.vector_load %arg7[%get3A_805] {strides = array<i32>} : memref<1792xi32, #tpu.memory_space<vmem>>, vector<16xi32>,
    %max3A_807 = arith.maxsi %max3A_804, %get3A_806 : vector<16xi32>
    %get3A_808 = arith.constant 544 : index
    %get3A_809 = tpu.vector_load %arg7[%get3A_808] {strides = array<i32>} : memref<1792xi32, #tpu.memory_space<vmem>>, vector<16xi32>,
    %max3A_810 = arith.maxsi %max3A_807, %get3A_809 : vector<16xi32>
    %get3A_811 = arith.constant 656 : index
    %get3A_812 = tpu.vector_load %arg7[%get3A_811] {strides = array<i32>} : memref<1792xi32, #tpu.memory_space<vmem>>, vector<16xi32>,
    %max3A_813 = arith.maxsi %max3A_810, %get3A_812 : vector<16xi32>
    %get3A_814 = arith.constant 768 : index
    %get3A_815 = tpu.vector_load %arg7[%get3A_814] {strides = array<i32>} : memref<1792xi32, #tpu.memory_space<vmem>>, vector<16xi32>,
    %max3A_816 = arith.maxsi %max3A_813, %get3A_815 : vector<16xi32>
    %get3A_817 = arith.constant 880 : index
    %get3A_818 = tpu.vector_load %arg7[%get3A_817] {strides = array<i32>} : memref<1792xi32, #tpu.memory_space<vmem>>, vector<16xi32>,
    %max3A_819 = arith.maxsi %max3A_816, %get3A_818 : vector<16xi32>
    %get3A_820 = arith.constant 992 : index
    %get3A_821 = tpu.vector_load %arg7[%get3A_820] {strides = array<i32>} : memref<1792xi32, #tpu.memory_space<vmem>>, vector<16xi32>,
    %max3A_822 = arith.maxsi %max3A_819, %get3A_821 : vector<16xi32>
    %get3A_823 = arith.constant 1104 : index
    %get3A_824 = tpu.vector_load %arg7[%get3A_823] {strides = array<i32>} : memref<1792xi32, #tpu.memory_space<vmem>>, vector<16xi32>,
    %max3A_825 = arith.maxsi %max3A_822, %get3A_824 : vector<16xi32>
    %get3A_826 = arith.constant 1216 : index
    %get3A_827 = tpu.vector_load %arg7[%get3A_826] {strides = array<i32>} : memref<1792xi32, #tpu.memory_space<vmem>>, vector<16xi32>,
    %max3A_828 = arith.maxsi %max3A_825, %get3A_827 : vector<16xi32>
    %get3A_829 = arith.constant 1328 : index
    %get3A_830 = tpu.vector_load %arg7[%get3A_829] {strides = array<i32>} : memref<1792xi32, #tpu.memory_space<vmem>>, vector<16xi32>,
    %max3A_831 = arith.maxsi %max3A_828, %get3A_830 : vector<16xi32>
    %get3A_832 = arith.constant 1440 : index
    %get3A_833 = tpu.vector_load %arg7[%get3A_832] {strides = array<i32>} : memref<1792xi32, #tpu.memory_space<vmem>>, vector<16xi32>,
    %max3A_834 = arith.maxsi %max3A_831, %get3A_833 : vector<16xi32>
    %get3A_835 = arith.constant 1552 : index
    %get3A_836 = tpu.vector_load %arg7[%get3A_835] {strides = array<i32>} : memref<1792xi32, #tpu.memory_space<vmem>>, vector<16xi32>,
    %max3A_837 = arith.maxsi %max3A_834, %get3A_836 : vector<16xi32>
    %get3A_838 = arith.constant 1664 : index
    %get3A_839 = tpu.vector_load %arg7[%get3A_838] {strides = array<i32>} : memref<1792xi32, #tpu.memory_space<vmem>>, vector<16xi32>,
    %max3A_840 = arith.maxsi %max3A_837, %get3A_839 : vector<16xi32>
    %get3A_841 = arith.constant 1776 : index
    %get3A_842 = tpu.vector_load %arg7[%get3A_841] {strides = array<i32>} : memref<1792xi32, #tpu.memory_space<vmem>>, vector<16xi32>,
    %max3A_843 = arith.maxsi %max3A_840, %get3A_842 : vector<16xi32>
    %swap3A_844 = arith.constant 96 : index
    %swap3A_845 = tpu.vector_load %arg8[%swap3A_844] {strides = array<i32>} : memref<112xi32, #tpu.memory_space<vmem>>, vector<16xi32>,
    tpu.vector_store %arg8[%swap3A_844], %max3A_843 {strides = array<i32>} : memref<112xi32, #tpu.memory_space<vmem>>, vector<16xi32>,
    "tpu.region"() ({
      %run_scoped3A = tpu.sem_alloc : memref<!tpu.dma_semaphore, #tpu.memory_space<semaphore_mem>>
      %dma_start3A_1001 = arith.constant 0 : i32
      %dma_start3A_1002 = tpu.memref_slice %arg13[%arg1, %dma_start3A_1001] : memref<16x128xi32, #tpu.memory_space<vmem_shared>> -> memref<1x112xi32, #tpu.memory_space<vmem_shared>>
      %dma_start3A_1003 = tpu.memref_squeeze %dma_start3A_1002 : memref<1x112xi32, #tpu.memory_space<vmem_shared>> -> memref<112xi32, #tpu.memory_space<vmem_shared>>
      %dma_start3A_1004 = arith.constant 0 : i32
      %dma_start3A_1005 = tpu.memref_slice %arg13[%arg1, %dma_start3A_1004] : memref<16x128xi32, #tpu.memory_space<vmem_shared>> -> memref<1x112xi32, #tpu.memory_space<vmem_shared>>
      %dma_start3A_1006 = tpu.memref_squeeze %dma_start3A_1005 : memref<1x112xi32, #tpu.memory_space<vmem_shared>> -> memref<112xi32, #tpu.memory_space<vmem_shared>>
      tpu.enqueue_dma source(%arg8 : memref<112xi32, #tpu.memory_space<vmem>>) target(%dma_start3A_1006 : memref<112xi32, #tpu.memory_space<vmem_shared>>) target_semaphore(%run_scoped3A : memref<!tpu.dma_semaphore, #tpu.memory_space<semaphore_mem>>)
      %dma_wait3A_1007 = arith.constant 0 : i32
      %dma_wait3A_1008 = tpu.memref_slice %arg13[%arg1, %dma_wait3A_1007] : memref<16x128xi32, #tpu.memory_space<vmem_shared>> -> memref<1x112xi32, #tpu.memory_space<vmem_shared>>
      %dma_wait3A_1009 = tpu.memref_squeeze %dma_wait3A_1008 : memref<1x112xi32, #tpu.memory_space<vmem_shared>> -> memref<112xi32, #tpu.memory_space<vmem_shared>>
      %dma_wait3A_1010 = arith.constant 0 : i32
      %dma_wait3A_1011 = tpu.memref_slice %arg13[%arg1, %dma_wait3A_1010] : memref<16x128xi32, #tpu.memory_space<vmem_shared>> -> memref<1x112xi32, #tpu.memory_space<vmem_shared>>
      %dma_wait3A_1012 = tpu.memref_squeeze %dma_wait3A_1011 : memref<1x112xi32, #tpu.memory_space<vmem_shared>> -> memref<112xi32, #tpu.memory_space<vmem_shared>>
      tpu.wait_dma2 semaphore(%run_scoped3A : memref<!tpu.dma_semaphore, #tpu.memory_space<semaphore_mem>>) src(%arg8 : memref<112xi32, #tpu.memory_space<vmem>>) dst(%dma_wait3A_1012 : memref<112xi32, #tpu.memory_space<vmem_shared>>)
      tpu.yield
    }) : () -> ()
    %barrier3A = arith.constant 0 : index
    tpu.barrier barrier_id(%barrier3A)
    %add3A_846 = arith.constant 1 : i32
    %add3A_847 = arith.addi %arg1, %add3A_846 : i32
    %mul3A_848 = arith.constant 2 : i32
    %mul3A_849 = arith.muli %mul3A_848, %select_n3A_30 : i32
    %sub3A_850 = arith.subi %add3A_847, %mul3A_849 : i32
    "tpu.region"() ({
      %run_scoped3A = tpu.sem_alloc : memref<!tpu.dma_semaphore, #tpu.memory_space<semaphore_mem>>
      %dma_start3A_1001 = arith.constant 0 : i32
      %dma_start3A_1002 = tpu.memref_slice %arg13[%sub3A_850, %dma_start3A_1001] : memref<16x128xi32, #tpu.memory_space<vmem_shared>> -> memref<1x112xi32, #tpu.memory_space<vmem_shared>>
      %dma_start3A_1003 = tpu.memref_squeeze %dma_start3A_1002 : memref<1x112xi32, #tpu.memory_space<vmem_shared>> -> memref<112xi32, #tpu.memory_space<vmem_shared>>
      %dma_start3A_1004 = arith.constant 0 : i32
      %dma_start3A_1005 = tpu.memref_slice %arg13[%sub3A_850, %dma_start3A_1004] : memref<16x128xi32, #tpu.memory_space<vmem_shared>> -> memref<1x112xi32, #tpu.memory_space<vmem_shared>>
      %dma_start3A_1006 = tpu.memref_squeeze %dma_start3A_1005 : memref<1x112xi32, #tpu.memory_space<vmem_shared>> -> memref<112xi32, #tpu.memory_space<vmem_shared>>
      tpu.enqueue_dma source(%dma_start3A_1006 : memref<112xi32, #tpu.memory_space<vmem_shared>>) target(%arg9 : memref<112xi32, #tpu.memory_space<vmem>>) target_semaphore(%run_scoped3A : memref<!tpu.dma_semaphore, #tpu.memory_space<semaphore_mem>>)
      %dma_wait3A_1007 = arith.constant 0 : i32
      %dma_wait3A_1008 = tpu.memref_slice %arg13[%sub3A_850, %dma_wait3A_1007] : memref<16x128xi32, #tpu.memory_space<vmem_shared>> -> memref<1x112xi32, #tpu.memory_space<vmem_shared>>
      %dma_wait3A_1009 = tpu.memref_squeeze %dma_wait3A_1008 : memref<1x112xi32, #tpu.memory_space<vmem_shared>> -> memref<112xi32, #tpu.memory_space<vmem_shared>>
      %dma_wait3A_1010 = arith.constant 0 : i32
      %dma_wait3A_1011 = tpu.memref_slice %arg13[%sub3A_850, %dma_wait3A_1010] : memref<16x128xi32, #tpu.memory_space<vmem_shared>> -> memref<1x112xi32, #tpu.memory_space<vmem_shared>>
      %dma_wait3A_1012 = tpu.memref_squeeze %dma_wait3A_1011 : memref<1x112xi32, #tpu.memory_space<vmem_shared>> -> memref<112xi32, #tpu.memory_space<vmem_shared>>
      tpu.wait_dma2 semaphore(%run_scoped3A : memref<!tpu.dma_semaphore, #tpu.memory_space<semaphore_mem>>) src(%dma_wait3A_1012 : memref<112xi32, #tpu.memory_space<vmem_shared>>) dst(%arg9 : memref<112xi32, #tpu.memory_space<vmem>>)
      tpu.yield
    }) : () -> ()
    %mul3A_851 = arith.constant 2048 : i32
    %mul3A_852 = arith.muli %add3A, %mul3A_851 : i32
    %get3A_853 = arith.constant 0 : index
    %get3A_854 = tpu.vector_load %arg8[%get3A_853] {strides = array<i32>} : memref<112xi32, #tpu.memory_space<vmem>>, vector<16xi32>,
    %get3A_855 = arith.constant 0 : index
    %get3A_856 = tpu.vector_load %arg9[%get3A_855] {strides = array<i32>} : memref<112xi32, #tpu.memory_space<vmem>>, vector<16xi32>,
    %max3A_857 = arith.maxsi %get3A_854, %get3A_856 : vector<16xi32>
    %ge3A = arith.constant 0 : i32
    %ge3A_858 = vector.broadcast %ge3A : i32 to vector<16xi32>
    %ge3A_859 = arith.cmpi sge, %max3A_857, %ge3A_858 : vector<16xi32>
    %convert_element_type3A = arith.extui %ge3A_859 : vector<16xi1> to vector<16xi32>
    %convert_element_type3A_860 = arith.sitofp %convert_element_type3A : vector<16xi32> to vector<16xf32>
    %swap3A_861 = arith.constant 0 : index
    %swap3A_862 = tpu.vector_load %arg11[%swap3A_861] {strides = array<i32>} : memref<112xf32, #tpu.memory_space<vmem>>, vector<16xf32>,
    tpu.vector_store %arg11[%swap3A_861], %convert_element_type3A_860 {strides = array<i32>} : memref<112xf32, #tpu.memory_space<vmem>>, vector<16xf32>,
    %max3A_863 = arith.constant 0 : i32
    %max3A_864 = vector.broadcast %max3A_863 : i32 to vector<16xi32>
    %max3A_865 = arith.maxsi %max3A_857, %max3A_864 : vector<16xi32>
    %add3A_866 = vector.broadcast %mul3A_852 : i32 to vector<16xi32>
    %add3A_867 = arith.addi %max3A_865, %add3A_866 : vector<16xi32>
    %swap3A_868 = arith.constant 0 : index
    %swap3A_869 = tpu.vector_load %arg10[%swap3A_868] {strides = array<i32>} : memref<112xi32, #tpu.memory_space<vmem>>, vector<16xi32>,
    tpu.vector_store %arg10[%swap3A_868], %add3A_867 {strides = array<i32>} : memref<112xi32, #tpu.memory_space<vmem>>, vector<16xi32>,
    %get3A_870 = arith.constant 16 : index
    %get3A_871 = tpu.vector_load %arg8[%get3A_870] {strides = array<i32>} : memref<112xi32, #tpu.memory_space<vmem>>, vector<16xi32>,
    %get3A_872 = arith.constant 16 : index
    %get3A_873 = tpu.vector_load %arg9[%get3A_872] {strides = array<i32>} : memref<112xi32, #tpu.memory_space<vmem>>, vector<16xi32>,
    %max3A_874 = arith.maxsi %get3A_871, %get3A_873 : vector<16xi32>
    %ge3A_875 = arith.constant 0 : i32
    %ge3A_876 = vector.broadcast %ge3A_875 : i32 to vector<16xi32>
    %ge3A_877 = arith.cmpi sge, %max3A_874, %ge3A_876 : vector<16xi32>
    %convert_element_type3A_878 = arith.extui %ge3A_877 : vector<16xi1> to vector<16xi32>
    %convert_element_type3A_879 = arith.sitofp %convert_element_type3A_878 : vector<16xi32> to vector<16xf32>
    %swap3A_880 = arith.constant 16 : index
    %swap3A_881 = tpu.vector_load %arg11[%swap3A_880] {strides = array<i32>} : memref<112xf32, #tpu.memory_space<vmem>>, vector<16xf32>,
    tpu.vector_store %arg11[%swap3A_880], %convert_element_type3A_879 {strides = array<i32>} : memref<112xf32, #tpu.memory_space<vmem>>, vector<16xf32>,
    %max3A_882 = arith.constant 0 : i32
    %max3A_883 = vector.broadcast %max3A_882 : i32 to vector<16xi32>
    %max3A_884 = arith.maxsi %max3A_874, %max3A_883 : vector<16xi32>
    %add3A_885 = vector.broadcast %mul3A_852 : i32 to vector<16xi32>
    %add3A_886 = arith.addi %max3A_884, %add3A_885 : vector<16xi32>
    %swap3A_887 = arith.constant 16 : index
    %swap3A_888 = tpu.vector_load %arg10[%swap3A_887] {strides = array<i32>} : memref<112xi32, #tpu.memory_space<vmem>>, vector<16xi32>,
    tpu.vector_store %arg10[%swap3A_887], %add3A_886 {strides = array<i32>} : memref<112xi32, #tpu.memory_space<vmem>>, vector<16xi32>,
    %get3A_889 = arith.constant 32 : index
    %get3A_890 = tpu.vector_load %arg8[%get3A_889] {strides = array<i32>} : memref<112xi32, #tpu.memory_space<vmem>>, vector<16xi32>,
    %get3A_891 = arith.constant 32 : index
    %get3A_892 = tpu.vector_load %arg9[%get3A_891] {strides = array<i32>} : memref<112xi32, #tpu.memory_space<vmem>>, vector<16xi32>,
    %max3A_893 = arith.maxsi %get3A_890, %get3A_892 : vector<16xi32>
    %ge3A_894 = arith.constant 0 : i32
    %ge3A_895 = vector.broadcast %ge3A_894 : i32 to vector<16xi32>
    %ge3A_896 = arith.cmpi sge, %max3A_893, %ge3A_895 : vector<16xi32>
    %convert_element_type3A_897 = arith.extui %ge3A_896 : vector<16xi1> to vector<16xi32>
    %convert_element_type3A_898 = arith.sitofp %convert_element_type3A_897 : vector<16xi32> to vector<16xf32>
    %swap3A_899 = arith.constant 32 : index
    %swap3A_900 = tpu.vector_load %arg11[%swap3A_899] {strides = array<i32>} : memref<112xf32, #tpu.memory_space<vmem>>, vector<16xf32>,
    tpu.vector_store %arg11[%swap3A_899], %convert_element_type3A_898 {strides = array<i32>} : memref<112xf32, #tpu.memory_space<vmem>>, vector<16xf32>,
    %max3A_901 = arith.constant 0 : i32
    %max3A_902 = vector.broadcast %max3A_901 : i32 to vector<16xi32>
    %max3A_903 = arith.maxsi %max3A_893, %max3A_902 : vector<16xi32>
    %add3A_904 = vector.broadcast %mul3A_852 : i32 to vector<16xi32>
    %add3A_905 = arith.addi %max3A_903, %add3A_904 : vector<16xi32>
    %swap3A_906 = arith.constant 32 : index
    %swap3A_907 = tpu.vector_load %arg10[%swap3A_906] {strides = array<i32>} : memref<112xi32, #tpu.memory_space<vmem>>, vector<16xi32>,
    tpu.vector_store %arg10[%swap3A_906], %add3A_905 {strides = array<i32>} : memref<112xi32, #tpu.memory_space<vmem>>, vector<16xi32>,
    %get3A_908 = arith.constant 48 : index
    %get3A_909 = tpu.vector_load %arg8[%get3A_908] {strides = array<i32>} : memref<112xi32, #tpu.memory_space<vmem>>, vector<16xi32>,
    %get3A_910 = arith.constant 48 : index
    %get3A_911 = tpu.vector_load %arg9[%get3A_910] {strides = array<i32>} : memref<112xi32, #tpu.memory_space<vmem>>, vector<16xi32>,
    %max3A_912 = arith.maxsi %get3A_909, %get3A_911 : vector<16xi32>
    %ge3A_913 = arith.constant 0 : i32
    %ge3A_914 = vector.broadcast %ge3A_913 : i32 to vector<16xi32>
    %ge3A_915 = arith.cmpi sge, %max3A_912, %ge3A_914 : vector<16xi32>
    %convert_element_type3A_916 = arith.extui %ge3A_915 : vector<16xi1> to vector<16xi32>
    %convert_element_type3A_917 = arith.sitofp %convert_element_type3A_916 : vector<16xi32> to vector<16xf32>
    %swap3A_918 = arith.constant 48 : index
    %swap3A_919 = tpu.vector_load %arg11[%swap3A_918] {strides = array<i32>} : memref<112xf32, #tpu.memory_space<vmem>>, vector<16xf32>,
    tpu.vector_store %arg11[%swap3A_918], %convert_element_type3A_917 {strides = array<i32>} : memref<112xf32, #tpu.memory_space<vmem>>, vector<16xf32>,
    %max3A_920 = arith.constant 0 : i32
    %max3A_921 = vector.broadcast %max3A_920 : i32 to vector<16xi32>
    %max3A_922 = arith.maxsi %max3A_912, %max3A_921 : vector<16xi32>
    %add3A_923 = vector.broadcast %mul3A_852 : i32 to vector<16xi32>
    %add3A_924 = arith.addi %max3A_922, %add3A_923 : vector<16xi32>
    %swap3A_925 = arith.constant 48 : index
    %swap3A_926 = tpu.vector_load %arg10[%swap3A_925] {strides = array<i32>} : memref<112xi32, #tpu.memory_space<vmem>>, vector<16xi32>,
    tpu.vector_store %arg10[%swap3A_925], %add3A_924 {strides = array<i32>} : memref<112xi32, #tpu.memory_space<vmem>>, vector<16xi32>,
    %get3A_927 = arith.constant 64 : index
    %get3A_928 = tpu.vector_load %arg8[%get3A_927] {strides = array<i32>} : memref<112xi32, #tpu.memory_space<vmem>>, vector<16xi32>,
    %get3A_929 = arith.constant 64 : index
    %get3A_930 = tpu.vector_load %arg9[%get3A_929] {strides = array<i32>} : memref<112xi32, #tpu.memory_space<vmem>>, vector<16xi32>,
    %max3A_931 = arith.maxsi %get3A_928, %get3A_930 : vector<16xi32>
    %ge3A_932 = arith.constant 0 : i32
    %ge3A_933 = vector.broadcast %ge3A_932 : i32 to vector<16xi32>
    %ge3A_934 = arith.cmpi sge, %max3A_931, %ge3A_933 : vector<16xi32>
    %convert_element_type3A_935 = arith.extui %ge3A_934 : vector<16xi1> to vector<16xi32>
    %convert_element_type3A_936 = arith.sitofp %convert_element_type3A_935 : vector<16xi32> to vector<16xf32>
    %swap3A_937 = arith.constant 64 : index
    %swap3A_938 = tpu.vector_load %arg11[%swap3A_937] {strides = array<i32>} : memref<112xf32, #tpu.memory_space<vmem>>, vector<16xf32>,
    tpu.vector_store %arg11[%swap3A_937], %convert_element_type3A_936 {strides = array<i32>} : memref<112xf32, #tpu.memory_space<vmem>>, vector<16xf32>,
    %max3A_939 = arith.constant 0 : i32
    %max3A_940 = vector.broadcast %max3A_939 : i32 to vector<16xi32>
    %max3A_941 = arith.maxsi %max3A_931, %max3A_940 : vector<16xi32>
    %add3A_942 = vector.broadcast %mul3A_852 : i32 to vector<16xi32>
    %add3A_943 = arith.addi %max3A_941, %add3A_942 : vector<16xi32>
    %swap3A_944 = arith.constant 64 : index
    %swap3A_945 = tpu.vector_load %arg10[%swap3A_944] {strides = array<i32>} : memref<112xi32, #tpu.memory_space<vmem>>, vector<16xi32>,
    tpu.vector_store %arg10[%swap3A_944], %add3A_943 {strides = array<i32>} : memref<112xi32, #tpu.memory_space<vmem>>, vector<16xi32>,
    %get3A_946 = arith.constant 80 : index
    %get3A_947 = tpu.vector_load %arg8[%get3A_946] {strides = array<i32>} : memref<112xi32, #tpu.memory_space<vmem>>, vector<16xi32>,
    %get3A_948 = arith.constant 80 : index
    %get3A_949 = tpu.vector_load %arg9[%get3A_948] {strides = array<i32>} : memref<112xi32, #tpu.memory_space<vmem>>, vector<16xi32>,
    %max3A_950 = arith.maxsi %get3A_947, %get3A_949 : vector<16xi32>
    %ge3A_951 = arith.constant 0 : i32
    %ge3A_952 = vector.broadcast %ge3A_951 : i32 to vector<16xi32>
    %ge3A_953 = arith.cmpi sge, %max3A_950, %ge3A_952 : vector<16xi32>
    %convert_element_type3A_954 = arith.extui %ge3A_953 : vector<16xi1> to vector<16xi32>
    %convert_element_type3A_955 = arith.sitofp %convert_element_type3A_954 : vector<16xi32> to vector<16xf32>
    %swap3A_956 = arith.constant 80 : index
    %swap3A_957 = tpu.vector_load %arg11[%swap3A_956] {strides = array<i32>} : memref<112xf32, #tpu.memory_space<vmem>>, vector<16xf32>,
    tpu.vector_store %arg11[%swap3A_956], %convert_element_type3A_955 {strides = array<i32>} : memref<112xf32, #tpu.memory_space<vmem>>, vector<16xf32>,
    %max3A_958 = arith.constant 0 : i32
    %max3A_959 = vector.broadcast %max3A_958 : i32 to vector<16xi32>
    %max3A_960 = arith.maxsi %max3A_950, %max3A_959 : vector<16xi32>
    %add3A_961 = vector.broadcast %mul3A_852 : i32 to vector<16xi32>
    %add3A_962 = arith.addi %max3A_960, %add3A_961 : vector<16xi32>
    %swap3A_963 = arith.constant 80 : index
    %swap3A_964 = tpu.vector_load %arg10[%swap3A_963] {strides = array<i32>} : memref<112xi32, #tpu.memory_space<vmem>>, vector<16xi32>,
    tpu.vector_store %arg10[%swap3A_963], %add3A_962 {strides = array<i32>} : memref<112xi32, #tpu.memory_space<vmem>>, vector<16xi32>,
    %get3A_965 = arith.constant 96 : index
    %get3A_966 = tpu.vector_load %arg8[%get3A_965] {strides = array<i32>} : memref<112xi32, #tpu.memory_space<vmem>>, vector<16xi32>,
    %get3A_967 = arith.constant 96 : index
    %get3A_968 = tpu.vector_load %arg9[%get3A_967] {strides = array<i32>} : memref<112xi32, #tpu.memory_space<vmem>>, vector<16xi32>,
    %max3A_969 = arith.maxsi %get3A_966, %get3A_968 : vector<16xi32>
    %ge3A_970 = arith.constant 0 : i32
    %ge3A_971 = vector.broadcast %ge3A_970 : i32 to vector<16xi32>
    %ge3A_972 = arith.cmpi sge, %max3A_969, %ge3A_971 : vector<16xi32>
    %convert_element_type3A_973 = arith.extui %ge3A_972 : vector<16xi1> to vector<16xi32>
    %convert_element_type3A_974 = arith.sitofp %convert_element_type3A_973 : vector<16xi32> to vector<16xf32>
    %swap3A_975 = arith.constant 96 : index
    %swap3A_976 = tpu.vector_load %arg11[%swap3A_975] {strides = array<i32>} : memref<112xf32, #tpu.memory_space<vmem>>, vector<16xf32>,
    tpu.vector_store %arg11[%swap3A_975], %convert_element_type3A_974 {strides = array<i32>} : memref<112xf32, #tpu.memory_space<vmem>>, vector<16xf32>,
    %max3A_977 = arith.constant 0 : i32
    %max3A_978 = vector.broadcast %max3A_977 : i32 to vector<16xi32>
    %max3A_979 = arith.maxsi %max3A_969, %max3A_978 : vector<16xi32>
    %add3A_980 = vector.broadcast %mul3A_852 : i32 to vector<16xi32>
    %add3A_981 = arith.addi %max3A_979, %add3A_980 : vector<16xi32>
    %swap3A_982 = arith.constant 96 : index
    %swap3A_983 = tpu.vector_load %arg10[%swap3A_982] {strides = array<i32>} : memref<112xi32, #tpu.memory_space<vmem>>, vector<16xi32>,
    tpu.vector_store %arg10[%swap3A_982], %add3A_981 {strides = array<i32>} : memref<112xi32, #tpu.memory_space<vmem>>, vector<16xi32>,
    %mul3A_984 = arith.constant 56 : i32
    %mul3A_985 = arith.muli %select_n3A_30, %mul3A_984 : i32
    %dma_start3A = tpu.memref_slice %arg10[%mul3A_985] : memref<112xi32, #tpu.memory_space<vmem>> -> memref<56xi32, #tpu.memory_space<vmem>>
    %dma_start3A_986 = arith.constant 0 : i32
    %dma_start3A_987 = arith.constant 0 : i32
    %dma_start3A_988 = tpu.memref_slice %arg2[%dma_start3A_986, %dma_start3A_987] : memref<32768x256xf32, #tpu.memory_space<hbm>> -> memref<32768x256xf32, #tpu.memory_space<hbm>>
    tpu.enqueue_indirect_dma source(%dma_start3A_988 : memref<32768x256xf32, #tpu.memory_space<hbm>>) target(%arg12 : memref<56x256xf32, #tpu.memory_space<vmem>>) offsets(%dma_start3A : memref<56xi32, #tpu.memory_space<vmem>>) semaphore(%arg14 : memref<!tpu.dma_semaphore, #tpu.memory_space<semaphore_mem>>)
    %dma_wait3A = tpu.memref_slice %arg10[%mul3A_985] : memref<112xi32, #tpu.memory_space<vmem>> -> memref<56xi32, #tpu.memory_space<vmem>>
    %dma_wait3A_989 = arith.constant 0 : i32
    %dma_wait3A_990 = arith.constant 0 : i32
    %dma_wait3A_991 = tpu.memref_slice %arg2[%dma_wait3A_989, %dma_wait3A_990] : memref<32768x256xf32, #tpu.memory_space<hbm>> -> memref<32768x256xf32, #tpu.memory_space<hbm>>
    tpu.wait_indirect_dma semaphore(%arg14 : memref<!tpu.dma_semaphore, #tpu.memory_space<semaphore_mem>>) src(%dma_wait3A_991 : memref<32768x256xf32, #tpu.memory_space<hbm>>) dst(%arg12 : memref<56x256xf32, #tpu.memory_space<vmem>>)
    %mul3A_992 = arith.constant 112 : i32
    %mul3A_993 = arith.muli %add3A, %mul3A_992 : i32
    %mul3A_994 = arith.constant 56 : i32
    %mul3A_995 = arith.muli %select_n3A_30, %mul3A_994 : i32
    %add3A_996 = arith.addi %mul3A_993, %mul3A_995 : i32
    "tpu.region"() ({
      %run_scoped3A = tpu.sem_alloc : memref<!tpu.dma_semaphore, #tpu.memory_space<semaphore_mem>>
      %dma_start3A_1001 = arith.constant 0 : i32
      %dma_start3A_1002 = tpu.memref_slice %arg4[%add3A_996, %dma_start3A_1001] : memref<1792x256xf32, #tpu.memory_space<hbm>> -> memref<56x256xf32, #tpu.memory_space<hbm>>
      %dma_start3A_1003 = arith.constant 0 : i32
      %dma_start3A_1004 = tpu.memref_slice %arg4[%add3A_996, %dma_start3A_1003] : memref<1792x256xf32, #tpu.memory_space<hbm>> -> memref<56x256xf32, #tpu.memory_space<hbm>>
      tpu.enqueue_dma source(%arg12 : memref<56x256xf32, #tpu.memory_space<vmem>>) target(%dma_start3A_1004 : memref<56x256xf32, #tpu.memory_space<hbm>>) target_semaphore(%run_scoped3A : memref<!tpu.dma_semaphore, #tpu.memory_space<semaphore_mem>>)
      %dma_wait3A_1005 = arith.constant 0 : i32
      %dma_wait3A_1006 = tpu.memref_slice %arg4[%add3A_996, %dma_wait3A_1005] : memref<1792x256xf32, #tpu.memory_space<hbm>> -> memref<56x256xf32, #tpu.memory_space<hbm>>
      %dma_wait3A_1007 = arith.constant 0 : i32
      %dma_wait3A_1008 = tpu.memref_slice %arg4[%add3A_996, %dma_wait3A_1007] : memref<1792x256xf32, #tpu.memory_space<hbm>> -> memref<56x256xf32, #tpu.memory_space<hbm>>
      tpu.wait_dma2 semaphore(%run_scoped3A : memref<!tpu.dma_semaphore, #tpu.memory_space<semaphore_mem>>) src(%arg12 : memref<56x256xf32, #tpu.memory_space<vmem>>) dst(%dma_wait3A_1008 : memref<56x256xf32, #tpu.memory_space<hbm>>)
      tpu.yield
    }) : () -> ()
    %eq3A_997 = arith.constant 0 : i32
    %eq3A_998 = arith.cmpi eq, %select_n3A_30, %eq3A_997 : i32
    %convert_element_type3A_999 = arith.extui %eq3A_998 : i1 to i32
    %cond3A = arith.constant 0 : i32
    %cond3A_1000 = arith.cmpi ne, %convert_element_type3A_999, %cond3A : i32
    scf.if %cond3A_1000 {
      "tpu.region"() ({
        %run_scoped3A = tpu.sem_alloc : memref<!tpu.dma_semaphore, #tpu.memory_space<semaphore_mem>>
        %dma_start3A_1001 = arith.constant 0 : i32
        %dma_start3A_1002 = tpu.memref_slice %arg5[%add3A, %dma_start3A_1001] : memref<16x112xf32, #tpu.memory_space<hbm>> -> memref<1x112xf32, #tpu.memory_space<hbm>>
        %dma_start3A_1003 = tpu.memref_squeeze %dma_start3A_1002 : memref<1x112xf32, #tpu.memory_space<hbm>> -> memref<112xf32, #tpu.memory_space<hbm>>
        %dma_start3A_1004 = arith.constant 0 : i32
        %dma_start3A_1005 = tpu.memref_slice %arg5[%add3A, %dma_start3A_1004] : memref<16x112xf32, #tpu.memory_space<hbm>> -> memref<1x112xf32, #tpu.memory_space<hbm>>
        %dma_start3A_1006 = tpu.memref_squeeze %dma_start3A_1005 : memref<1x112xf32, #tpu.memory_space<hbm>> -> memref<112xf32, #tpu.memory_space<hbm>>
        tpu.enqueue_dma source(%arg11 : memref<112xf32, #tpu.memory_space<vmem>>) target(%dma_start3A_1006 : memref<112xf32, #tpu.memory_space<hbm>>) target_semaphore(%run_scoped3A : memref<!tpu.dma_semaphore, #tpu.memory_space<semaphore_mem>>)
        %dma_wait3A_1007 = arith.constant 0 : i32
        %dma_wait3A_1008 = tpu.memref_slice %arg5[%add3A, %dma_wait3A_1007] : memref<16x112xf32, #tpu.memory_space<hbm>> -> memref<1x112xf32, #tpu.memory_space<hbm>>
        %dma_wait3A_1009 = tpu.memref_squeeze %dma_wait3A_1008 : memref<1x112xf32, #tpu.memory_space<hbm>> -> memref<112xf32, #tpu.memory_space<hbm>>
        %dma_wait3A_1010 = arith.constant 0 : i32
        %dma_wait3A_1011 = tpu.memref_slice %arg5[%add3A, %dma_wait3A_1010] : memref<16x112xf32, #tpu.memory_space<hbm>> -> memref<1x112xf32, #tpu.memory_space<hbm>>
        %dma_wait3A_1012 = tpu.memref_squeeze %dma_wait3A_1011 : memref<1x112xf32, #tpu.memory_space<hbm>> -> memref<112xf32, #tpu.memory_space<hbm>>
        tpu.wait_dma2 semaphore(%run_scoped3A : memref<!tpu.dma_semaphore, #tpu.memory_space<semaphore_mem>>) src(%arg11 : memref<112xf32, #tpu.memory_space<vmem>>) dst(%dma_wait3A_1012 : memref<112xf32, #tpu.memory_space<hbm>>)
        tpu.yield
      }) : () -> ()
    } else {
    }
    return
  }
}

module attributes {stable_mosaic.version = 14 : i64} {
  func.func @_tc_body(%arg0: i32, %arg1: memref<16x512x256xf32, #tpu.memory_space<vmem>>, %arg2: memref<16x112x256xf32, #tpu.memory_space<vmem>>, %arg3: memref<16x112xf32, #tpu.memory_space<vmem>>, %arg4: memref<64x256xf32, #tpu.memory_space<vmem>>, %arg5: memref<1x64xf32, #tpu.memory_space<vmem>>, %arg6: memref<64x256xf32, #tpu.memory_space<vmem>>, %arg7: memref<1x64xf32, #tpu.memory_space<vmem>>, %arg8: memref<100x16x512xf32, #tpu.memory_space<vmem>>) attributes {dimension_semantics = [#tpu.dimension_semantics<arbitrary>], iteration_bounds = array<i64: 4>, scalar_prefetch = 0 : i64, scratch_operands = 0 : i64, tpu.core_type = #tpu.core_type<tc>, window_params = [{transform_indices = @transform_0, window_bounds = array<i64: 16, 512, 256>}, {pipeline_mode = #tpu.pipeline_mode<synchronous>, transform_indices = @transform_1, window_bounds = array<i64: 16, 112, 256>}, {pipeline_mode = #tpu.pipeline_mode<synchronous>, transform_indices = @transform_2, window_bounds = array<i64: 16, 112>}, {pipeline_mode = #tpu.pipeline_mode<synchronous>, transform_indices = @transform_3, window_bounds = array<i64: 64, 256>}, {pipeline_mode = #tpu.pipeline_mode<synchronous>, transform_indices = @transform_4, window_bounds = array<i64: 1, 64>}, {pipeline_mode = #tpu.pipeline_mode<synchronous>, transform_indices = @transform_5, window_bounds = array<i64: 64, 256>}, {pipeline_mode = #tpu.pipeline_mode<synchronous>, transform_indices = @transform_6, window_bounds = array<i64: 1, 64>}, {transform_indices = @transform_7, window_bounds = array<i64: 100, 16, 512>}]} {
    %get3A = arith.constant 0 : index
    %get3A_0 = arith.constant 0 : index
    %get3A_1 = arith.constant 0 : index
    %get3A_2 = vector.load %arg2[%get3A, %get3A_0, %get3A_1] : memref<16x112x256xf32, #tpu.memory_space<vmem>>, vector<16x112x256xf32>
    %reshape3A = vector.shape_cast %get3A_2 : vector<16x112x256xf32> to vector<1792x256xf32>
    %get3A_3 = arith.constant 0 : index
    %get3A_4 = arith.constant 0 : index
    %get3A_5 = vector.load %arg6[%get3A_3, %get3A_4] : memref<64x256xf32, #tpu.memory_space<vmem>>, vector<64x256xf32>
    %dot_general3A = arith.constant dense<0.000000e+00> : vector<1792x64xf32>
    %dot_general3A_6 = tpu.matmul %reshape3A, %get3A_5, %dot_general3A {dimension_numbers = #tpu.dot_dimension_numbers<[1], [1], [0], [0], [0, 0, 1, 0], [], []>, transpose_lhs_hint = false} : vector<1792x256xf32>, vector<64x256xf32>, vector<1792x64xf32> -> vector<1792x64xf32>
    %get3A_7 = arith.constant 0 : index
    %get3A_8 = arith.constant 0 : index
    %get3A_9 = vector.load %arg7[%get3A_7, %get3A_8] : memref<1x64xf32, #tpu.memory_space<vmem>>, vector<1x64xf32>
    %add3A = vector.broadcast %get3A_9 : vector<1x64xf32> to vector<1792x64xf32>
    %add3A_10 = arith.addf %dot_general3A_6, %add3A : vector<1792x64xf32>
    %reshape3A_11 = vector.shape_cast %add3A_10 : vector<1792x64xf32> to vector<16x112x64xf32>
    %get3A_12 = arith.constant 0 : index
    %get3A_13 = arith.constant 0 : index
    %get3A_14 = vector.load %arg3[%get3A_12, %get3A_13] : memref<16x112xf32, #tpu.memory_space<vmem>>, vector<16x112xf32>
    %transpose3A = tpu.transpose %get3A_14, [1, 0] : vector<16x112xf32> -> vector<112x16xf32>
    %get3A_15 = arith.constant 0 : index
    %get3A_16 = arith.constant 0 : index
    %get3A_17 = arith.constant 0 : index
    %get3A_18 = vector.load %arg1[%get3A_15, %get3A_16, %get3A_17] : memref<16x512x256xf32, #tpu.memory_space<vmem>>, vector<16x512x256xf32>
    %reshape3A_19 = vector.shape_cast %get3A_18 : vector<16x512x256xf32> to vector<8192x256xf32>
    %get3A_20 = arith.constant 0 : index
    %get3A_21 = arith.constant 0 : index
    %get3A_22 = vector.load %arg4[%get3A_20, %get3A_21] : memref<64x256xf32, #tpu.memory_space<vmem>>, vector<64x256xf32>
    %dot_general3A_23 = arith.constant dense<0.000000e+00> : vector<8192x64xf32>
    %dot_general3A_24 = tpu.matmul %reshape3A_19, %get3A_22, %dot_general3A_23 {dimension_numbers = #tpu.dot_dimension_numbers<[1], [1], [0], [0], [0, 0, 1, 0], [], []>, transpose_lhs_hint = false} : vector<8192x256xf32>, vector<64x256xf32>, vector<8192x64xf32> -> vector<8192x64xf32>
    %get3A_25 = arith.constant 0 : index
    %get3A_26 = arith.constant 0 : index
    %get3A_27 = vector.load %arg5[%get3A_25, %get3A_26] : memref<1x64xf32, #tpu.memory_space<vmem>>, vector<1x64xf32>
    %add3A_28 = vector.broadcast %get3A_27 : vector<1x64xf32> to vector<8192x64xf32>
    %add3A_29 = arith.addf %dot_general3A_24, %add3A_28 : vector<8192x64xf32>
    %slice3A = vector.extract_strided_slice %reshape3A_11 {offsets = [0, 0, 0], sizes = [1, 112, 64], strides = [1, 1, 1]} : vector<16x112x64xf32> to vector<1x112x64xf32>
    %squeeze3A = vector.shape_cast %slice3A : vector<1x112x64xf32> to vector<112x64xf32>
    %slice3A_30 = vector.extract_strided_slice %transpose3A {offsets = [0, 0], sizes = [112, 1], strides = [1, 1]} : vector<112x16xf32> to vector<112x1xf32>
    %mul3A = vector.broadcast %slice3A_30 : vector<112x1xf32> to vector<112x64xf32>
    %mul3A_31 = arith.mulf %squeeze3A, %mul3A : vector<112x64xf32>
    %slice3A_32 = vector.extract_strided_slice %add3A_29 {offsets = [0, 0], sizes = [512, 64], strides = [1, 1]} : vector<8192x64xf32> to vector<512x64xf32>
    %dot_general3A_33 = arith.constant dense<0.000000e+00> : vector<112x512xf32>
    %dot_general3A_34 = tpu.matmul %mul3A_31, %slice3A_32, %dot_general3A_33 {dimension_numbers = #tpu.dot_dimension_numbers<[1], [1], [0], [0], [0, 0, 1, 0], [], []>, transpose_lhs_hint = false} : vector<112x64xf32>, vector<512x64xf32>, vector<112x512xf32> -> vector<112x512xf32>
    %slice3A_35 = vector.extract_strided_slice %dot_general3A_34 {offsets = [0, 0], sizes = [100, 512], strides = [1, 1]} : vector<112x512xf32> to vector<100x512xf32>
    %mul3A_36 = arith.constant 1.250000e-01 : f32
    %mul3A_37 = vector.broadcast %mul3A_36 : f32 to vector<100x512xf32>
    %mul3A_38 = arith.mulf %mul3A_37, %slice3A_35 : vector<100x512xf32>
    %swap3A = arith.constant 0 : index
    %swap3A_39 = arith.constant 0 : index
    %swap3A_40 = arith.constant 0 : index
    %swap3A_41 = vector.load %arg8[%swap3A, %swap3A_39, %swap3A_40] : memref<100x16x512xf32, #tpu.memory_space<vmem>>, vector<100x1x512xf32>
    %swap3A_42 = vector.shape_cast %swap3A_41 : vector<100x1x512xf32> to vector<100x512xf32>
    %swap3A_43 = vector.shape_cast %mul3A_38 : vector<100x512xf32> to vector<100x1x512xf32>
    tpu.vector_store %arg8[%swap3A, %swap3A_39, %swap3A_40], %swap3A_43 {strides = array<i32>} : memref<100x16x512xf32, #tpu.memory_space<vmem>>, vector<100x1x512xf32>,
    %slice3A_44 = vector.extract_strided_slice %reshape3A_11 {offsets = [1, 0, 0], sizes = [1, 112, 64], strides = [1, 1, 1]} : vector<16x112x64xf32> to vector<1x112x64xf32>
    %squeeze3A_45 = vector.shape_cast %slice3A_44 : vector<1x112x64xf32> to vector<112x64xf32>
    %slice3A_46 = vector.extract_strided_slice %transpose3A {offsets = [0, 1], sizes = [112, 1], strides = [1, 1]} : vector<112x16xf32> to vector<112x1xf32>
    %mul3A_47 = vector.broadcast %slice3A_46 : vector<112x1xf32> to vector<112x64xf32>
    %mul3A_48 = arith.mulf %squeeze3A_45, %mul3A_47 : vector<112x64xf32>
    %slice3A_49 = vector.extract_strided_slice %add3A_29 {offsets = [512, 0], sizes = [512, 64], strides = [1, 1]} : vector<8192x64xf32> to vector<512x64xf32>
    %dot_general3A_50 = arith.constant dense<0.000000e+00> : vector<112x512xf32>
    %dot_general3A_51 = tpu.matmul %mul3A_48, %slice3A_49, %dot_general3A_50 {dimension_numbers = #tpu.dot_dimension_numbers<[1], [1], [0], [0], [0, 0, 1, 0], [], []>, transpose_lhs_hint = false} : vector<112x64xf32>, vector<512x64xf32>, vector<112x512xf32> -> vector<112x512xf32>
    %slice3A_52 = vector.extract_strided_slice %dot_general3A_51 {offsets = [0, 0], sizes = [100, 512], strides = [1, 1]} : vector<112x512xf32> to vector<100x512xf32>
    %mul3A_53 = arith.constant 1.250000e-01 : f32
    %mul3A_54 = vector.broadcast %mul3A_53 : f32 to vector<100x512xf32>
    %mul3A_55 = arith.mulf %mul3A_54, %slice3A_52 : vector<100x512xf32>
    %swap3A_56 = arith.constant 0 : index
    %swap3A_57 = arith.constant 1 : index
    %swap3A_58 = arith.constant 0 : index
    %swap3A_59 = vector.load %arg8[%swap3A_56, %swap3A_57, %swap3A_58] : memref<100x16x512xf32, #tpu.memory_space<vmem>>, vector<100x1x512xf32>
    %swap3A_60 = vector.shape_cast %swap3A_59 : vector<100x1x512xf32> to vector<100x512xf32>
    %swap3A_61 = vector.shape_cast %mul3A_55 : vector<100x512xf32> to vector<100x1x512xf32>
    tpu.vector_store %arg8[%swap3A_56, %swap3A_57, %swap3A_58], %swap3A_61 {strides = array<i32>} : memref<100x16x512xf32, #tpu.memory_space<vmem>>, vector<100x1x512xf32>,
    %slice3A_62 = vector.extract_strided_slice %reshape3A_11 {offsets = [2, 0, 0], sizes = [1, 112, 64], strides = [1, 1, 1]} : vector<16x112x64xf32> to vector<1x112x64xf32>
    %squeeze3A_63 = vector.shape_cast %slice3A_62 : vector<1x112x64xf32> to vector<112x64xf32>
    %slice3A_64 = vector.extract_strided_slice %transpose3A {offsets = [0, 2], sizes = [112, 1], strides = [1, 1]} : vector<112x16xf32> to vector<112x1xf32>
    %mul3A_65 = vector.broadcast %slice3A_64 : vector<112x1xf32> to vector<112x64xf32>
    %mul3A_66 = arith.mulf %squeeze3A_63, %mul3A_65 : vector<112x64xf32>
    %slice3A_67 = vector.extract_strided_slice %add3A_29 {offsets = [1024, 0], sizes = [512, 64], strides = [1, 1]} : vector<8192x64xf32> to vector<512x64xf32>
    %dot_general3A_68 = arith.constant dense<0.000000e+00> : vector<112x512xf32>
    %dot_general3A_69 = tpu.matmul %mul3A_66, %slice3A_67, %dot_general3A_68 {dimension_numbers = #tpu.dot_dimension_numbers<[1], [1], [0], [0], [0, 0, 1, 0], [], []>, transpose_lhs_hint = false} : vector<112x64xf32>, vector<512x64xf32>, vector<112x512xf32> -> vector<112x512xf32>
    %slice3A_70 = vector.extract_strided_slice %dot_general3A_69 {offsets = [0, 0], sizes = [100, 512], strides = [1, 1]} : vector<112x512xf32> to vector<100x512xf32>
    %mul3A_71 = arith.constant 1.250000e-01 : f32
    %mul3A_72 = vector.broadcast %mul3A_71 : f32 to vector<100x512xf32>
    %mul3A_73 = arith.mulf %mul3A_72, %slice3A_70 : vector<100x512xf32>
    %swap3A_74 = arith.constant 0 : index
    %swap3A_75 = arith.constant 2 : index
    %swap3A_76 = arith.constant 0 : index
    %swap3A_77 = vector.load %arg8[%swap3A_74, %swap3A_75, %swap3A_76] : memref<100x16x512xf32, #tpu.memory_space<vmem>>, vector<100x1x512xf32>
    %swap3A_78 = vector.shape_cast %swap3A_77 : vector<100x1x512xf32> to vector<100x512xf32>
    %swap3A_79 = vector.shape_cast %mul3A_73 : vector<100x512xf32> to vector<100x1x512xf32>
    tpu.vector_store %arg8[%swap3A_74, %swap3A_75, %swap3A_76], %swap3A_79 {strides = array<i32>} : memref<100x16x512xf32, #tpu.memory_space<vmem>>, vector<100x1x512xf32>,
    %slice3A_80 = vector.extract_strided_slice %reshape3A_11 {offsets = [3, 0, 0], sizes = [1, 112, 64], strides = [1, 1, 1]} : vector<16x112x64xf32> to vector<1x112x64xf32>
    %squeeze3A_81 = vector.shape_cast %slice3A_80 : vector<1x112x64xf32> to vector<112x64xf32>
    %slice3A_82 = vector.extract_strided_slice %transpose3A {offsets = [0, 3], sizes = [112, 1], strides = [1, 1]} : vector<112x16xf32> to vector<112x1xf32>
    %mul3A_83 = vector.broadcast %slice3A_82 : vector<112x1xf32> to vector<112x64xf32>
    %mul3A_84 = arith.mulf %squeeze3A_81, %mul3A_83 : vector<112x64xf32>
    %slice3A_85 = vector.extract_strided_slice %add3A_29 {offsets = [1536, 0], sizes = [512, 64], strides = [1, 1]} : vector<8192x64xf32> to vector<512x64xf32>
    %dot_general3A_86 = arith.constant dense<0.000000e+00> : vector<112x512xf32>
    %dot_general3A_87 = tpu.matmul %mul3A_84, %slice3A_85, %dot_general3A_86 {dimension_numbers = #tpu.dot_dimension_numbers<[1], [1], [0], [0], [0, 0, 1, 0], [], []>, transpose_lhs_hint = false} : vector<112x64xf32>, vector<512x64xf32>, vector<112x512xf32> -> vector<112x512xf32>
    %slice3A_88 = vector.extract_strided_slice %dot_general3A_87 {offsets = [0, 0], sizes = [100, 512], strides = [1, 1]} : vector<112x512xf32> to vector<100x512xf32>
    %mul3A_89 = arith.constant 1.250000e-01 : f32
    %mul3A_90 = vector.broadcast %mul3A_89 : f32 to vector<100x512xf32>
    %mul3A_91 = arith.mulf %mul3A_90, %slice3A_88 : vector<100x512xf32>
    %swap3A_92 = arith.constant 0 : index
    %swap3A_93 = arith.constant 3 : index
    %swap3A_94 = arith.constant 0 : index
    %swap3A_95 = vector.load %arg8[%swap3A_92, %swap3A_93, %swap3A_94] : memref<100x16x512xf32, #tpu.memory_space<vmem>>, vector<100x1x512xf32>
    %swap3A_96 = vector.shape_cast %swap3A_95 : vector<100x1x512xf32> to vector<100x512xf32>
    %swap3A_97 = vector.shape_cast %mul3A_91 : vector<100x512xf32> to vector<100x1x512xf32>
    tpu.vector_store %arg8[%swap3A_92, %swap3A_93, %swap3A_94], %swap3A_97 {strides = array<i32>} : memref<100x16x512xf32, #tpu.memory_space<vmem>>, vector<100x1x512xf32>,
    %slice3A_98 = vector.extract_strided_slice %reshape3A_11 {offsets = [4, 0, 0], sizes = [1, 112, 64], strides = [1, 1, 1]} : vector<16x112x64xf32> to vector<1x112x64xf32>
    %squeeze3A_99 = vector.shape_cast %slice3A_98 : vector<1x112x64xf32> to vector<112x64xf32>
    %slice3A_100 = vector.extract_strided_slice %transpose3A {offsets = [0, 4], sizes = [112, 1], strides = [1, 1]} : vector<112x16xf32> to vector<112x1xf32>
    %mul3A_101 = vector.broadcast %slice3A_100 : vector<112x1xf32> to vector<112x64xf32>
    %mul3A_102 = arith.mulf %squeeze3A_99, %mul3A_101 : vector<112x64xf32>
    %slice3A_103 = vector.extract_strided_slice %add3A_29 {offsets = [2048, 0], sizes = [512, 64], strides = [1, 1]} : vector<8192x64xf32> to vector<512x64xf32>
    %dot_general3A_104 = arith.constant dense<0.000000e+00> : vector<112x512xf32>
    %dot_general3A_105 = tpu.matmul %mul3A_102, %slice3A_103, %dot_general3A_104 {dimension_numbers = #tpu.dot_dimension_numbers<[1], [1], [0], [0], [0, 0, 1, 0], [], []>, transpose_lhs_hint = false} : vector<112x64xf32>, vector<512x64xf32>, vector<112x512xf32> -> vector<112x512xf32>
    %slice3A_106 = vector.extract_strided_slice %dot_general3A_105 {offsets = [0, 0], sizes = [100, 512], strides = [1, 1]} : vector<112x512xf32> to vector<100x512xf32>
    %mul3A_107 = arith.constant 1.250000e-01 : f32
    %mul3A_108 = vector.broadcast %mul3A_107 : f32 to vector<100x512xf32>
    %mul3A_109 = arith.mulf %mul3A_108, %slice3A_106 : vector<100x512xf32>
    %swap3A_110 = arith.constant 0 : index
    %swap3A_111 = arith.constant 4 : index
    %swap3A_112 = arith.constant 0 : index
    %swap3A_113 = vector.load %arg8[%swap3A_110, %swap3A_111, %swap3A_112] : memref<100x16x512xf32, #tpu.memory_space<vmem>>, vector<100x1x512xf32>
    %swap3A_114 = vector.shape_cast %swap3A_113 : vector<100x1x512xf32> to vector<100x512xf32>
    %swap3A_115 = vector.shape_cast %mul3A_109 : vector<100x512xf32> to vector<100x1x512xf32>
    tpu.vector_store %arg8[%swap3A_110, %swap3A_111, %swap3A_112], %swap3A_115 {strides = array<i32>} : memref<100x16x512xf32, #tpu.memory_space<vmem>>, vector<100x1x512xf32>,
    %slice3A_116 = vector.extract_strided_slice %reshape3A_11 {offsets = [5, 0, 0], sizes = [1, 112, 64], strides = [1, 1, 1]} : vector<16x112x64xf32> to vector<1x112x64xf32>
    %squeeze3A_117 = vector.shape_cast %slice3A_116 : vector<1x112x64xf32> to vector<112x64xf32>
    %slice3A_118 = vector.extract_strided_slice %transpose3A {offsets = [0, 5], sizes = [112, 1], strides = [1, 1]} : vector<112x16xf32> to vector<112x1xf32>
    %mul3A_119 = vector.broadcast %slice3A_118 : vector<112x1xf32> to vector<112x64xf32>
    %mul3A_120 = arith.mulf %squeeze3A_117, %mul3A_119 : vector<112x64xf32>
    %slice3A_121 = vector.extract_strided_slice %add3A_29 {offsets = [2560, 0], sizes = [512, 64], strides = [1, 1]} : vector<8192x64xf32> to vector<512x64xf32>
    %dot_general3A_122 = arith.constant dense<0.000000e+00> : vector<112x512xf32>
    %dot_general3A_123 = tpu.matmul %mul3A_120, %slice3A_121, %dot_general3A_122 {dimension_numbers = #tpu.dot_dimension_numbers<[1], [1], [0], [0], [0, 0, 1, 0], [], []>, transpose_lhs_hint = false} : vector<112x64xf32>, vector<512x64xf32>, vector<112x512xf32> -> vector<112x512xf32>
    %slice3A_124 = vector.extract_strided_slice %dot_general3A_123 {offsets = [0, 0], sizes = [100, 512], strides = [1, 1]} : vector<112x512xf32> to vector<100x512xf32>
    %mul3A_125 = arith.constant 1.250000e-01 : f32
    %mul3A_126 = vector.broadcast %mul3A_125 : f32 to vector<100x512xf32>
    %mul3A_127 = arith.mulf %mul3A_126, %slice3A_124 : vector<100x512xf32>
    %swap3A_128 = arith.constant 0 : index
    %swap3A_129 = arith.constant 5 : index
    %swap3A_130 = arith.constant 0 : index
    %swap3A_131 = vector.load %arg8[%swap3A_128, %swap3A_129, %swap3A_130] : memref<100x16x512xf32, #tpu.memory_space<vmem>>, vector<100x1x512xf32>
    %swap3A_132 = vector.shape_cast %swap3A_131 : vector<100x1x512xf32> to vector<100x512xf32>
    %swap3A_133 = vector.shape_cast %mul3A_127 : vector<100x512xf32> to vector<100x1x512xf32>
    tpu.vector_store %arg8[%swap3A_128, %swap3A_129, %swap3A_130], %swap3A_133 {strides = array<i32>} : memref<100x16x512xf32, #tpu.memory_space<vmem>>, vector<100x1x512xf32>,
    %slice3A_134 = vector.extract_strided_slice %reshape3A_11 {offsets = [6, 0, 0], sizes = [1, 112, 64], strides = [1, 1, 1]} : vector<16x112x64xf32> to vector<1x112x64xf32>
    %squeeze3A_135 = vector.shape_cast %slice3A_134 : vector<1x112x64xf32> to vector<112x64xf32>
    %slice3A_136 = vector.extract_strided_slice %transpose3A {offsets = [0, 6], sizes = [112, 1], strides = [1, 1]} : vector<112x16xf32> to vector<112x1xf32>
    %mul3A_137 = vector.broadcast %slice3A_136 : vector<112x1xf32> to vector<112x64xf32>
    %mul3A_138 = arith.mulf %squeeze3A_135, %mul3A_137 : vector<112x64xf32>
    %slice3A_139 = vector.extract_strided_slice %add3A_29 {offsets = [3072, 0], sizes = [512, 64], strides = [1, 1]} : vector<8192x64xf32> to vector<512x64xf32>
    %dot_general3A_140 = arith.constant dense<0.000000e+00> : vector<112x512xf32>
    %dot_general3A_141 = tpu.matmul %mul3A_138, %slice3A_139, %dot_general3A_140 {dimension_numbers = #tpu.dot_dimension_numbers<[1], [1], [0], [0], [0, 0, 1, 0], [], []>, transpose_lhs_hint = false} : vector<112x64xf32>, vector<512x64xf32>, vector<112x512xf32> -> vector<112x512xf32>
    %slice3A_142 = vector.extract_strided_slice %dot_general3A_141 {offsets = [0, 0], sizes = [100, 512], strides = [1, 1]} : vector<112x512xf32> to vector<100x512xf32>
    %mul3A_143 = arith.constant 1.250000e-01 : f32
    %mul3A_144 = vector.broadcast %mul3A_143 : f32 to vector<100x512xf32>
    %mul3A_145 = arith.mulf %mul3A_144, %slice3A_142 : vector<100x512xf32>
    %swap3A_146 = arith.constant 0 : index
    %swap3A_147 = arith.constant 6 : index
    %swap3A_148 = arith.constant 0 : index
    %swap3A_149 = vector.load %arg8[%swap3A_146, %swap3A_147, %swap3A_148] : memref<100x16x512xf32, #tpu.memory_space<vmem>>, vector<100x1x512xf32>
    %swap3A_150 = vector.shape_cast %swap3A_149 : vector<100x1x512xf32> to vector<100x512xf32>
    %swap3A_151 = vector.shape_cast %mul3A_145 : vector<100x512xf32> to vector<100x1x512xf32>
    tpu.vector_store %arg8[%swap3A_146, %swap3A_147, %swap3A_148], %swap3A_151 {strides = array<i32>} : memref<100x16x512xf32, #tpu.memory_space<vmem>>, vector<100x1x512xf32>,
    %slice3A_152 = vector.extract_strided_slice %reshape3A_11 {offsets = [7, 0, 0], sizes = [1, 112, 64], strides = [1, 1, 1]} : vector<16x112x64xf32> to vector<1x112x64xf32>
    %squeeze3A_153 = vector.shape_cast %slice3A_152 : vector<1x112x64xf32> to vector<112x64xf32>
    %slice3A_154 = vector.extract_strided_slice %transpose3A {offsets = [0, 7], sizes = [112, 1], strides = [1, 1]} : vector<112x16xf32> to vector<112x1xf32>
    %mul3A_155 = vector.broadcast %slice3A_154 : vector<112x1xf32> to vector<112x64xf32>
    %mul3A_156 = arith.mulf %squeeze3A_153, %mul3A_155 : vector<112x64xf32>
    %slice3A_157 = vector.extract_strided_slice %add3A_29 {offsets = [3584, 0], sizes = [512, 64], strides = [1, 1]} : vector<8192x64xf32> to vector<512x64xf32>
    %dot_general3A_158 = arith.constant dense<0.000000e+00> : vector<112x512xf32>
    %dot_general3A_159 = tpu.matmul %mul3A_156, %slice3A_157, %dot_general3A_158 {dimension_numbers = #tpu.dot_dimension_numbers<[1], [1], [0], [0], [0, 0, 1, 0], [], []>, transpose_lhs_hint = false} : vector<112x64xf32>, vector<512x64xf32>, vector<112x512xf32> -> vector<112x512xf32>
    %slice3A_160 = vector.extract_strided_slice %dot_general3A_159 {offsets = [0, 0], sizes = [100, 512], strides = [1, 1]} : vector<112x512xf32> to vector<100x512xf32>
    %mul3A_161 = arith.constant 1.250000e-01 : f32
    %mul3A_162 = vector.broadcast %mul3A_161 : f32 to vector<100x512xf32>
    %mul3A_163 = arith.mulf %mul3A_162, %slice3A_160 : vector<100x512xf32>
    %swap3A_164 = arith.constant 0 : index
    %swap3A_165 = arith.constant 7 : index
    %swap3A_166 = arith.constant 0 : index
    %swap3A_167 = vector.load %arg8[%swap3A_164, %swap3A_165, %swap3A_166] : memref<100x16x512xf32, #tpu.memory_space<vmem>>, vector<100x1x512xf32>
    %swap3A_168 = vector.shape_cast %swap3A_167 : vector<100x1x512xf32> to vector<100x512xf32>
    %swap3A_169 = vector.shape_cast %mul3A_163 : vector<100x512xf32> to vector<100x1x512xf32>
    tpu.vector_store %arg8[%swap3A_164, %swap3A_165, %swap3A_166], %swap3A_169 {strides = array<i32>} : memref<100x16x512xf32, #tpu.memory_space<vmem>>, vector<100x1x512xf32>,
    %slice3A_170 = vector.extract_strided_slice %reshape3A_11 {offsets = [8, 0, 0], sizes = [1, 112, 64], strides = [1, 1, 1]} : vector<16x112x64xf32> to vector<1x112x64xf32>
    %squeeze3A_171 = vector.shape_cast %slice3A_170 : vector<1x112x64xf32> to vector<112x64xf32>
    %slice3A_172 = vector.extract_strided_slice %transpose3A {offsets = [0, 8], sizes = [112, 1], strides = [1, 1]} : vector<112x16xf32> to vector<112x1xf32>
    %mul3A_173 = vector.broadcast %slice3A_172 : vector<112x1xf32> to vector<112x64xf32>
    %mul3A_174 = arith.mulf %squeeze3A_171, %mul3A_173 : vector<112x64xf32>
    %slice3A_175 = vector.extract_strided_slice %add3A_29 {offsets = [4096, 0], sizes = [512, 64], strides = [1, 1]} : vector<8192x64xf32> to vector<512x64xf32>
    %dot_general3A_176 = arith.constant dense<0.000000e+00> : vector<112x512xf32>
    %dot_general3A_177 = tpu.matmul %mul3A_174, %slice3A_175, %dot_general3A_176 {dimension_numbers = #tpu.dot_dimension_numbers<[1], [1], [0], [0], [0, 0, 1, 0], [], []>, transpose_lhs_hint = false} : vector<112x64xf32>, vector<512x64xf32>, vector<112x512xf32> -> vector<112x512xf32>
    %slice3A_178 = vector.extract_strided_slice %dot_general3A_177 {offsets = [0, 0], sizes = [100, 512], strides = [1, 1]} : vector<112x512xf32> to vector<100x512xf32>
    %mul3A_179 = arith.constant 1.250000e-01 : f32
    %mul3A_180 = vector.broadcast %mul3A_179 : f32 to vector<100x512xf32>
    %mul3A_181 = arith.mulf %mul3A_180, %slice3A_178 : vector<100x512xf32>
    %swap3A_182 = arith.constant 0 : index
    %swap3A_183 = arith.constant 8 : index
    %swap3A_184 = arith.constant 0 : index
    %swap3A_185 = vector.load %arg8[%swap3A_182, %swap3A_183, %swap3A_184] : memref<100x16x512xf32, #tpu.memory_space<vmem>>, vector<100x1x512xf32>
    %swap3A_186 = vector.shape_cast %swap3A_185 : vector<100x1x512xf32> to vector<100x512xf32>
    %swap3A_187 = vector.shape_cast %mul3A_181 : vector<100x512xf32> to vector<100x1x512xf32>
    tpu.vector_store %arg8[%swap3A_182, %swap3A_183, %swap3A_184], %swap3A_187 {strides = array<i32>} : memref<100x16x512xf32, #tpu.memory_space<vmem>>, vector<100x1x512xf32>,
    %slice3A_188 = vector.extract_strided_slice %reshape3A_11 {offsets = [9, 0, 0], sizes = [1, 112, 64], strides = [1, 1, 1]} : vector<16x112x64xf32> to vector<1x112x64xf32>
    %squeeze3A_189 = vector.shape_cast %slice3A_188 : vector<1x112x64xf32> to vector<112x64xf32>
    %slice3A_190 = vector.extract_strided_slice %transpose3A {offsets = [0, 9], sizes = [112, 1], strides = [1, 1]} : vector<112x16xf32> to vector<112x1xf32>
    %mul3A_191 = vector.broadcast %slice3A_190 : vector<112x1xf32> to vector<112x64xf32>
    %mul3A_192 = arith.mulf %squeeze3A_189, %mul3A_191 : vector<112x64xf32>
    %slice3A_193 = vector.extract_strided_slice %add3A_29 {offsets = [4608, 0], sizes = [512, 64], strides = [1, 1]} : vector<8192x64xf32> to vector<512x64xf32>
    %dot_general3A_194 = arith.constant dense<0.000000e+00> : vector<112x512xf32>
    %dot_general3A_195 = tpu.matmul %mul3A_192, %slice3A_193, %dot_general3A_194 {dimension_numbers = #tpu.dot_dimension_numbers<[1], [1], [0], [0], [0, 0, 1, 0], [], []>, transpose_lhs_hint = false} : vector<112x64xf32>, vector<512x64xf32>, vector<112x512xf32> -> vector<112x512xf32>
    %slice3A_196 = vector.extract_strided_slice %dot_general3A_195 {offsets = [0, 0], sizes = [100, 512], strides = [1, 1]} : vector<112x512xf32> to vector<100x512xf32>
    %mul3A_197 = arith.constant 1.250000e-01 : f32
    %mul3A_198 = vector.broadcast %mul3A_197 : f32 to vector<100x512xf32>
    %mul3A_199 = arith.mulf %mul3A_198, %slice3A_196 : vector<100x512xf32>
    %swap3A_200 = arith.constant 0 : index
    %swap3A_201 = arith.constant 9 : index
    %swap3A_202 = arith.constant 0 : index
    %swap3A_203 = vector.load %arg8[%swap3A_200, %swap3A_201, %swap3A_202] : memref<100x16x512xf32, #tpu.memory_space<vmem>>, vector<100x1x512xf32>
    %swap3A_204 = vector.shape_cast %swap3A_203 : vector<100x1x512xf32> to vector<100x512xf32>
    %swap3A_205 = vector.shape_cast %mul3A_199 : vector<100x512xf32> to vector<100x1x512xf32>
    tpu.vector_store %arg8[%swap3A_200, %swap3A_201, %swap3A_202], %swap3A_205 {strides = array<i32>} : memref<100x16x512xf32, #tpu.memory_space<vmem>>, vector<100x1x512xf32>,
    %slice3A_206 = vector.extract_strided_slice %reshape3A_11 {offsets = [10, 0, 0], sizes = [1, 112, 64], strides = [1, 1, 1]} : vector<16x112x64xf32> to vector<1x112x64xf32>
    %squeeze3A_207 = vector.shape_cast %slice3A_206 : vector<1x112x64xf32> to vector<112x64xf32>
    %slice3A_208 = vector.extract_strided_slice %transpose3A {offsets = [0, 10], sizes = [112, 1], strides = [1, 1]} : vector<112x16xf32> to vector<112x1xf32>
    %mul3A_209 = vector.broadcast %slice3A_208 : vector<112x1xf32> to vector<112x64xf32>
    %mul3A_210 = arith.mulf %squeeze3A_207, %mul3A_209 : vector<112x64xf32>
    %slice3A_211 = vector.extract_strided_slice %add3A_29 {offsets = [5120, 0], sizes = [512, 64], strides = [1, 1]} : vector<8192x64xf32> to vector<512x64xf32>
    %dot_general3A_212 = arith.constant dense<0.000000e+00> : vector<112x512xf32>
    %dot_general3A_213 = tpu.matmul %mul3A_210, %slice3A_211, %dot_general3A_212 {dimension_numbers = #tpu.dot_dimension_numbers<[1], [1], [0], [0], [0, 0, 1, 0], [], []>, transpose_lhs_hint = false} : vector<112x64xf32>, vector<512x64xf32>, vector<112x512xf32> -> vector<112x512xf32>
    %slice3A_214 = vector.extract_strided_slice %dot_general3A_213 {offsets = [0, 0], sizes = [100, 512], strides = [1, 1]} : vector<112x512xf32> to vector<100x512xf32>
    %mul3A_215 = arith.constant 1.250000e-01 : f32
    %mul3A_216 = vector.broadcast %mul3A_215 : f32 to vector<100x512xf32>
    %mul3A_217 = arith.mulf %mul3A_216, %slice3A_214 : vector<100x512xf32>
    %swap3A_218 = arith.constant 0 : index
    %swap3A_219 = arith.constant 10 : index
    %swap3A_220 = arith.constant 0 : index
    %swap3A_221 = vector.load %arg8[%swap3A_218, %swap3A_219, %swap3A_220] : memref<100x16x512xf32, #tpu.memory_space<vmem>>, vector<100x1x512xf32>
    %swap3A_222 = vector.shape_cast %swap3A_221 : vector<100x1x512xf32> to vector<100x512xf32>
    %swap3A_223 = vector.shape_cast %mul3A_217 : vector<100x512xf32> to vector<100x1x512xf32>
    tpu.vector_store %arg8[%swap3A_218, %swap3A_219, %swap3A_220], %swap3A_223 {strides = array<i32>} : memref<100x16x512xf32, #tpu.memory_space<vmem>>, vector<100x1x512xf32>,
    %slice3A_224 = vector.extract_strided_slice %reshape3A_11 {offsets = [11, 0, 0], sizes = [1, 112, 64], strides = [1, 1, 1]} : vector<16x112x64xf32> to vector<1x112x64xf32>
    %squeeze3A_225 = vector.shape_cast %slice3A_224 : vector<1x112x64xf32> to vector<112x64xf32>
    %slice3A_226 = vector.extract_strided_slice %transpose3A {offsets = [0, 11], sizes = [112, 1], strides = [1, 1]} : vector<112x16xf32> to vector<112x1xf32>
    %mul3A_227 = vector.broadcast %slice3A_226 : vector<112x1xf32> to vector<112x64xf32>
    %mul3A_228 = arith.mulf %squeeze3A_225, %mul3A_227 : vector<112x64xf32>
    %slice3A_229 = vector.extract_strided_slice %add3A_29 {offsets = [5632, 0], sizes = [512, 64], strides = [1, 1]} : vector<8192x64xf32> to vector<512x64xf32>
    %dot_general3A_230 = arith.constant dense<0.000000e+00> : vector<112x512xf32>
    %dot_general3A_231 = tpu.matmul %mul3A_228, %slice3A_229, %dot_general3A_230 {dimension_numbers = #tpu.dot_dimension_numbers<[1], [1], [0], [0], [0, 0, 1, 0], [], []>, transpose_lhs_hint = false} : vector<112x64xf32>, vector<512x64xf32>, vector<112x512xf32> -> vector<112x512xf32>
    %slice3A_232 = vector.extract_strided_slice %dot_general3A_231 {offsets = [0, 0], sizes = [100, 512], strides = [1, 1]} : vector<112x512xf32> to vector<100x512xf32>
    %mul3A_233 = arith.constant 1.250000e-01 : f32
    %mul3A_234 = vector.broadcast %mul3A_233 : f32 to vector<100x512xf32>
    %mul3A_235 = arith.mulf %mul3A_234, %slice3A_232 : vector<100x512xf32>
    %swap3A_236 = arith.constant 0 : index
    %swap3A_237 = arith.constant 11 : index
    %swap3A_238 = arith.constant 0 : index
    %swap3A_239 = vector.load %arg8[%swap3A_236, %swap3A_237, %swap3A_238] : memref<100x16x512xf32, #tpu.memory_space<vmem>>, vector<100x1x512xf32>
    %swap3A_240 = vector.shape_cast %swap3A_239 : vector<100x1x512xf32> to vector<100x512xf32>
    %swap3A_241 = vector.shape_cast %mul3A_235 : vector<100x512xf32> to vector<100x1x512xf32>
    tpu.vector_store %arg8[%swap3A_236, %swap3A_237, %swap3A_238], %swap3A_241 {strides = array<i32>} : memref<100x16x512xf32, #tpu.memory_space<vmem>>, vector<100x1x512xf32>,
    %slice3A_242 = vector.extract_strided_slice %reshape3A_11 {offsets = [12, 0, 0], sizes = [1, 112, 64], strides = [1, 1, 1]} : vector<16x112x64xf32> to vector<1x112x64xf32>
    %squeeze3A_243 = vector.shape_cast %slice3A_242 : vector<1x112x64xf32> to vector<112x64xf32>
    %slice3A_244 = vector.extract_strided_slice %transpose3A {offsets = [0, 12], sizes = [112, 1], strides = [1, 1]} : vector<112x16xf32> to vector<112x1xf32>
    %mul3A_245 = vector.broadcast %slice3A_244 : vector<112x1xf32> to vector<112x64xf32>
    %mul3A_246 = arith.mulf %squeeze3A_243, %mul3A_245 : vector<112x64xf32>
    %slice3A_247 = vector.extract_strided_slice %add3A_29 {offsets = [6144, 0], sizes = [512, 64], strides = [1, 1]} : vector<8192x64xf32> to vector<512x64xf32>
    %dot_general3A_248 = arith.constant dense<0.000000e+00> : vector<112x512xf32>
    %dot_general3A_249 = tpu.matmul %mul3A_246, %slice3A_247, %dot_general3A_248 {dimension_numbers = #tpu.dot_dimension_numbers<[1], [1], [0], [0], [0, 0, 1, 0], [], []>, transpose_lhs_hint = false} : vector<112x64xf32>, vector<512x64xf32>, vector<112x512xf32> -> vector<112x512xf32>
    %slice3A_250 = vector.extract_strided_slice %dot_general3A_249 {offsets = [0, 0], sizes = [100, 512], strides = [1, 1]} : vector<112x512xf32> to vector<100x512xf32>
    %mul3A_251 = arith.constant 1.250000e-01 : f32
    %mul3A_252 = vector.broadcast %mul3A_251 : f32 to vector<100x512xf32>
    %mul3A_253 = arith.mulf %mul3A_252, %slice3A_250 : vector<100x512xf32>
    %swap3A_254 = arith.constant 0 : index
    %swap3A_255 = arith.constant 12 : index
    %swap3A_256 = arith.constant 0 : index
    %swap3A_257 = vector.load %arg8[%swap3A_254, %swap3A_255, %swap3A_256] : memref<100x16x512xf32, #tpu.memory_space<vmem>>, vector<100x1x512xf32>
    %swap3A_258 = vector.shape_cast %swap3A_257 : vector<100x1x512xf32> to vector<100x512xf32>
    %swap3A_259 = vector.shape_cast %mul3A_253 : vector<100x512xf32> to vector<100x1x512xf32>
    tpu.vector_store %arg8[%swap3A_254, %swap3A_255, %swap3A_256], %swap3A_259 {strides = array<i32>} : memref<100x16x512xf32, #tpu.memory_space<vmem>>, vector<100x1x512xf32>,
    %slice3A_260 = vector.extract_strided_slice %reshape3A_11 {offsets = [13, 0, 0], sizes = [1, 112, 64], strides = [1, 1, 1]} : vector<16x112x64xf32> to vector<1x112x64xf32>
    %squeeze3A_261 = vector.shape_cast %slice3A_260 : vector<1x112x64xf32> to vector<112x64xf32>
    %slice3A_262 = vector.extract_strided_slice %transpose3A {offsets = [0, 13], sizes = [112, 1], strides = [1, 1]} : vector<112x16xf32> to vector<112x1xf32>
    %mul3A_263 = vector.broadcast %slice3A_262 : vector<112x1xf32> to vector<112x64xf32>
    %mul3A_264 = arith.mulf %squeeze3A_261, %mul3A_263 : vector<112x64xf32>
    %slice3A_265 = vector.extract_strided_slice %add3A_29 {offsets = [6656, 0], sizes = [512, 64], strides = [1, 1]} : vector<8192x64xf32> to vector<512x64xf32>
    %dot_general3A_266 = arith.constant dense<0.000000e+00> : vector<112x512xf32>
    %dot_general3A_267 = tpu.matmul %mul3A_264, %slice3A_265, %dot_general3A_266 {dimension_numbers = #tpu.dot_dimension_numbers<[1], [1], [0], [0], [0, 0, 1, 0], [], []>, transpose_lhs_hint = false} : vector<112x64xf32>, vector<512x64xf32>, vector<112x512xf32> -> vector<112x512xf32>
    %slice3A_268 = vector.extract_strided_slice %dot_general3A_267 {offsets = [0, 0], sizes = [100, 512], strides = [1, 1]} : vector<112x512xf32> to vector<100x512xf32>
    %mul3A_269 = arith.constant 1.250000e-01 : f32
    %mul3A_270 = vector.broadcast %mul3A_269 : f32 to vector<100x512xf32>
    %mul3A_271 = arith.mulf %mul3A_270, %slice3A_268 : vector<100x512xf32>
    %swap3A_272 = arith.constant 0 : index
    %swap3A_273 = arith.constant 13 : index
    %swap3A_274 = arith.constant 0 : index
    %swap3A_275 = vector.load %arg8[%swap3A_272, %swap3A_273, %swap3A_274] : memref<100x16x512xf32, #tpu.memory_space<vmem>>, vector<100x1x512xf32>
    %swap3A_276 = vector.shape_cast %swap3A_275 : vector<100x1x512xf32> to vector<100x512xf32>
    %swap3A_277 = vector.shape_cast %mul3A_271 : vector<100x512xf32> to vector<100x1x512xf32>
    tpu.vector_store %arg8[%swap3A_272, %swap3A_273, %swap3A_274], %swap3A_277 {strides = array<i32>} : memref<100x16x512xf32, #tpu.memory_space<vmem>>, vector<100x1x512xf32>,
    %slice3A_278 = vector.extract_strided_slice %reshape3A_11 {offsets = [14, 0, 0], sizes = [1, 112, 64], strides = [1, 1, 1]} : vector<16x112x64xf32> to vector<1x112x64xf32>
    %squeeze3A_279 = vector.shape_cast %slice3A_278 : vector<1x112x64xf32> to vector<112x64xf32>
    %slice3A_280 = vector.extract_strided_slice %transpose3A {offsets = [0, 14], sizes = [112, 1], strides = [1, 1]} : vector<112x16xf32> to vector<112x1xf32>
    %mul3A_281 = vector.broadcast %slice3A_280 : vector<112x1xf32> to vector<112x64xf32>
    %mul3A_282 = arith.mulf %squeeze3A_279, %mul3A_281 : vector<112x64xf32>
    %slice3A_283 = vector.extract_strided_slice %add3A_29 {offsets = [7168, 0], sizes = [512, 64], strides = [1, 1]} : vector<8192x64xf32> to vector<512x64xf32>
    %dot_general3A_284 = arith.constant dense<0.000000e+00> : vector<112x512xf32>
    %dot_general3A_285 = tpu.matmul %mul3A_282, %slice3A_283, %dot_general3A_284 {dimension_numbers = #tpu.dot_dimension_numbers<[1], [1], [0], [0], [0, 0, 1, 0], [], []>, transpose_lhs_hint = false} : vector<112x64xf32>, vector<512x64xf32>, vector<112x512xf32> -> vector<112x512xf32>
    %slice3A_286 = vector.extract_strided_slice %dot_general3A_285 {offsets = [0, 0], sizes = [100, 512], strides = [1, 1]} : vector<112x512xf32> to vector<100x512xf32>
    %mul3A_287 = arith.constant 1.250000e-01 : f32
    %mul3A_288 = vector.broadcast %mul3A_287 : f32 to vector<100x512xf32>
    %mul3A_289 = arith.mulf %mul3A_288, %slice3A_286 : vector<100x512xf32>
    %swap3A_290 = arith.constant 0 : index
    %swap3A_291 = arith.constant 14 : index
    %swap3A_292 = arith.constant 0 : index
    %swap3A_293 = vector.load %arg8[%swap3A_290, %swap3A_291, %swap3A_292] : memref<100x16x512xf32, #tpu.memory_space<vmem>>, vector<100x1x512xf32>
    %swap3A_294 = vector.shape_cast %swap3A_293 : vector<100x1x512xf32> to vector<100x512xf32>
    %swap3A_295 = vector.shape_cast %mul3A_289 : vector<100x512xf32> to vector<100x1x512xf32>
    tpu.vector_store %arg8[%swap3A_290, %swap3A_291, %swap3A_292], %swap3A_295 {strides = array<i32>} : memref<100x16x512xf32, #tpu.memory_space<vmem>>, vector<100x1x512xf32>,
    %slice3A_296 = vector.extract_strided_slice %reshape3A_11 {offsets = [15, 0, 0], sizes = [1, 112, 64], strides = [1, 1, 1]} : vector<16x112x64xf32> to vector<1x112x64xf32>
    %squeeze3A_297 = vector.shape_cast %slice3A_296 : vector<1x112x64xf32> to vector<112x64xf32>
    %slice3A_298 = vector.extract_strided_slice %transpose3A {offsets = [0, 15], sizes = [112, 1], strides = [1, 1]} : vector<112x16xf32> to vector<112x1xf32>
    %mul3A_299 = vector.broadcast %slice3A_298 : vector<112x1xf32> to vector<112x64xf32>
    %mul3A_300 = arith.mulf %squeeze3A_297, %mul3A_299 : vector<112x64xf32>
    %slice3A_301 = vector.extract_strided_slice %add3A_29 {offsets = [7680, 0], sizes = [512, 64], strides = [1, 1]} : vector<8192x64xf32> to vector<512x64xf32>
    %dot_general3A_302 = arith.constant dense<0.000000e+00> : vector<112x512xf32>
    %dot_general3A_303 = tpu.matmul %mul3A_300, %slice3A_301, %dot_general3A_302 {dimension_numbers = #tpu.dot_dimension_numbers<[1], [1], [0], [0], [0, 0, 1, 0], [], []>, transpose_lhs_hint = false} : vector<112x64xf32>, vector<512x64xf32>, vector<112x512xf32> -> vector<112x512xf32>
    %slice3A_304 = vector.extract_strided_slice %dot_general3A_303 {offsets = [0, 0], sizes = [100, 512], strides = [1, 1]} : vector<112x512xf32> to vector<100x512xf32>
    %mul3A_305 = arith.constant 1.250000e-01 : f32
    %mul3A_306 = vector.broadcast %mul3A_305 : f32 to vector<100x512xf32>
    %mul3A_307 = arith.mulf %mul3A_306, %slice3A_304 : vector<100x512xf32>
    %swap3A_308 = arith.constant 0 : index
    %swap3A_309 = arith.constant 15 : index
    %swap3A_310 = arith.constant 0 : index
    %swap3A_311 = vector.load %arg8[%swap3A_308, %swap3A_309, %swap3A_310] : memref<100x16x512xf32, #tpu.memory_space<vmem>>, vector<100x1x512xf32>
    %swap3A_312 = vector.shape_cast %swap3A_311 : vector<100x1x512xf32> to vector<100x512xf32>
    %swap3A_313 = vector.shape_cast %mul3A_307 : vector<100x512xf32> to vector<100x1x512xf32>
    tpu.vector_store %arg8[%swap3A_308, %swap3A_309, %swap3A_310], %swap3A_313 {strides = array<i32>} : memref<100x16x512xf32, #tpu.memory_space<vmem>>, vector<100x1x512xf32>,
    return
  }
  func.func @transform_0(%arg0: i32) -> (i32, i32, i32) {
    %c0_i32 = arith.constant 0 : i32
    %c0_i32_0 = arith.constant 0 : i32
    %c0_i32_1 = arith.constant 0 : i32
    return %c0_i32, %arg0, %c0_i32_0 : i32, i32, i32
  }
  func.func @transform_1(%arg0: i32) -> (i32, i32, i32) {
    %c0_i32 = arith.constant 0 : i32
    %c0_i32_0 = arith.constant 0 : i32
    %c0_i32_1 = arith.constant 0 : i32
    %c0_i32_2 = arith.constant 0 : i32
    return %c0_i32, %c0_i32_0, %c0_i32_1 : i32, i32, i32
  }
  func.func @transform_2(%arg0: i32) -> (i32, i32) {
    %c0_i32 = arith.constant 0 : i32
    %c0_i32_0 = arith.constant 0 : i32
    %c0_i32_1 = arith.constant 0 : i32
    return %c0_i32, %c0_i32_0 : i32, i32
  }
  func.func @transform_3(%arg0: i32) -> (i32, i32) {
    %c0_i32 = arith.constant 0 : i32
    %c0_i32_0 = arith.constant 0 : i32
    %c0_i32_1 = arith.constant 0 : i32
    return %c0_i32, %c0_i32_0 : i32, i32
  }
  func.func @transform_4(%arg0: i32) -> (i32, i32) {
    %c0_i32 = arith.constant 0 : i32
    %c0_i32_0 = arith.constant 0 : i32
    %c0_i32_1 = arith.constant 0 : i32
    return %c0_i32, %c0_i32_0 : i32, i32
  }
  func.func @transform_5(%arg0: i32) -> (i32, i32) {
    %c0_i32 = arith.constant 0 : i32
    %c0_i32_0 = arith.constant 0 : i32
    %c0_i32_1 = arith.constant 0 : i32
    return %c0_i32, %c0_i32_0 : i32, i32
  }
  func.func @transform_6(%arg0: i32) -> (i32, i32) {
    %c0_i32 = arith.constant 0 : i32
    %c0_i32_0 = arith.constant 0 : i32
    %c0_i32_1 = arith.constant 0 : i32
    return %c0_i32, %c0_i32_0 : i32, i32
  }
  func.func @transform_7(%arg0: i32) -> (i32, i32, i32) {
    %c0_i32 = arith.constant 0 : i32
    %c0_i32_0 = arith.constant 0 : i32
    %c0_i32_1 = arith.constant 0 : i32
    return %c0_i32, %c0_i32_0, %arg0 : i32, i32, i32
  }
}

</mosaic_0001>

<sc_bundles>
// kernel: kernel.4.cloned.1.call-start
scs
__scs_entry_jumppad:
0x0: {  	(pc) =	sbr.rel $0x88, $3  }
0x1: {  	(tag) =	ssettag $0x0;
	lr =	simm.s32 $0x1  }
0x2: {  	[smem:$0x3F9B] =	sst lr;
	_ =	strace $0xD0000000  }
0x3: {  	_ = 	snop  }
0x4: {  	_ = 	snop  }
0x5: {  	_ = 	snop  }
0x6: {  	_ = 	snop  }
0x7: {  	_ = 	snop  }
__scs_overlays_trampoline_lowered:
0x8: {  	[smem:$0x3FAA] =	sst s0  }
0x9: {  	[smem:$0x3FAB] =	sst s1  }
0xa: {  	[smem:$0x3FAC] =	sst s2  }
0xb: {  	[smem:$0x3FAD] =	sst s3  }
0xc: {  	[smem:$0x3FAE] =	sst s4  }
0xd: {  	[smem:$0x3FAF] =	sst s5  }
0xe: {  	[smem:$0x3FB0] =	sst s6  }
0xf: {  	[smem:$0x3FB1] =	sst s7  }
0x10: {  	[smem:$0x3FB2] =	sst s8  }
0x11: {  	[smem:$0x3FB3] =	sst s9;
	s0 =	simm.s32 @!p0 $0x0  }
0x12: {  	s1 =	sld [smem:$0x3F99];
	s0 =	simm.s32 @p0 $0x1  }
0x13: {  	[smem:$0x3FB4] =	sst s0;
	s0 =	simm.s32 @!p1 $0x0  }
0x14: {  	s2 =	sld [smem:$0x3F98];
	s0 =	simm.s32 @p1 $0x1  }
0x15: {  	[smem:$0x3FB5] =	sst s0;
	s0 =	simm.s32 @!p2 $0x0  }
0x16: {  	s3 =	sld [smem:$0x3FDB];
	s0 =	simm.s32 @p2 $0x1  }
0x17: {  	s4 =	simm.s32 $0x1BF5;
	[smem:$0x3FB7] =	sst s0  }
0x18: {  	s0 =	sld [smem:$0x3F9A];
	_ =	swait.ge [sflag:s4], $0x0  }
0x19: {  	s7 =	sld [smem:$0x3F9B]  }
0x1a: {  	s8 =	sadd.s32 $0xFFFFE003, lr  }
0x1b: {  	s9 =	sadd.s32 $0xFFFFFEF7, lr;
	s5 =	simm.s32 $0xFFFFFFFF;
	p2 =	slt.u32 s8, $0xFFFFF086  }
0x1c: {  	p1 =	slt.u32 s9, $0xF7A;
	s5 =	simm.s32 @!p2 $0x0  }
0x1d: {  	s5 =	simm.s32 @p1 $0x1;
	p0 =	seq.s32 s7, s2  }
0x1e: {  	s7 =	smul.u32 @!p0 $0xF7A, s2;
	p2 =	seq.s32 @!p0 s5, $0x0  }
0x1f: {  	s9 =	smul.u32 $0xF7A, s1;
	s8 =	simm.s32 @!p0 $0x1BF5;
	p2 =	por !p2, p0  }
0x20: {  	[sflag:s8] =	ssyncset.s32 @!p0 $0xFFFFF086;
	s6 =	sadd.s32 @!p0 s3, s7;
	s7 =	simm.s32 @!p0 $0x108  }
0x21: {  	s3 =	sadd.s32 s3, s9;
	s6 =	sadd.s32 @!p0 $0x88, s6;
	s7 =	simm.s32 @p2 $0x1082  }
0x22: {  	[simem:s7], [sflag:s8] =	dma.local @!p0 [hbm:s6], $0xF7A  }
0x23: {  	s9 =	sor.u32 $0xD0000000, s2;
	s6 =	simm.s32 $0x108;
	_ =	swait.ge @!p0 [sflag:s8], $0x0  }
0x24: {  	s3 =	sadd.s32 $0x88, s3;
	s6 =	simm.s32 @!p1 $0x1082;
	[sflag:s4] =	ssyncset.s32 $0xFFFFF086  }
0x25: {  	[simem:s6], [sflag:s4] =	dma.local [hbm:s3], $0xF7A  }
0x26: {  	[smem:$0x3F9B] =	sst s1;
	(tag) =	ssettag s2;
	_ =	strace s9  }
0x27: {  	s1 =	sld [smem:$0x3FAB]  }
0x28: {  	s2 =	sld [smem:$0x3FAC]  }
0x29: {  	s4 =	sld [smem:$0x3FAE]  }
0x2a: {  	p0 =	seq.s32 s5, $0x0;
	s5 =	sld [smem:$0x3FAF]  }
0x2b: {  	s6 =	sld [smem:$0x3FB0]  }
0x2c: {  	s7 =	sld [smem:$0x3FB1]  }
0x2d: {  	s3 =	simm.s32 $0x108;
	s8 =	sld [smem:$0x3FB2]  }
0x2e: {  	s3 =	simm.s32 @!p0 $0x1082;
	s9 =	sld [smem:$0x3FB3]  }
0x2f: {  	lr =	sadd.s32 s0, s3;
	s0 =	sld [smem:$0x3FAA]  }
0x30: {  	s3 =	sld [smem:$0x3FAD]  }
0x31: {  	[smem:$0x3FB6] =	sst s10  }
0x32: {  	s10 =	sld [smem:$0x3FB4];
	_ =	sdelay $0x3  }
0x33: {  	p0 =	seq.s32 s10, $0x1;
	s10 =	sld [smem:$0x3FB6];
	_ =	sdelay $0x3  }
0x34: {  	[smem:$0x3FB6] =	sst s10  }
0x35: {  	s10 =	sld [smem:$0x3FB5];
	_ =	sdelay $0x3  }
0x36: {  	p1 =	seq.s32 s10, $0x1;
	s10 =	sld [smem:$0x3FB6];
	_ =	sdelay $0x3  }
0x37: {  	[smem:$0x3FB6] =	sst s10  }
0x38: {  	s10 =	sld [smem:$0x3FB7]  }
0x39: {  	_ = 	snop;
	(pc) =	sbr.ind lr, $3  }
0x3a: {  	_ = 	snop  }
0x3b: {  	_ = 	snop  }
0x3c: {  	p2 =	seq.s32 s10, $0x1;
	s10 =	sld [smem:$0x3FB6]  }
0x3d: {  	_ =	shalt  }
0x3e: {  	_ =	shalt  }
0x3f: {  	_ =	shalt  }
0x40: {  	_ =	shalt  }
0x41: {  	_ =	shalt  }
0x42: {  	_ =	shalt  }
0x43: {  	_ =	shalt  }
0x44: {  	_ =	shalt  }
0x45: {  	_ =	shalt  }
0x46: {  	_ =	shalt  }
0x47: {  	_ =	shalt  }
0x48: {  	_ =	shalt  }
0x49: {  	_ =	shalt  }
0x4a: {  	_ =	shalt  }
0x4b: {  	_ =	shalt  }
0x4c: {  	_ =	shalt  }
0x4d: {  	_ =	shalt  }
0x4e: {  	_ =	shalt  }
0x4f: {  	_ =	shalt  }
0x50: {  	_ =	shalt  }
0x51: {  	_ =	shalt  }
0x52: {  	_ =	shalt  }
0x53: {  	_ =	shalt  }
0x54: {  	_ =	shalt  }
0x55: {  	_ =	shalt  }
0x56: {  	_ =	shalt  }
0x57: {  	_ =	shalt  }
0x58: {  	_ =	shalt  }
0x59: {  	_ =	shalt  }
0x5a: {  	_ =	shalt  }
0x5b: {  	_ =	shalt  }
0x5c: {  	_ =	shalt  }
0x5d: {  	_ =	shalt  }
0x5e: {  	_ =	shalt  }
0x5f: {  	_ =	shalt  }
0x60: {  	_ =	shalt  }
0x61: {  	_ =	shalt  }
0x62: {  	_ =	shalt  }
0x63: {  	_ =	shalt  }
0x64: {  	_ =	shalt  }
0x65: {  	_ =	shalt  }
0x66: {  	_ =	shalt  }
0x67: {  	_ =	shalt  }
0x68: {  	_ =	shalt  }
0x69: {  	_ =	shalt  }
0x6a: {  	_ =	shalt  }
0x6b: {  	_ =	shalt  }
0x6c: {  	_ =	shalt  }
0x6d: {  	_ =	shalt  }
0x6e: {  	_ =	shalt  }
0x6f: {  	_ =	shalt  }
0x70: {  	_ =	shalt  }
0x71: {  	_ =	shalt  }
0x72: {  	_ =	shalt  }
0x73: {  	_ =	shalt  }
0x74: {  	_ =	shalt  }
0x75: {  	_ =	shalt  }
0x76: {  	_ =	shalt  }
0x77: {  	_ =	shalt  }
0x78: {  	_ =	shalt  }
0x79: {  	_ =	shalt  }
0x7a: {  	_ =	shalt  }
0x7b: {  	_ =	shalt  }
0x7c: {  	_ =	shalt  }
0x7d: {  	_ =	shalt  }
0x7e: {  	_ =	shalt  }
0x7f: {  	_ =	shalt  }
0x80: {  	_ =	shalt  }
0x81: {  	_ =	shalt  }
0x82: {  	_ =	shalt  }
0x83: {  	_ =	shalt  }
0x84: {  	_ =	shalt  }
0x85: {  	_ =	shalt  }
0x86: {  	_ =	shalt  }
0x87: {  	_ =	shalt  }
.Lfunc_end0:
.L_simem_size_0:
called_computation_lowered:
.L_overlay_start_0:
0x88: {  	s2 =	sld [smem:$0x3FD9]  }
0x89: {  	s3 =	sld [smem:$0x3FFE];
	_ =	sdelay $0x1  }
0x8a: {  	s1 =	srdreg.scid  }
0x8b: {  	s0 =	sand.u32 $0x1, s1  }
0x8c: {  	s17 =	sshll.u32 s0, $0xA;
	s2 =	sadd.s32 s3, s2  }
0x8d: {  	s2 =	sadd.s32 s2, s17  }
0x8e: {  	[smem:$0x3FC2] =	sst s2  }
0x8f: {  	_ = 	snop  }
0x90: {  	s2 =	sld [smem:$0x3FC9]  }
0x91: {  	s18 =	sld [smem:$0x3FC8]  }
0x92: {  	s4 =	sld [smem:$0x3FD0];
	(tm) =	ssettm $0x1  }
0x93: {  	s5 =	sld [smem:$0x3FFB];
	_ =	sdelay $0x3  }
0x94: {  	_ =	strace s5  }
0x95: {  	s5 =	sld [smem:$0x3FFC];
	_ =	sdelay $0x3  }
0x96: {  	_ =	strace s5  }
0x97: {  	s5 =	sld [smem:$0x3FFD];
	_ =	sdelay $0x3  }
0x98: {  	_ =	strace s5  }
0x99: {  	_ =	strace $0x8FFFFFFF  }
0x9a: {  	s19 =	sld [smem:$0x3FDB];
	_ =	sdelay $0x1  }
0x9b: {  	s6 =	simm.s32 $_scs_section_size  }
0x9c: {  	s7 =	simm.s32 $_size__tile_overlayer_lowered;
	s8 =	simm.s32 $_tile_overlayer_lowered  }
0x9d: {  	s22 =	simm.s32 $0x1BFF;
	s21 =	sshll.u32 s8, $0x1;
	s5 =	sadd.s32 s6, s19  }
0x9e: {  	s9 =	simm.s32 $0x0;
	s20 =	sshll.u32 s7, $0x1;
	s7 =	sadd.s32 s21, s5  }
0x9f: {  	[timem:s9], [sflag:s22] =	dma.local [hbm:s7], s20  }
0xa0: {  	_ =	swait.ge [sflag:s22], s20  }
0xa1: {  	s6 =	ssub.s32 $0x0, s20;
	[sflag:s22] =	ssyncset.done $0x0  }
0xa2: {  	[sflag:s22] =	ssyncadd.s32 s6;
	_ =	sdelay $0x1  }
0xa3: {  	s23 =	simm.s32 $0x1B8B  }
0xa4: {  	_ =	swait.ge [sflag:s23], $0x1  }
0xa5: {  	[sflag:s23] =	ssyncset.done $0x0  }
0xa6: {  	s25 =	simm.s32 $0x1B8E;
	s24 =	sld [smem:$0x3FFE];
	[sflag:s23] =	ssyncadd.s32 $0xFFFFFFFF  }
0xa7: {  	s26 =	simm.s32 $execute0_lowered;
	[smem:$0x3FD2] =	sst s25  }
0xa8: {  	s7 =	sshll.u32 s26, $0x1;
	_ =	strace $0x80000046;
	[dreg:$0x1] =	wrdreg $0xFFFFFFFF  }
0xa9: {  	s28 =	simm.s32 $_size_execute0_lowered;
	s5 =	sadd.s32 s5, s7;
	[dreg:$0x0] =	wrdreg $0x0  }
0xaa: {  	s7 =	sshll.u32 s28, $0x1;
	[dreg:$0x2] =	wrdreg s5  }
0xab: {  	[dreg:$0x3] =	wrdreg s7  }
0xac: {  	[dreg:$0x4] =	wrdreg $0xC0  }
0xad: {  	_ =	task [dreg:s9], $0x5FFFF  }
0xae: {  	[dreg:$0x1] =	wrdreg $0xFFFFFFFF  }
0xaf: {  	[dreg:$0x0] =	wrdreg $0x60  }
0xb0: {  	[dreg:$0x2] =	wrdreg s2  }
0xb1: {  	[dreg:$0x3] =	wrdreg s18  }
0xb2: {  	[dreg:$0x4] =	wrdreg s4  }
0xb3: {  	[dreg:$0x5] =	wrdreg s24  }
0xb4: {  	[dreg:$0x6] =	wrdreg $0x49000  }
0xb5: {  	[dreg:$0x7] =	wrdreg $0x9  }
0xb6: {  	_ =	task.clear_ibuf [dreg:s9], $0x8FFFF;
	_ =	strace $0x90000046  }
0xb7: {  	s29 =	simm.s32 $0x9;
	_ =	strace $0x80000048  }
0xb8: {  	_ =	swait.ge [sflag:s29], $0x1  }
0xb9: {  	[sflag:s29] =	ssyncadd.s32 $0xFFFFFFFF  }
0xba: {  	_ =	strace $0x90000048  }
0xbb: {  	_ =	sfence  }
0xbc: {  	s30 =	sld [smem:$0x0];
	_ =	sdelay $0x2  }
0xbd: {  	s31 =	sshll.u32 s1, $0xD;
	s1 =	sshrl.u32 s1, $0x2  }
0xbe: {  	s3 =	sand.u32 $0x4000, s31;
	s1 =	sadd.s32 s1, s30  }
0xbf: {  	s0 =	sor.u32 s3, s0;
	s1 =	sshll.u32 s1, $0x11  }
0xc0: {  	s0 =	sor.u32 s1, s0  }
0xc1: {  	s0 =	sadd.s32 $0x8F2B, s0  }
0xc2: {  	[sflag:s0] =	ssyncadd.remote.s32 $0x1  }
0xc3: {  	_ =	sfence.sel $0xFFFF  }
0xc4: {  	[dreg:$0x0] =	wrdreg $0xFFFFFFFF;
	(pc) =	sbr.abs _section_cstart, $3  }
0xc5: {  	[dreg:$0x1] =	wrdreg $0xFFFFFFFF  }
0xc6: {  	_ =	task.clear_ibuf [dreg:s9], $0x2FFFF;
	_ =	strace $0x9FFFFFFF  }
0xc7: {  	(tm) =	ssettm $0x7FFFFFFF  }
tec
execute0_lowered:
.L_overlay_start_1:
0x0: {  	(tag) =	ssettag $0x1  }
0x1: {  	s0 =	rddreg [dreg:$0x0]  }
0x2: {  	s5 =	rddreg [dreg:$0x1]  }
0x3: {  	s8 =	rddreg [dreg:$0x2]  }
0x4: {  	s4 =	rddreg [dreg:$0x3]  }
0x5: {  	s7 =	rddreg [dreg:$0x4];
	s3 =	srdreg.scid  }
0x6: {  	s2 =	stileid.u32;
	s16 =	simm.s32 $0x800;
	s18 =	simm.s32 $0xF80  }
0x7: {  	s20 =	simm.s32 $0x1900;
	s21 =	simm.s32 $0x2100;
	s22 =	simm.s32 $0x2900  }
0x8: {  	s23 =	simm.s32 $0x3100;
	s28 =	simm.s32 $0x0;
	s6 =	sand.u32 $0x1, s3  }
0x9: {  	s9 =	sshrl.u32 s2, $0x1;
	s3 =	simm.s32 $0x0;
	s17 =	sand.u32 $0x1, s2  }
0xa: {  	s26 =	sshll.u32 s2, $0x7;
	s10 =	sshll.u32 s9, $0x7;
	s11 =	sshll.u32 s6, $0xA  }
0xb: {  	[smem:$0x7FF] =	sst s3;
	s12 =	ssub.s32 $0x2, s6;
	s24 =	sshll.u32 s6, $0xE  }
0xc: {  	s6 =	sshll.u32 s6, $0x3;
	s29 =	sshll.u32 s17, $0x8;
	s15 =	sshll.u32 s17, $0xA  }
0xd: {  	p0 =	sne.s32 s17, $0x0;
	s11 =	sor.u32 s11, s10;
	_ =	strace $0x80000047  }
0xe: {  	s13 =	sshrl.u32 s12, $0x1;
	s9 =	sor.u32 s9, s6;
	s6 =	sadd.s32 s26, s7  }
0xf: {  	s11 =	sshrl.u32 s11, $0x3;
	s12 =	ssub.s32 s12, s13;
	s14 =	smul.u32 $0x70, s9  }
0x10: {  	s13 =	ssub.s32 s26, s29;
	s19 =	sshll.u32 s9, $0xB;
	s26 =	simm.s32 $0x1  }
0x11: {  	s11 =	sadd.s32 s11, s4;
	s4 =	sor.u32 s24, s10;
	s7 =	sadd.s32 s7, s13  }
0x12: {  	s10 =	smax.u32 s12, $0x1;
	s12 =	sor.u32 $0x40, s15;
	s13 =	simm.s32 $0x80  }
0x13: {  	v2 =	vmov s19;
	s19 =	simm.s32 $0x1100;
	s25 =	sshrl.u32 s4, $0x3;
	s4 =	smul.u32 $0x38, s17  }
0x14: {  	v0 =	vlaneseq.u32;
	s24 =	simm.s32 $0x3900;
	s7 =	sadd.s32 $0x80, s7;
	s9 =	sadd.s32 $0x1400, s11  }
0x15: {  	v3 =	vimm.s32 $0xFFFFFFFF;
	v5 =	vimm.s32 $0x0;
	v1 =	vmul.u32 $0x70, v0;
	s11 =	sor.u32 $0x70, s15;
	s15 =	simm.s32 $0x2;
	s30 =	sadd.s32 s4, s14  }
0x16: {  	vm0 =	vmmov $0xffff;
	v6 =	vand.u32 $0x7, v0;
	v7 =	vshrl.u32 v0, $0x3;
	s17 =	simm.s32 $0xF00;
	s5 =	sadd.s32 s5, s25;
	s31 =	sshll.u32 s30, $0x5  }
0x17: {  	v8 =	vor.u32 $0x8, v0;
	v7 =	vmul.u32 $0x8, v7;
	v4 =	vadd.s32 $0xFFFFFFFC, v1;
	s25 =	simm.s32 $0x4100;
	s14 =	simm.s32 $0x400;
	s8 =	sadd.s32 s8, s31  }
.LBB2_1:
0x18: {  	[tilespmem:s3], [sflag:$0x2] =	stream.strided.gather [hbm4b:s5+s13], $0x800, s14, s13, $0x38;
	[tilespmem:$0x4980] =	vst v63  }
0x19: {  	_ =	swait.ge [sflag:s15], $0x800  }
0x1a: {  	[sflag:s15] =	ssyncset.done $0x0  }
0x1b: {  	[sflag:s15] =	ssyncadd.s32 $0xFFFFF800  }
0x1c: {  	[tilespmem:$0x800] =	vst v3  }
0x1d: {  	[tilespmem:$0x810] =	vst v3  }
0x1e: {  	[tilespmem:$0x820] =	vst v3  }
0x1f: {  	[tilespmem:$0x830] =	vst v3  }
0x20: {  	[tilespmem:$0x840] =	vst v3  }
0x21: {  	[tilespmem:$0x850] =	vst v3  }
0x22: {  	[tilespmem:$0x860] =	vst v3  }
0x23: {  	[tilespmem:$0x870] =	vst v3  }
0x24: {  	[tilespmem:$0x880] =	vst v3  }
0x25: {  	[tilespmem:$0x890] =	vst v3  }
0x26: {  	[tilespmem:$0x8A0] =	vst v3  }
0x27: {  	[tilespmem:$0x8B0] =	vst v3  }
0x28: {  	[tilespmem:$0x8C0] =	vst v3  }
0x29: {  	[tilespmem:$0x8D0] =	vst v3  }
0x2a: {  	[tilespmem:$0x8E0] =	vst v3  }
0x2b: {  	[tilespmem:$0x8F0] =	vst v3  }
0x2c: {  	[tilespmem:$0x900] =	vst v3  }
0x2d: {  	[tilespmem:$0x910] =	vst v3  }
0x2e: {  	[tilespmem:$0x920] =	vst v3  }
0x2f: {  	[tilespmem:$0x930] =	vst v3  }
0x30: {  	[tilespmem:$0x940] =	vst v3  }
0x31: {  	[tilespmem:$0x950] =	vst v3  }
0x32: {  	[tilespmem:$0x960] =	vst v3  }
0x33: {  	[tilespmem:$0x970] =	vst v3  }
0x34: {  	[tilespmem:$0x980] =	vst v3  }
0x35: {  	[tilespmem:$0x990] =	vst v3  }
0x36: {  	[tilespmem:$0x9A0] =	vst v3  }
0x37: {  	[tilespmem:$0x9B0] =	vst v3  }
0x38: {  	[tilespmem:$0x9C0] =	vst v3  }
0x39: {  	[tilespmem:$0x9D0] =	vst v3  }
0x3a: {  	[tilespmem:$0x9E0] =	vst v3  }
0x3b: {  	[tilespmem:$0x9F0] =	vst v3  }
0x3c: {  	[tilespmem:$0xA00] =	vst v3  }
0x3d: {  	[tilespmem:$0xA10] =	vst v3  }
0x3e: {  	[tilespmem:$0xA20] =	vst v3  }
0x3f: {  	[tilespmem:$0xA30] =	vst v3  }
0x40: {  	[tilespmem:$0xA40] =	vst v3  }
0x41: {  	[tilespmem:$0xA50] =	vst v3  }
0x42: {  	[tilespmem:$0xA60] =	vst v3  }
0x43: {  	[tilespmem:$0xA70] =	vst v3  }
0x44: {  	[tilespmem:$0xA80] =	vst v3  }
0x45: {  	[tilespmem:$0xA90] =	vst v3  }
0x46: {  	[tilespmem:$0xAA0] =	vst v3  }
0x47: {  	[tilespmem:$0xAB0] =	vst v3  }
0x48: {  	[tilespmem:$0xAC0] =	vst v3  }
0x49: {  	[tilespmem:$0xAD0] =	vst v3  }
0x4a: {  	[tilespmem:$0xAE0] =	vst v3  }
0x4b: {  	[tilespmem:$0xAF0] =	vst v3  }
0x4c: {  	[tilespmem:$0xB00] =	vst v3  }
0x4d: {  	[tilespmem:$0xB10] =	vst v3  }
0x4e: {  	[tilespmem:$0xB20] =	vst v3  }
0x4f: {  	[tilespmem:$0xB30] =	vst v3  }
0x50: {  	[tilespmem:$0xB40] =	vst v3  }
0x51: {  	[tilespmem:$0xB50] =	vst v3  }
0x52: {  	[tilespmem:$0xB60] =	vst v3  }
0x53: {  	[tilespmem:$0xB70] =	vst v3  }
0x54: {  	[tilespmem:$0xB80] =	vst v3  }
0x55: {  	[tilespmem:$0xB90] =	vst v3  }
0x56: {  	[tilespmem:$0xBA0] =	vst v3  }
0x57: {  	[tilespmem:$0xBB0] =	vst v3  }
0x58: {  	[tilespmem:$0xBC0] =	vst v3  }
0x59: {  	[tilespmem:$0xBD0] =	vst v3  }
0x5a: {  	[tilespmem:$0xBE0] =	vst v3  }
0x5b: {  	[tilespmem:$0xBF0] =	vst v3  }
0x5c: {  	[tilespmem:$0xC00] =	vst v3  }
0x5d: {  	[tilespmem:$0xC10] =	vst v3  }
0x5e: {  	[tilespmem:$0xC20] =	vst v3  }
0x5f: {  	[tilespmem:$0xC30] =	vst v3  }
0x60: {  	[tilespmem:$0xC40] =	vst v3  }
0x61: {  	[tilespmem:$0xC50] =	vst v3  }
0x62: {  	[tilespmem:$0xC60] =	vst v3  }
0x63: {  	[tilespmem:$0xC70] =	vst v3  }
0x64: {  	[tilespmem:$0xC80] =	vst v3  }
0x65: {  	[tilespmem:$0xC90] =	vst v3  }
0x66: {  	[tilespmem:$0xCA0] =	vst v3  }
0x67: {  	[tilespmem:$0xCB0] =	vst v3  }
0x68: {  	[tilespmem:$0xCC0] =	vst v3  }
0x69: {  	[tilespmem:$0xCD0] =	vst v3  }
0x6a: {  	[tilespmem:$0xCE0] =	vst v3  }
0x6b: {  	[tilespmem:$0xCF0] =	vst v3  }
0x6c: {  	[tilespmem:$0xD00] =	vst v3  }
0x6d: {  	[tilespmem:$0xD10] =	vst v3  }
0x6e: {  	[tilespmem:$0xD20] =	vst v3  }
0x6f: {  	[tilespmem:$0xD30] =	vst v3  }
0x70: {  	[tilespmem:$0xD40] =	vst v3  }
0x71: {  	[tilespmem:$0xD50] =	vst v3  }
0x72: {  	[tilespmem:$0xD60] =	vst v3  }
0x73: {  	[tilespmem:$0xD70] =	vst v3  }
0x74: {  	[tilespmem:$0xD80] =	vst v3  }
0x75: {  	[tilespmem:$0xD90] =	vst v3  }
0x76: {  	[tilespmem:$0xDA0] =	vst v3  }
0x77: {  	[tilespmem:$0xDB0] =	vst v3  }
0x78: {  	[tilespmem:$0xDC0] =	vst v3  }
0x79: {  	[tilespmem:$0xDD0] =	vst v3  }
0x7a: {  	[tilespmem:$0xDE0] =	vst v3  }
0x7b: {  	[tilespmem:$0xDF0] =	vst v3  }
0x7c: {  	[tilespmem:$0xE00] =	vst v3  }
0x7d: {  	[tilespmem:$0xE10] =	vst v3  }
0x7e: {  	[tilespmem:$0xE20] =	vst v3  }
0x7f: {  	[tilespmem:$0xE30] =	vst v3  }
0x80: {  	[tilespmem:$0xE40] =	vst v3  }
0x81: {  	[tilespmem:$0xE50] =	vst v3  }
0x82: {  	[tilespmem:$0xE60] =	vst v3  }
0x83: {  	[tilespmem:$0xE70] =	vst v3  }
0x84: {  	[tilespmem:$0xE80] =	vst v3  }
0x85: {  	[tilespmem:$0xE90] =	vst v3  }
0x86: {  	[tilespmem:$0xEA0] =	vst v3  }
0x87: {  	[tilespmem:$0xEB0] =	vst v3  }
0x88: {  	[tilespmem:$0xEC0] =	vst v3  }
0x89: {  	[tilespmem:$0xED0] =	vst v3  }
0x8a: {  	[tilespmem:$0xEE0] =	vst v3  }
0x8b: {  	s29 =	simm.s32 $0xFFFFFFF8;
	s30 =	smov.u32 s12;
	s31 =	smov.u32 s11;
	[tilespmem:$0xEF0] =	vst v3  }
.LBB2_2:
0x8c: {  	v9 =	vld [tilespmem:s30+$0xFFFFFFC0];
	_ =	sdelay $0x4  }
0x8d: {  	v10 =	vadd.s32 $0xFFFFFFFC, v9  }
0x8e: {  	v9 =	vadd.s32 v4, v9;
	vm1 =	vlt.u32 v10, $0x64  }
0x8f: {  	v9 =	vsel vm1, v9, v1;
	_ =	sdelay $0x2  }
0x90: {  	s1 =	sadd.s32 $0xFFFFFF90, s31  }
0x91: {  	v10 =	vor.u32 s1, v0  }
0x92: {  	[tilespmem:v9+s16+$0x0] =	vst.idx.msk vm1, v10  }
0x93: {  	v9 =	vld [tilespmem:s30+$0xFFFFFFD0];
	_ =	sdelay $0x4  }
0x94: {  	v10 =	vadd.s32 $0xFFFFFFFC, v9  }
0x95: {  	v9 =	vadd.s32 v4, v9;
	vm1 =	vlt.u32 v10, $0x64  }
0x96: {  	v9 =	vsel vm1, v9, v1;
	_ =	sdelay $0x2  }
0x97: {  	s1 =	sadd.s32 $0xFFFFFFA0, s31  }
0x98: {  	v10 =	vor.u32 s1, v0  }
0x99: {  	[tilespmem:v9+s16+$0x0] =	vst.idx.msk vm1, v10  }
0x9a: {  	v9 =	vld [tilespmem:s30+$0xFFFFFFE0];
	_ =	sdelay $0x4  }
0x9b: {  	v10 =	vadd.s32 $0xFFFFFFFC, v9  }
0x9c: {  	v9 =	vadd.s32 v4, v9;
	vm1 =	vlt.u32 v10, $0x64  }
0x9d: {  	v9 =	vsel vm1, v9, v1;
	_ =	sdelay $0x2  }
0x9e: {  	s1 =	sadd.s32 $0xFFFFFFB0, s31  }
0x9f: {  	v10 =	vor.u32 s1, v0  }
0xa0: {  	[tilespmem:v9+s16+$0x0] =	vst.idx.msk vm1, v10  }
0xa1: {  	v9 =	vld [tilespmem:s30+$0xFFFFFFF0];
	_ =	sdelay $0x4  }
0xa2: {  	v10 =	vadd.s32 $0xFFFFFFFC, v9  }
0xa3: {  	v9 =	vadd.s32 v4, v9;
	vm1 =	vlt.u32 v10, $0x64  }
0xa4: {  	v9 =	vsel vm1, v9, v1;
	_ =	sdelay $0x2  }
0xa5: {  	s1 =	sadd.s32 $0xFFFFFFC0, s31  }
0xa6: {  	v10 =	vor.u32 s1, v0  }
0xa7: {  	[tilespmem:v9+s16+$0x0] =	vst.idx.msk vm1, v10  }
0xa8: {  	v9 =	vld [tilespmem:s30+$0x0];
	_ =	sdelay $0x4  }
0xa9: {  	v10 =	vadd.s32 $0xFFFFFFFC, v9  }
0xaa: {  	v9 =	vadd.s32 v4, v9;
	vm1 =	vlt.u32 v10, $0x64  }
0xab: {  	v9 =	vsel vm1, v9, v1;
	_ =	sdelay $0x2  }
0xac: {  	s1 =	sadd.s32 $0xFFFFFFD0, s31  }
0xad: {  	v10 =	vor.u32 s1, v0  }
0xae: {  	[tilespmem:v9+s16+$0x0] =	vst.idx.msk vm1, v10  }
0xaf: {  	v9 =	vld [tilespmem:s30+$0x10];
	_ =	sdelay $0x4  }
0xb0: {  	v10 =	vadd.s32 $0xFFFFFFFC, v9  }
0xb1: {  	v9 =	vadd.s32 v4, v9;
	vm1 =	vlt.u32 v10, $0x64  }
0xb2: {  	v9 =	vsel vm1, v9, v1;
	_ =	sdelay $0x2  }
0xb3: {  	s1 =	sadd.s32 $0xFFFFFFE0, s31  }
0xb4: {  	v10 =	vor.u32 s1, v0  }
0xb5: {  	[tilespmem:v9+s16+$0x0] =	vst.idx.msk vm1, v10  }
0xb6: {  	v9 =	vld [tilespmem:s30+$0x20];
	_ =	sdelay $0x4  }
0xb7: {  	v10 =	vadd.s32 $0xFFFFFFFC, v9  }
0xb8: {  	v9 =	vadd.s32 v4, v9;
	vm1 =	vlt.u32 v10, $0x64  }
0xb9: {  	v9 =	vsel vm1, v9, v1;
	_ =	sdelay $0x2  }
0xba: {  	s1 =	sadd.s32 $0xFFFFFFF0, s31  }
0xbb: {  	v10 =	vor.u32 s1, v0  }
0xbc: {  	[tilespmem:v9+s16+$0x0] =	vst.idx.msk vm1, v10  }
0xbd: {  	v9 =	vld [tilespmem:s30+$0x30];
	_ =	sdelay $0x4  }
0xbe: {  	v10 =	vadd.s32 $0xFFFFFFFC, v9  }
0xbf: {  	s29 =	sadd.s32 $0x8, s29;
	v9 =	vadd.s32 v4, v9;
	vm1 =	vlt.u32 v10, $0x64  }
0xc0: {  	p1 =	slt.u32 s29, $0x38;
	v9 =	vsel vm1, v9, v1  }
.Ltmp0:
0xc1: {  	_ = 	snop;
	(pc) =	sbr.rel @p1 .LBB2_2-.Ltmp0, $3  }
0xc2: {  	_ =	sdelay $0x1  }
0xc3: {  	v10 =	vor.u32 s31, v0  }
0xc4: {  	s30 =	sadd.s32 $0x80, s30;
	s31 =	sadd.s32 $0x80, s31;
	[tilespmem:v9+s16+$0x0] =	vst.idx.msk vm1, v10  }
0xc5: {  	v9 =	vld [tilespmem:$0x800]  }
0xc6: {  	v10 =	vld [tilespmem:$0x870]  }
0xc7: {  	v11 =	vld [tilespmem:$0x8E0]  }
0xc8: {  	v13 =	vld [tilespmem:$0x950]  }
0xc9: {  	v15 =	vld [tilespmem:$0x9C0]  }
0xca: {  	v16 =	vld [tilespmem:$0xA30]  }
0xcb: {  	v17 =	vld [tilespmem:$0xAA0]  }
0xcc: {  	v18 =	vld [tilespmem:$0xB10]  }
0xcd: {  	v19 =	vld [tilespmem:$0xB80]  }
0xce: {  	v20 =	vld [tilespmem:$0xBF0]  }
0xcf: {  	v21 =	vld [tilespmem:$0xC60]  }
0xd0: {  	v22 =	vld [tilespmem:$0xCD0]  }
0xd1: {  	v23 =	vld [tilespmem:$0xD40]  }
0xd2: {  	v24 =	vld [tilespmem:$0xDB0]  }
0xd3: {  	v25 =	vld [tilespmem:$0xE20]  }
0xd4: {  	v26 =	vld [tilespmem:$0xE90]  }
0xd5: {  	v27 =	vld [tilespmem:$0x810]  }
0xd6: {  	v28 =	vld [tilespmem:$0x880]  }
0xd7: {  	v29 =	vld [tilespmem:$0x8F0]  }
0xd8: {  	v30 =	vld [tilespmem:$0x960]  }
0xd9: {  	v31 =	vld [tilespmem:$0x9D0]  }
0xda: {  	v32 =	vld [tilespmem:$0xA40]  }
0xdb: {  	v33 =	vld [tilespmem:$0xAB0]  }
0xdc: {  	v34 =	vld [tilespmem:$0xB20]  }
0xdd: {  	v35 =	vld [tilespmem:$0xB90]  }
0xde: {  	v36 =	vld [tilespmem:$0xC00]  }
0xdf: {  	v37 =	vld [tilespmem:$0xC70];
	vm1 =	vgt.s32 v9, v10  }
0xe0: {  	v14 =	vld [tilespmem:$0xCE0];
	v9 =	vsel vm1, v9, v10  }
0xe1: {  	v12 =	vld [tilespmem:$0xD50];
	vm1 =	vgt.s32 v9, v11  }
0xe2: {  	v38 =	vld [tilespmem:$0x820];
	v9 =	vsel vm1, v9, v11  }
0xe3: {  	v39 =	vld [tilespmem:$0x890];
	vm1 =	vgt.s32 v9, v13  }
0xe4: {  	v40 =	vld [tilespmem:$0x900];
	v13 =	vsel vm1, v9, v13  }
0xe5: {  	v56 =	vld [tilespmem:$0x970];
	vm1 =	vgt.s32 v13, v15  }
0xe6: {  	v41 =	vld [tilespmem:$0x9E0];
	v13 =	vsel vm1, v13, v15  }
0xe7: {  	v42 =	vld [tilespmem:$0xAC0];
	vm1 =	vgt.s32 v13, v16  }
0xe8: {  	v43 =	vld [tilespmem:$0xBA0];
	v13 =	vsel vm1, v13, v16  }
0xe9: {  	v44 =	vld [tilespmem:$0xC80];
	vm1 =	vgt.s32 v13, v17  }
0xea: {  	v45 =	vld [tilespmem:$0xD60];
	v13 =	vsel vm1, v13, v17  }
0xeb: {  	v46 =	vld [tilespmem:$0x830];
	vm1 =	vgt.s32 v13, v18  }
0xec: {  	v57 =	vld [tilespmem:$0x8A0];
	v13 =	vsel vm1, v13, v18  }
0xed: {  	v47 =	vld [tilespmem:$0x910];
	vm1 =	vgt.s32 v13, v19  }
0xee: {  	v58 =	vld [tilespmem:$0x980];
	v13 =	vsel vm1, v13, v19  }
0xef: {  	v48 =	vld [tilespmem:$0x9F0];
	vm1 =	vgt.s32 v13, v20  }
0xf0: {  	v60 =	vld [tilespmem:$0xA60];
	v13 =	vsel vm1, v13, v20  }
0xf1: {  	v61 =	vld [tilespmem:$0xAD0];
	vm1 =	vgt.s32 v13, v21  }
0xf2: {  	v62 =	vld [tilespmem:$0xB40];
	v13 =	vsel vm1, v13, v21  }
0xf3: {  	v49 =	vld [tilespmem:$0xBB0];
	vm1 =	vgt.s32 v13, v22  }
0xf4: {  	v50 =	vld [tilespmem:$0xC20];
	v22 =	vsel vm1, v13, v22  }
0xf5: {  	v51 =	vld [tilespmem:$0xC90];
	vm1 =	vgt.s32 v22, v23  }
0xf6: {  	v52 =	vld [tilespmem:$0xD00];
	v22 =	vsel vm1, v22, v23  }
0xf7: {  	v53 =	vld [tilespmem:$0xD70];
	vm1 =	vgt.s32 v22, v24  }
0xf8: {  	v54 =	vld [tilespmem:$0xDE0];
	v22 =	vsel vm1, v22, v24  }
0xf9: {  	v55 =	vld [tilespmem:$0xE50];
	vm2 =	vgt.s32 v27, v28;
	vm1 =	vgt.s32 v22, v25  }
0xfa: {  	v10 =	vld [tilespmem:$0xE30];
	v59 =	vsel vm2, v27, v28;
	v22 =	vsel vm1, v22, v25  }
0xfb: {  	vm2 =	vgt.s32 v59, v29;
	v11 =	vld [tilespmem:$0xDC0];
	vm1 =	vgt.s32 v22, v26  }
0xfc: {  	v9 =	vld [tilespmem:$0xEA0];
	v25 =	vsel vm2, v59, v29;
	v22 =	vsel vm1, v22, v26;
	vm1 =	vgt.s32 v38, v39  }
0xfd: {  	v15 =	vld [tilespmem:$0xE40];
	vm2 =	vgt.s32 v25, v30;
	v63 =	vsel vm1, v38, v39;
	vm1 =	vgt.s32 v46, v57  }
0xfe: {  	v17 =	vld [tilespmem:$0xA50];
	v25 =	vsel vm2, v25, v30;
	vm2 =	vgt.s32 v63, v40;
	v23 =	vsel vm1, v46, v57  }
0xff: {  	v18 =	vld [tilespmem:$0xB30];
	vm1 =	vgt.s32 v25, v31;
	v29 =	vsel vm2, v63, v40;
	vm2 =	vgt.s32 v23, v47  }
0x100: {  	v19 =	vld [tilespmem:$0xC10];
	v25 =	vsel vm1, v25, v31;
	vm1 =	vgt.s32 v29, v56;
	v23 =	vsel vm2, v23, v47  }
0x101: {  	v20 =	vld [tilespmem:$0xCF0];
	vm2 =	vgt.s32 v25, v32;
	v16 =	vsel vm1, v29, v56;
	vm1 =	vgt.s32 v23, v58  }
0x102: {  	v21 =	vld [tilespmem:$0xDD0];
	v25 =	vsel vm2, v25, v32;
	vm2 =	vgt.s32 v16, v41;
	v23 =	vsel vm1, v23, v58  }
0x103: {  	v13 =	vld [tilespmem:$0xEB0];
	vm1 =	vgt.s32 v25, v33;
	v16 =	vsel vm2, v16, v41;
	vm2 =	vgt.s32 v23, v48  }
0x104: {  	v59 =	vld [tilespmem:$0x920];
	v25 =	vsel vm1, v25, v33;
	vm1 =	vgt.s32 v16, v17;
	v23 =	vsel vm2, v23, v48  }
0x105: {  	v30 =	vld [tilespmem:$0xCA0];
	vm2 =	vgt.s32 v25, v34;
	v16 =	vsel vm1, v16, v17;
	vm1 =	vgt.s32 v23, v60  }
0x106: {  	v38 =	vld [tilespmem:$0xD30];
	v25 =	vsel vm2, v25, v34;
	vm2 =	vgt.s32 v16, v42;
	v23 =	vsel vm1, v23, v60  }
0x107: {  	v39 =	vld [tilespmem:$0xD90];
	vm1 =	vgt.s32 v25, v35;
	v16 =	vsel vm2, v16, v42;
	vm2 =	vgt.s32 v23, v61  }
0x108: {  	v57 =	vld [tilespmem:$0x840];
	v25 =	vsel vm1, v25, v35;
	vm1 =	vgt.s32 v16, v18;
	v23 =	vsel vm2, v23, v61  }
0x109: {  	v46 =	vld [tilespmem:$0x860];
	vm2 =	vgt.s32 v25, v36;
	v16 =	vsel vm1, v16, v18;
	vm1 =	vgt.s32 v23, v62  }
0x10a: {  	v47 =	vld [tilespmem:$0x8D0];
	v25 =	vsel vm2, v25, v36;
	vm2 =	vgt.s32 v16, v43;
	v23 =	vsel vm1, v23, v62  }
0x10b: {  	v56 =	vld [tilespmem:$0xEC0];
	vm1 =	vgt.s32 v25, v37;
	v16 =	vsel vm2, v16, v43;
	vm2 =	vgt.s32 v23, v49  }
0x10c: {  	v32 =	vld [tilespmem:$0xBE0];
	v25 =	vsel vm1, v25, v37;
	vm1 =	vgt.s32 v16, v19;
	v23 =	vsel vm2, v23, v49  }
0x10d: {  	v58 =	vld [tilespmem:$0x8B0];
	vm2 =	vgt.s32 v25, v14;
	v16 =	vsel vm1, v16, v19;
	vm1 =	vgt.s32 v23, v50  }
0x10e: {  	v33 =	vld [tilespmem:$0xC40];
	v14 =	vsel vm2, v25, v14;
	vm2 =	vgt.s32 v16, v44;
	v23 =	vsel vm1, v23, v50  }
0x10f: {  	v48 =	vld [tilespmem:$0x930];
	vm1 =	vgt.s32 v14, v12;
	v16 =	vsel vm2, v16, v44;
	vm2 =	vgt.s32 v23, v51  }
0x110: {  	v34 =	vld [tilespmem:$0xC50];
	v12 =	vsel vm1, v14, v12;
	vm1 =	vgt.s32 v16, v20;
	v63 =	vsel vm2, v23, v51  }
0x111: {  	v60 =	vld [tilespmem:$0x990];
	vm2 =	vgt.s32 v12, v11;
	v20 =	vsel vm1, v16, v20;
	vm1 =	vgt.s32 v63, v52  }
0x112: {  	v35 =	vld [tilespmem:$0xAE0];
	v40 =	vsel vm2, v12, v11;
	vm2 =	vgt.s32 v20, v45;
	v14 =	vsel vm1, v63, v52  }
0x113: {  	v61 =	vld [tilespmem:$0xA00];
	vm1 =	vgt.s32 v40, v10;
	v20 =	vsel vm2, v20, v45;
	vm2 =	vgt.s32 v14, v53  }
0x114: {  	v36 =	vld [tilespmem:$0xB50];
	v41 =	vsel vm1, v40, v10;
	vm1 =	vgt.s32 v20, v21;
	v29 =	vsel vm2, v14, v53  }
0x115: {  	v42 =	vshra.s32 v22, $0x1F;
	v62 =	vld [tilespmem:$0xA70];
	v20 =	vsel vm1, v20, v21;
	vm1 =	vgt.s32 v29, v54  }
0x116: {  	v43 =	vld [tilespmem:$0x850];
	v14 =	vor.u32 v42, v22;
	vm2 =	vgt.s32 v20, v15;
	v44 =	vsel vm1, v29, v54  }
0x117: {  	v45 =	vld [tilespmem:$0x8C0];
	vm1 =	vgt.s32 v41, v9;
	v15 =	vsel vm2, v20, v15;
	vm2 =	vgt.s32 v44, v55  }
0x118: {  	v37 =	vld [tilespmem:$0xD20];
	v9 =	vsel vm1, v41, v9;
	vm1 =	vgt.s32 v15, v13;
	v22 =	vsel vm2, v44, v55  }
0x119: {  	v19 =	vld [tilespmem:$0xBC0];
	v31 =	vshra.s32 v9, $0x1F;
	v13 =	vsel vm1, v15, v13;
	vm1 =	vgt.s32 v22, v56  }
0x11a: {  	v50 =	vld [tilespmem:$0x940];
	v9 =	vor.u32 v31, v9;
	v49 =	vshra.s32 v13, $0x1F;
	v22 =	vsel vm1, v22, v56  }
0x11b: {  	v52 =	vld [tilespmem:$0x9A0];
	vm1 =	vgt.s32 v57, v58;
	v13 =	vor.u32 v49, v13;
	v51 =	vshra.s32 v22, $0x1F  }
0x11c: {  	v53 =	vld [tilespmem:$0x9B0];
	v17 =	vsel vm1, v57, v58;
	vm1 =	vgt.s32 v43, v45;
	v22 =	vor.u32 v51, v22  }
0x11d: {  	v54 =	vld [tilespmem:$0xA10];
	vm2 =	vgt.s32 v17, v59;
	v21 =	vsel vm1, v43, v45;
	vm1 =	vgt.s32 v46, v47  }
0x11e: {  	v55 =	vld [tilespmem:$0xA20];
	v17 =	vsel vm2, v17, v59;
	vm2 =	vgt.s32 v21, v48;
	v20 =	vsel vm1, v46, v47  }
0x11f: {  	v56 =	vld [tilespmem:$0xA80];
	vm1 =	vgt.s32 v17, v60;
	v15 =	vsel vm2, v21, v48;
	vm2 =	vgt.s32 v20, v50  }
0x120: {  	v57 =	vld [tilespmem:$0xA90];
	v17 =	vsel vm1, v17, v60;
	vm1 =	vgt.s32 v15, v52;
	v20 =	vsel vm2, v20, v50  }
0x121: {  	v58 =	vld [tilespmem:$0xAF0];
	vm2 =	vgt.s32 v17, v61;
	v15 =	vsel vm1, v15, v52;
	vm1 =	vgt.s32 v20, v53  }
0x122: {  	v60 =	vld [tilespmem:$0xB00];
	v17 =	vsel vm2, v17, v61;
	vm2 =	vgt.s32 v15, v54;
	v59 =	vsel vm1, v20, v53  }
0x123: {  	v61 =	vld [tilespmem:$0xB60];
	vm1 =	vgt.s32 v17, v62;
	v15 =	vsel vm2, v15, v54;
	vm2 =	vgt.s32 v59, v55  }
0x124: {  	v17 =	vsel vm1, v17, v62;
	vm1 =	vgt.s32 v15, v56;
	v18 =	vsel vm2, v59, v55;
	v62 =	vld [tilespmem:$0xB70]  }
0x125: {  	v63 =	vld [tilespmem:$0xBD0];
	vm2 =	vgt.s32 v17, v35;
	v15 =	vsel vm1, v15, v56;
	vm1 =	vgt.s32 v18, v57  }
0x126: {  	v25 =	vld [tilespmem:$0xC30];
	v17 =	vsel vm2, v17, v35;
	vm2 =	vgt.s32 v15, v58;
	v18 =	vsel vm1, v18, v57  }
0x127: {  	v23 =	vld [tilespmem:$0xD10];
	vm1 =	vgt.s32 v17, v36;
	v15 =	vsel vm2, v15, v58;
	vm2 =	vgt.s32 v18, v60  }
0x128: {  	v16 =	vld [tilespmem:$0xD80];
	v17 =	vsel vm1, v17, v36;
	vm1 =	vgt.s32 v15, v61;
	v18 =	vsel vm2, v18, v60  }
0x129: {  	v35 =	vld [tilespmem:$0xCB0];
	vm2 =	vgt.s32 v17, v19;
	v15 =	vsel vm1, v15, v61;
	vm1 =	vgt.s32 v18, v62  }
0x12a: {  	v36 =	vld [tilespmem:$0xCC0];
	v17 =	vsel vm2, v17, v19;
	vm2 =	vgt.s32 v15, v63;
	v18 =	vsel vm1, v18, v62  }
0x12b: {  	v12 =	vld [tilespmem:$0xDF0];
	vm1 =	vgt.s32 v17, v25;
	v15 =	vsel vm2, v15, v63;
	vm2 =	vgt.s32 v18, v32  }
0x12c: {  	v11 =	vld [tilespmem:$0xE60];
	v17 =	vsel vm1, v17, v25;
	vm1 =	vgt.s32 v15, v33;
	v18 =	vsel vm2, v18, v32  }
0x12d: {  	v10 =	vld [tilespmem:$0xED0];
	vm2 =	vgt.s32 v17, v30;
	v15 =	vsel vm1, v15, v33;
	vm1 =	vgt.s32 v18, v34  }
0x12e: {  	v40 =	vld [tilespmem:$0xDA0];
	v17 =	vsel vm2, v17, v30;
	vm2 =	vgt.s32 v15, v35;
	v18 =	vsel vm1, v18, v34  }
0x12f: {  	v41 =	vld [tilespmem:$0xE00];
	vm1 =	vgt.s32 v17, v23;
	v15 =	vsel vm2, v15, v35;
	vm2 =	vgt.s32 v18, v36  }
0x130: {  	v42 =	vld [tilespmem:$0xE10];
	v17 =	vsel vm1, v17, v23;
	vm1 =	vgt.s32 v15, v37;
	v18 =	vsel vm2, v18, v36  }
0x131: {  	v43 =	vld [tilespmem:$0xE70];
	vm2 =	vgt.s32 v17, v16;
	v15 =	vsel vm1, v15, v37;
	vm1 =	vgt.s32 v18, v38  }
0x132: {  	v45 =	vld [tilespmem:$0xE80];
	v16 =	vsel vm2, v17, v16;
	vm2 =	vgt.s32 v15, v39;
	v44 =	vsel vm1, v18, v38  }
0x133: {  	v46 =	vld [tilespmem:$0xEE0];
	vm1 =	vgt.s32 v16, v12;
	v15 =	vsel vm2, v15, v39;
	vm2 =	vgt.s32 v44, v40  }
0x134: {  	v48 =	vld [tilespmem:$0xEF0];
	v12 =	vsel vm1, v16, v12;
	v47 =	vsel vm2, v44, v40;
	vm1 =	vgt.s32 v15, v41  }
0x135: {  	v15 =	vsel vm1, v15, v41;
	vm1 =	vgt.s32 v12, v11;
	vm2 =	vgt.s32 v47, v42  }
0x136: {  	v11 =	vsel vm1, v12, v11;
	v49 =	vsel vm2, v47, v42;
	vm1 =	vgt.s32 v15, v43  }
0x137: {  	[tilespmem:$0xF00] =	vst v14;
	v50 =	vsel vm1, v15, v43;
	vm1 =	vgt.s32 v11, v10;
	vm2 =	vgt.s32 v49, v45  }
0x138: {  	[tilespmem:$0xF10] =	vst v9;
	v9 =	vsel vm1, v11, v10;
	vm1 =	vgt.s32 v50, v46;
	v10 =	vsel vm2, v49, v45  }
0x139: {  	[tilespmem:$0xF20] =	vst v13;
	v11 =	vshra.s32 v9, $0x1F;
	v51 =	vsel vm1, v50, v46;
	vm1 =	vgt.s32 v10, v48  }
0x13a: {  	[tilespmem:$0xF30] =	vst v22;
	v9 =	vor.u32 v11, v9;
	v11 =	vshra.s32 v51, $0x1F;
	v10 =	vsel vm1, v10, v48  }
0x13b: {  	[tilespmem:$0xF40] =	vst v9;
	v9 =	vor.u32 v11, v51;
	v11 =	vshra.s32 v10, $0x1F  }
0x13c: {  	[tilespmem:$0xF50] =	vst v9;
	v9 =	vor.u32 v11, v10  }
0x13d: {  	[tilespmem:$0xF60] =	vst v9  }
0x13e: {  	[spmem:s6] =	stream.linear.scatter [tilespmem:s17], [sflag:$0x2], $0x70, $0x38;
	[tilespmem:$0x4980] =	vst v63  }
0x13f: {  	_ =	swait.ge [sflag:s15], $0x70  }
0x140: {  	[sflag:s15] =	ssyncset.done $0x0  }
0x141: {  	[sflag:s15] =	ssyncadd.s32 $0xFFFFFF90  }
0x142: {  	[bflag:$0x0] =	sbarrier.arrive $0xFFFF  }
0x143: {  	[tilespmem:s18], [sflag:$0x2] =	stream.linear.gather [spmem:s7], $0x70, $0x38;
	[tilespmem:$0x4980] =	vst v63  }
0x144: {  	_ =	swait.ge [sflag:s15], $0x70  }
0x145: {  	[sflag:s15] =	ssyncset.done $0x0  }
0x146: {  	[sflag:s15] =	ssyncadd.s32 $0xFFFFFF90  }
0x147: {  	v9 =	vld [tilespmem:$0xF00]  }
0x148: {  	v10 =	vld [tilespmem:$0xF80]  }
0x149: {  	v11 =	vld [tilespmem:$0xF10]  }
0x14a: {  	v52 =	vld [tilespmem:$0xF90];
	_ =	sdelay $0x1  }
0x14b: {  	v53 =	vld [tilespmem:$0xF20]  }
0x14c: {  	v54 =	vld [tilespmem:$0xFA0]  }
0x14d: {  	v55 =	vld [tilespmem:$0xF30]  }
0x14e: {  	v56 =	vld [tilespmem:$0xF40];
	vm1 =	vgt.s32 v9, v10;
	vm2 =	vgt.s32 v11, v52  }
0x14f: {  	v9 =	vsel vm1, v9, v10;
	v10 =	vld [tilespmem:$0xFB0];
	v11 =	vsel vm2, v11, v52  }
0x150: {  	v57 =	vld [tilespmem:$0xFC0];
	vm1 =	vgt.s32 v9, $0x0;
	vm3 =	vgt.s32 v9, $0xFFFFFFFF;
	vm2 =	vgt.s32 v11, $0xFFFFFFFF  }
0x151: {  	v9 =	vnsel vm1, $0x0, v9;
	v58 =	vsel vm3, $0x3F800000, v5;
	vm1 =	vgt.s32 v53, v54  }
0x152: {  	v60 =	vld [tilespmem:$0xF50];
	v59 =	vsel vm2, $0x3F800000, v5;
	v13 =	vsel vm1, v53, v54;
	vm1 =	vgt.s32 v11, $0x0  }
0x153: {  	v61 =	vld [tilespmem:$0xFD0];
	v9 =	vadd.s32 v2, v9;
	[tilespmem:$0x1080] =	vst v58;
	v11 =	vnsel vm1, $0x0, v11;
	vm1 =	vgt.s32 v13, $0x0  }
0x154: {  	v62 =	vld [tilespmem:$0xF60];
	[tilespmem:$0x1000] =	vst v9;
	vm2 =	vgt.s32 v13, $0xFFFFFFFF;
	v9 =	vnsel vm1, $0x0, v13;
	vm1 =	vgt.s32 v55, v10  }
0x155: {  	v63 =	vld [tilespmem:$0xFE0];
	[tilespmem:$0x1090] =	vst v59;
	v11 =	vadd.s32 v2, v11;
	v10 =	vsel vm1, v55, v10;
	vm1 =	vgt.s32 v56, v57  }
0x156: {  	[tilespmem:$0x1010] =	vst v11;
	v11 =	vsel vm2, $0x3F800000, v5;
	v12 =	vsel vm1, v56, v57;
	vm1 =	vgt.s32 v10, $0x0  }
0x157: {  	v9 =	vadd.s32 v2, v9;
	[tilespmem:$0x10A0] =	vst v11;
	vm2 =	vgt.s32 v10, $0xFFFFFFFF;
	v10 =	vnsel vm1, $0x0, v10  }
0x158: {  	[tilespmem:$0x1020] =	vst v9;
	v9 =	vsel vm2, $0x3F800000, v5;
	vm1 =	vgt.s32 v12, $0x0;
	vm2 =	vgt.s32 v12, $0xFFFFFFFF  }
0x159: {  	v10 =	vadd.s32 v2, v10;
	[tilespmem:$0x10B0] =	vst v9;
	v9 =	vnsel vm1, $0x0, v12;
	vm1 =	vgt.s32 v60, v61  }
0x15a: {  	vm3 =	vgt.s32 v62, v63;
	v11 =	vsel vm2, $0x3F800000, v5;
	[tilespmem:$0x1030] =	vst v10;
	v10 =	vsel vm1, v60, v61  }
0x15b: {  	v9 =	vadd.s32 v2, v9;
	[tilespmem:$0x10C0] =	vst v11;
	vm1 =	vgt.s32 v10, $0xFFFFFFFF;
	vm2 =	vgt.s32 v10, $0x0  }
0x15c: {  	v11 =	vsel vm3, v62, v63;
	[tilespmem:$0x1040] =	vst v9;
	v9 =	vsel vm1, $0x3F800000, v5;
	v10 =	vnsel vm2, $0x0, v10  }
0x15d: {  	vm1 =	vgt.s32 v11, $0xFFFFFFFF;
	vm2 =	vgt.s32 v11, $0x0;
	[tilespmem:$0x10D0] =	vst v9;
	v9 =	vadd.s32 v2, v10  }
0x15e: {  	v10 =	vsel vm1, $0x3F800000, v5;
	[tilespmem:$0x1050] =	vst v9;
	v9 =	vnsel vm2, $0x0, v11  }
0x15f: {  	[tilespmem:$0x10E0] =	vst v10;
	v9 =	vadd.s32 v2, v9  }
0x160: {  	[tilespmem:$0x1060] =	vst v9  }
0x161: {  	v9 =	vld [tilespmem:s4+$0x1000];
	_ =	sdelay $0x4  }
0x162: {  	v10 =	vshll.u32 v9, $0x1  }
0x163: {  	v9 =	vand.u32 $0x7, v9;
	v10 =	vand.u32 $0xFFFFFFF0, v10  }
0x164: {  	v9 =	vor.u32 v9, v10  }
0x165: {  	v10 =	vperm.xlane v9, v6;
	_ =	sdelay $0x1  }
0x166: {  	v9 =	vperm.xlane v9, v8;
	v10 =	vadd.s32 v7, v10;
	_ =	sdelay $0x1  }
0x167: {  	v9 =	vadd.s32 v7, v9;
	_ =	sdelay $0x2  }
0x168: {  	[tilespmem:s19], [sflag:$0x1] =	stream.indirect_vreg.gather [hbm4b:s0+s3], $0x80, v10, vm0, $0xb8;
	[tilespmem:$0x4980] =	vst v63  }
0x169: {  	_ = 	snop  }
0x16a: {  	[tilespmem:s20], [sflag:$0x1] =	stream.indirect_vreg.gather [hbm4b:s0+s3], $0x80, v9, vm0, $0xb8;
	[tilespmem:$0x4980] =	vst v63  }
0x16b: {  	v9 =	vld [tilespmem:s4+$0x1010];
	_ =	sdelay $0x4  }
0x16c: {  	v10 =	vshll.u32 v9, $0x1  }
0x16d: {  	v9 =	vand.u32 $0x7, v9;
	v10 =	vand.u32 $0xFFFFFFF0, v10  }
0x16e: {  	v9 =	vor.u32 v9, v10  }
0x16f: {  	v10 =	vperm.xlane v9, v6;
	_ =	sdelay $0x1  }
0x170: {  	v9 =	vperm.xlane v9, v8;
	v10 =	vadd.s32 v7, v10;
	_ =	sdelay $0x1  }
0x171: {  	v9 =	vadd.s32 v7, v9;
	_ =	sdelay $0x2  }
0x172: {  	[tilespmem:s21], [sflag:$0x1] =	stream.indirect_vreg.gather [hbm4b:s0+s3], $0x80, v10, vm0, $0xb8;
	[tilespmem:$0x4980] =	vst v63  }
0x173: {  	_ = 	snop  }
0x174: {  	[tilespmem:s22], [sflag:$0x1] =	stream.indirect_vreg.gather [hbm4b:s0+s3], $0x80, v9, vm0, $0xb8;
	[tilespmem:$0x4980] =	vst v63  }
0x175: {  	v9 =	vld [tilespmem:s4+$0x1020];
	_ =	sdelay $0x4  }
0x176: {  	v10 =	vshll.u32 v9, $0x1  }
0x177: {  	v9 =	vand.u32 $0x7, v9;
	v10 =	vand.u32 $0xFFFFFFF0, v10  }
0x178: {  	v9 =	vor.u32 v9, v10  }
0x179: {  	v10 =	vperm.xlane v9, v6;
	_ =	sdelay $0x1  }
0x17a: {  	v9 =	vperm.xlane v9, v8;
	v10 =	vadd.s32 v7, v10;
	_ =	sdelay $0x1  }
0x17b: {  	v9 =	vadd.s32 v7, v9;
	_ =	sdelay $0x2  }
0x17c: {  	[tilespmem:s23], [sflag:$0x1] =	stream.indirect_vreg.gather [hbm4b:s0+s3], $0x80, v10, vm0, $0xb8;
	[tilespmem:$0x4980] =	vst v63  }
0x17d: {  	_ = 	snop  }
0x17e: {  	[tilespmem:s24], [sflag:$0x1] =	stream.indirect_vreg.gather [hbm4b:s0+s3], $0x80, v9, vm0, $0xb8;
	[tilespmem:$0x4980] =	vst v63  }
0x17f: {  	v9 =	vld.msk [tilespmem:s4+$0x1030], $0xff;
	_ =	sdelay $0x4  }
0x180: {  	v10 =	vshll.u32 v9, $0x1  }
0x181: {  	v9 =	vand.u32 $0x7, v9;
	v10 =	vand.u32 $0xFFFFFFF0, v10  }
0x182: {  	v9 =	vor.u32 v9, v10  }
0x183: {  	v9 =	vperm.xlane v9, v6;
	_ =	sdelay $0x1  }
0x184: {  	v9 =	vadd.s32 v7, v9;
	_ =	sdelay $0x4  }
0x185: {  	[tilespmem:s25], [sflag:$0x1] =	stream.indirect_vreg.gather [hbm4b:s0+s3], $0x80, v9, vm0, $0xb8;
	[tilespmem:$0x4980] =	vst v63  }
0x186: {  	_ =	swait.ge [sflag:s26], $0x3800  }
0x187: {  	[sflag:s26] =	ssyncset.done $0x0  }
0x188: {  	[sflag:s26] =	ssyncadd.s32 $0xFFFFC800  }
0x189: {  	[hbm4b:s8+s3] =	stream.linear.scatter [tilespmem:s19], [sflag:$0x2], $0x3800, $0x38;
	[tilespmem:$0x4980] =	vst v63  }
0x18a: {  	_ =	swait.ge [sflag:s15], $0x3800  }
0x18b: {  	s1 =	simm.s32 @!p0 $0x0;
	s28 =	sadd.s32 $0x1, s28;
	[sflag:s15] =	ssyncset.done $0x0  }
0x18c: {  	s29 =	simm.s32 @!p0 $0x1080;
	p1 =	sne.s32 s28, s10;
	[sflag:s15] =	ssyncadd.s32 $0xFFFFC800  }
0x18d: {  	[hbm4b:s9+s1] =	stream.linear.scatter @!p0 [tilespmem:s29], [sflag:$0x2], $0x80, $0x38;
	[tilespmem:$0x4980] =	vst v63  }
.Ltmp1:
0x18e: {  	_ = 	snop;
	(pc) =	sbr.rel @p1 .LBB2_1-.Ltmp1, $4  }
0x18f: {  	s1 =	simm.s32 @!p0 $0x2  }
0x190: {  	_ =	swait.ge @!p0 [sflag:s1], $0x80  }
0x191: {  	[sflag:s1] =	ssyncset.done @!p0 $0x0  }
0x192: {  	[sflag:s1] =	ssyncadd.s32 @!p0 $0xFFFFFF80  }
0x193: {  	_ =	sfence.sel $0x180000  }
0x194: {  	[bflag:$0x0] =	sbarrier.arrive $0xFFFF  }
0x195: {  	_ =	strace $0x90000047  }
0x196: {  	[bflag:$0x2] =	sbarrier.arrive $0xFFFF  }
0x197: {  	p0 =	sne.s32 s2, $0x0;
	s0 =	rddreg [dreg:$0x5]  }
0x198: {  	s0 =	sadd.s32 @!p0 $0x100000, s0  }
0x199: {  	[sflag:s0] =	ssyncadd.tile.s32 @!p0 $0x1;
	_ =	shalt  }
.Lfunc_end2:
_tile_overlayer_lowered:
.L_overlay_start_2:
0x19a: {  	(tag) =	ssettag $0x2  }
0x19b: {  	s0 =	rddreg [dreg:$0x0];
	s2 =	stileid.u32  }
0x19c: {  	s1 =	rddreg [dreg:$0x1];
	p0 =	sne.s32 s2, $0x0  }
0x19d: {  	s3 =	rddreg [dreg:$0x2];
	[bflag:$0x3] =	sbarrier.arrive $0xFFFF;
	s2 =	simm.s32 @!p0 $0x1C02  }
0x19e: {  	[timem:s3], [sflag:s2] =	dma.local @!p0 [hbm:s0], s1  }
0x19f: {  	s0 =	simm.s32 @!p0 $0x2  }
0x1a0: {  	_ =	swait.ge @!p0 [sflag:s0], s1  }
0x1a1: {  	s1 =	ssub.s32 @!p0 $0x0, s1;
	[sflag:s0] =	ssyncset.done @!p0 $0x0  }
0x1a2: {  	[sflag:s0] =	ssyncadd.s32 @!p0 s1  }
0x1a3: {  	[bflag:$0x3] =	sbarrier.arrive $0xFFFF  }
0x1a4: {  	_ =	shalt  }

</sc_bundles>
